<compile_context>
chip_gen: v7x
topology: tpu7x:2x2x1
jax: 0.10.2.dev20260603
libtpu: 0.0.44.dev20260713+nightly
codegen_flags: <defaults>
</compile_context>

<pallas_src>
import functools

import jax
import jax.numpy as jnp
from jax import lax
from jax.experimental import pallas as pl
from jax.experimental.pallas import tpu as pltpu
from jax.experimental.pallas import tpu_sc as plsc

N = 10000
NP = 10240
E = 320000
D = 128
F = 16
NTILE = 16
CHUNK = 1024
NCHUNK = 20
EPT = NCHUNK * CHUNK
EP = EPT * NTILE
NPT = NP // NTILE
G2 = 2 * NP

_mesh = plsc.VectorSubcoreMesh(core_axis_name="core", subcore_axis_name="subcore")

_sc_params = pltpu.CompilerParams(
    needs_layout_passes=False, use_tc_tiling_on_sc=False)


@functools.partial(
    pl.kernel,
    out_type=jax.ShapeDtypeStruct((2, F), jnp.float32),
    mesh=_mesh,
    scratch_types=[
        pltpu.VMEM((EPT,), jnp.int32),
        pltpu.VMEM((EPT,), jnp.int32),
        pltpu.VMEM((CHUNK,), jnp.float32),
        pltpu.VMEM((CHUNK,), jnp.float32),
        pltpu.VMEM((CHUNK, F), jnp.float32),
        pltpu.VMEM((CHUNK, F), jnp.float32),
        pltpu.VMEM((NPT, F), jnp.float32),
        pltpu.VMEM((NPT, F), jnp.float32),
        pltpu.VMEM((NPT // 8, 128), jnp.float32),
        pltpu.VMEM((NPT,), jnp.float32),
        pltpu.VMEM((NPT,), jnp.float32),
        pltpu.VMEM((CHUNK,), jnp.float32),
        pltpu.VMEM((F, F), jnp.float32),
        pltpu.VMEM_SHARED((NP,), jnp.float32),
        pltpu.VMEM_SHARED((NP,), jnp.float32),
        pltpu.VMEM_SHARED((NP, F), jnp.float32),
        pltpu.VMEM_SHARED((NP, F), jnp.float32),
        pltpu.VMEM_SHARED((F, F), jnp.float32),
        pltpu.SemaphoreType.DMA,
        pltpu.SemaphoreType.DMA,
        pltpu.SemaphoreType.DMA,
    ],
    compiler_params=_sc_params,
)
def _sc_mega(ei_hbm, h_hbm, b_hbm, s_hbm,
             src_v, dst_v, tv0_v, tv1_v, rows0_v, rows1_v, hrows_v, hn_v,
             hbuf_v, degn_v, dinvn_v, ones_v, psum_v, t_sh, dinv_sh, acc_sh,
             g_sh, part_sh, gsem, ssem, tsem):
    c = lax.axis_index("core")
    s = lax.axis_index("subcore")
    base = c * NP + s * NPT
    lbase = s * NPT

    @pl.loop(0, CHUNK // 16)
    def _(i):
        ones_v[pl.ds(i * 16, 16)] = jnp.full((16,), 1.0, jnp.float32)

    @pl.loop(0, NPT)
    def _(i):
        hrows_v[i, :] = jnp.zeros((F,), jnp.float32)

    @pl.loop(0, NPT // 16)
    def _(i):
        degn_v[pl.ds(i * 16, 16)] = jnp.zeros((16,), jnp.float32)

    pltpu.sync_copy(degn_v, t_sh.at[pl.ds(lbase, NPT)])
    pltpu.sync_copy(hrows_v, acc_sh.at[pl.ds(lbase, NPT)])
    pltpu.sync_copy(ei_hbm.at[c, 0, pl.ds(s * EPT, EPT)], src_v)
    pltpu.sync_copy(ei_hbm.at[c, 1, pl.ds(s * EPT, EPT)], dst_v)
    plsc.subcore_barrier()

    @pl.loop(0, NCHUNK)
    def _(j):
        pltpu.async_copy(ones_v, t_sh.at[dst_v.at[pl.ds(j * CHUNK, CHUNK)]],
                         ssem, add=True)

    @pl.loop(0, NCHUNK)
    def _(j):
        pltpu.make_async_copy(ones_v, t_sh.at[dst_v.at[pl.ds(0, CHUNK)]],
                              ssem).wait()

    plsc.subcore_barrier()

    pltpu.sync_copy(t_sh.at[pl.ds(lbase, NPT)], degn_v)

    @pl.loop(0, NPT // 16)
    def _(i):
        x = degn_v[pl.ds(i * 16, 16)] + 1.0
        bits = lax.bitcast_convert_type(x, jnp.int32)
        y = lax.bitcast_convert_type(0x5F3759DF - (bits >> 1), jnp.float32)
        half_x = 0.5 * x
        y = y * (1.5 - half_x * y * y)
        y = y * (1.5 - half_x * y * y)
        y = y * (1.5 - half_x * y * y)
        dinvn_v[pl.ds(i * 16, 16)] = y
        degn_v[pl.ds(i * 16, 16)] = jnp.zeros((16,), jnp.float32)

    pltpu.sync_copy(dinvn_v, dinv_sh.at[pl.ds(lbase, NPT)])
    pltpu.sync_copy(degn_v, t_sh.at[pl.ds(lbase, NPT)])

    @pl.loop(0, 8)
    def _(q):
        pltpu.sync_copy(h_hbm.at[c, pl.ds(lbase + q * (NPT // 8), NPT // 8)],
                        hbuf_v)

        @pl.loop(0, NPT // 128)
        def _(i):
            dv = dinvn_v[pl.ds(q * (NPT // 8) + i * 16, 16)]
            for k in range(16):
                r = q * (NPT // 8) + i * 16 + k
                hrow = hbuf_v[i * 16 + k, 0:F]
                hn_v[r, :] = hrow
                hrows_v[r, :] = hrow * dv[k]

    pltpu.sync_copy(hrows_v, g_sh.at[pl.ds(lbase, NPT)])
    plsc.subcore_barrier()

    def gather_start(jj, buf, tbuf):
        sl = pl.ds(jj * CHUNK, CHUNK)
        pltpu.async_copy(g_sh.at[src_v.at[sl]], buf, gsem)
        pltpu.async_copy(dinv_sh.at[dst_v.at[sl]], tbuf, tsem)

    def gather_wait(buf, tbuf):
        pltpu.make_async_copy(g_sh.at[src_v.at[pl.ds(0, CHUNK)]], buf,
                              gsem).wait()
        pltpu.make_async_copy(dinv_sh.at[dst_v.at[pl.ds(0, CHUNK)]], tbuf,
                              tsem).wait()

    def process(jj, buf, tbuf):
        sl = pl.ds(jj * CHUNK, CHUNK)
        desc = pltpu.async_copy(buf, acc_sh.at[dst_v.at[sl]], ssem, add=True)
        pltpu.sync_copy(tbuf, t_sh.at[src_v.at[sl]], add=True)
        desc.wait()

    gather_start(0, rows0_v, tv0_v)

    @pl.loop(0, NCHUNK, step=2)
    def _(j):
        gather_wait(rows0_v, tv0_v)
        gather_start(j + 1, rows1_v, tv1_v)
        process(j, rows0_v, tv0_v)
        gather_wait(rows1_v, tv1_v)

        @pl.when(j + 2 < NCHUNK)
        def _():
            gather_start(j + 2, rows0_v, tv0_v)

        process(j + 1, rows1_v, tv1_v)

    plsc.subcore_barrier()

    pltpu.sync_copy(acc_sh.at[pl.ds(lbase, NPT)], hrows_v)
    pltpu.sync_copy(t_sh.at[pl.ds(lbase, NPT)], degn_v)
    pltpu.sync_copy(b_hbm.at[c], psum_v.at[0])
    bvec = psum_v[0, :]

    def body(i, s_acc):
        dv = dinvn_v[pl.ds(i * 16, 16)]
        inv = dv * dv
        node = lbase + i * 16 + lax.iota(jnp.int32, 16)
        cw = jnp.where(node < N, dv * degn_v[pl.ds(i * 16, 16)] + inv, 0.0)
        for k in range(16):
            h1 = jnp.maximum(
                dv[k] * hrows_v[i * 16 + k, :] + inv[k] * hn_v[i * 16 + k, :]
                + bvec, 0.0)
            s_acc = s_acc + cw[k] * h1
        return s_acc

    s_part = pl.loop(0, NPT // 16,
                     init_carry=jnp.zeros((16,), jnp.float32))(body)
    psum_v[1, :] = s_part
    pltpu.sync_copy(psum_v.at[1], part_sh.at[s])
    plsc.subcore_barrier()

    @pl.when(s == 0)
    def _():
        pltpu.sync_copy(part_sh, psum_v)
        tot = psum_v[0, :]
        for k in range(1, 16):
            tot = tot + psum_v[k, :]
        psum_v[0, :] = tot
        pltpu.sync_copy(psum_v.at[0], s_hbm.at[c])


def _mm_body(xp_ref, xl_ref, wp_ref, wl_ref, o_ref):
    zero = jnp.zeros((NP - N, F), jnp.float32)
    o_ref[0, 0:N, 0:F] = jnp.dot(xp_ref[...], wp_ref[...],
                                 preferred_element_type=jnp.float32)
    o_ref[0, N:NP, 0:F] = zero
    o_ref[1, 0:N, 0:F] = jnp.dot(xl_ref[...], wl_ref[...],
                                 preferred_element_type=jnp.float32)
    o_ref[1, N:NP, 0:F] = zero


def _head_body(s_ref, wpout_ref, bpout_ref, wlout_ref, blout_ref,
               w1_ref, b1_ref, w2_ref, b2_ref, w3_ref, b3_ref, act_ref,
               o_ref):
    p = jnp.dot(s_ref[0:1, :] / float(N), wpout_ref[...],
                preferred_element_type=jnp.float32) + bpout_ref[...]
    l = jnp.dot(s_ref[1:2, :] / float(N), wlout_ref[...],
                preferred_element_type=jnp.float32) + blout_ref[...]
    fp = jnp.maximum(
        jnp.dot(p, w1_ref[0:50, :], preferred_element_type=jnp.float32)
        + jnp.dot(l, w1_ref[50:100, :], preferred_element_type=jnp.float32)
        + b1_ref[...], 0.0)
    pol = (jnp.dot(fp, w2_ref[0:60, :], preferred_element_type=jnp.float32)
           + jnp.dot(act_ref[...], w2_ref[60:100, :],
                     preferred_element_type=jnp.float32)
           + b2_ref[...])
    o_ref[...] = jnp.dot(jnp.maximum(pol, 0.0), w3_ref[...],
                         preferred_element_type=jnp.float32) + b3_ref[...]


def kernel(protein_x, protein_edge_index, ligand_x, ligand_edge_index, action,
           W_pin, b_pin, W_pout, b_pout, W_lin, b_lin, W_lout, b_lout,
           W1, b1, W2, b2, W3, b3):
    f32 = jnp.float32
    eis = jnp.stack([
        jnp.pad(protein_edge_index, ((0, 0), (0, EP - E)), constant_values=N),
        jnp.pad(ligand_edge_index, ((0, 0), (0, EP - E)), constant_values=N),
    ])
    bs = jnp.stack([b_pin, b_lin])

    hs = pl.pallas_call(
        _mm_body,
        out_shape=jax.ShapeDtypeStruct((2, NP, 128), f32),
    )(protein_x, ligand_x, W_pin, W_lin)

    s_vec = _sc_mega(eis, hs, bs)

    out = pl.pallas_call(
        _head_body,
        out_shape=jax.ShapeDtypeStruct((1, 1), f32),
    )(s_vec, W_pout, b_pout.reshape(1, 50), W_lout, b_lout.reshape(1, 50),
      W1, b1.reshape(1, 60), W2, b2.reshape(1, 10), W3, b3.reshape(1, 1),
      action)
    return out

# --- scband reference (transcript-rebuilt; emitter-appended) ---
"""Pipeline reference for scband-critic-gnn-25280177504283 (READ-ONLY COPY).

The authoritative reference and input builder live on the scoring server;
editing this copy changes nothing except your own understanding.
"""

import jax, jax.numpy as jnp
import numpy as np

N = 10000
E = 320000
D = 128
A = 40

def gcn(x, ei, W, b):
    n = x.shape[0]
    loop = jnp.arange(n, dtype=ei.dtype)
    src = jnp.concatenate([ei[0], loop])
    dst = jnp.concatenate([ei[1], loop])
    deg = jnp.zeros((n,), x.dtype).at[dst].add(1.0)
    dinv = jnp.where(deg > 0, jax.lax.rsqrt(deg), 0.0)
    norm = dinv[src] * dinv[dst]
    h = x @ W
    out = jnp.zeros((n, W.shape[1]), x.dtype).at[dst].add(h[src] * norm[:, None])
    return out + b

def setup_inputs(seed: int = 0):
    key = jax.random.key(seed)
    ks = jax.random.split(key, 24)
    def u(k, shape, fan):
        v = 1.0 / np.sqrt(fan)
        return jax.random.uniform(k, shape, jnp.float32, -v, v)
    return {
        "protein_x": jax.random.normal(ks[0], (N, D), jnp.float32),
        "protein_edge_index": jax.random.randint(ks[1], (2, E), 0, N, dtype=jnp.int32),
        "ligand_x": jax.random.normal(ks[2], (N, D), jnp.float32),
        "ligand_edge_index": jax.random.randint(ks[3], (2, E), 0, N, dtype=jnp.int32),
        "action": jax.random.normal(ks[4], (1, A), jnp.float32),
        "W_pin": u(ks[5], (D, 16), D), "b_pin": jnp.zeros((16,), jnp.float32),
        "W_pout": u(ks[6], (16, 50), 16), "b_pout": jnp.zeros((50,), jnp.float32),
        "W_lin": u(ks[7], (D, 16), D), "b_lin": jnp.zeros((16,), jnp.float32),
        "W_lout": u(ks[8], (16, 50), 16), "b_lout": jnp.zeros((50,), jnp.float32),
        "W1": u(ks[9], (100, 60), 100), "b1": jnp.zeros((60,), jnp.float32),
        "W2": u(ks[10], (60 + A, 10), 60 + A), "b2": jnp.zeros((10,), jnp.float32),
        "W3": jax.random.uniform(ks[11], (10, 1), jnp.float32, -0.003, 0.003), "b3": jnp.zeros((1,), jnp.float32),
    }

def reference(protein_x, protein_edge_index, ligand_x, ligand_edge_index, action,
              W_pin, b_pin, W_pout, b_pout, W_lin, b_lin, W_lout, b_lout,
              W1, b1, W2, b2, W3, b3):
    p = gcn(protein_x, protein_edge_index, W_pin, b_pin)
    p = jax.nn.relu(p)
    # dropout is identity in eval mode
    p = gcn(p, protein_edge_index, W_pout, b_pout)
    p = jnp.mean(p, axis=0, keepdims=True)  # global_mean_pool, single graph
    l = gcn(ligand_x, ligand_edge_index, W_lin, b_lin)
    l = jax.nn.relu(l)
    l = gcn(l, ligand_edge_index, W_lout, b_lout)
    l = jnp.mean(l, axis=0, keepdims=True)
    m = jnp.concatenate([p, l], axis=1)
    fp = jax.nn.relu(m @ W1 + b1)
    pol = jnp.concatenate([fp, action], axis=1) @ W2 + b2
    pol = jax.nn.relu(pol) @ W3 + b3
    return pol

if __name__ == "__main__":
    import jax
    _d = setup_inputs()
    print(jax.jit(kernel)(*tuple(_d.values())))

</pallas_src>

<mosaic_0001>
#map = affine_map<(d0, d1) -> (0, 0, 0)>
#map1 = affine_map<(d0, d1) -> (0, 0)>
module attributes {stable_mosaic.version = 14 : i64} {
  func.func @_sc_mega(%arg0: i32, %arg1: i32, %arg2: memref<2x2x327680xi32, #tpu.memory_space<hbm>>, %arg3: memref<2x10240x128xf32, #tpu.memory_space<hbm>>, %arg4: memref<2x16xf32, #tpu.memory_space<hbm>>, %arg5: memref<2x16xf32, #tpu.memory_space<hbm>>, %arg6: memref<20480xi32, #tpu.memory_space<vmem>>, %arg7: memref<20480xi32, #tpu.memory_space<vmem>>, %arg8: memref<1024xf32, #tpu.memory_space<vmem>>, %arg9: memref<1024xf32, #tpu.memory_space<vmem>>, %arg10: memref<1024x16xf32, #tpu.memory_space<vmem>>, %arg11: memref<1024x16xf32, #tpu.memory_space<vmem>>, %arg12: memref<640x16xf32, #tpu.memory_space<vmem>>, %arg13: memref<640x16xf32, #tpu.memory_space<vmem>>, %arg14: memref<80x128xf32, #tpu.memory_space<vmem>>, %arg15: memref<640xf32, #tpu.memory_space<vmem>>, %arg16: memref<640xf32, #tpu.memory_space<vmem>>, %arg17: memref<1024xf32, #tpu.memory_space<vmem>>, %arg18: memref<16x16xf32, #tpu.memory_space<vmem>>, %arg19: memref<10240xf32, #tpu.memory_space<vmem_shared>>, %arg20: memref<10240xf32, #tpu.memory_space<vmem_shared>>, %arg21: memref<10240x16xf32, #tpu.memory_space<vmem_shared>>, %arg22: memref<10240x16xf32, #tpu.memory_space<vmem_shared>>, %arg23: memref<16x16xf32, #tpu.memory_space<vmem_shared>>, %arg24: memref<!tpu.dma_semaphore, #tpu.memory_space<semaphore_mem>>, %arg25: memref<!tpu.dma_semaphore, #tpu.memory_space<semaphore_mem>>, %arg26: memref<!tpu.dma_semaphore, #tpu.memory_space<semaphore_mem>>) attributes {dimension_semantics = [#tpu.dimension_semantics<core_parallel>, #tpu.dimension_semantics<subcore_parallel>], iteration_bounds = array<i64: 2, 16>, scalar_prefetch = 0 : i64, scratch_operands = 21 : i64, tpu.core_type = #tpu.core_type<sc_vector_subcore>, window_params = [{transform_indices = #map}, {transform_indices = #map}, {transform_indices = #map1}, {transform_indices = #map1}]} {
    %mul3A = arith.constant 10240 : i32
    %mul3A_0 = arith.muli %arg0, %mul3A : i32
    %mul3A_1 = arith.constant 640 : i32
    %mul3A_2 = arith.muli %arg1, %mul3A_1 : i32
    %add3A = arith.addi %mul3A_0, %mul3A_2 : i32
    %mul3A_3 = arith.constant 640 : i32
    %mul3A_4 = arith.muli %arg1, %mul3A_3 : i32
    %scan3A = arith.constant 0 : i32
    %scan3A_5 = arith.constant 64 : i32
    %scan3A_6 = arith.addi %scan3A, %scan3A_5 : i32
    %scan3A_7 = arith.constant 1 : i32
    scf.for %scan3A_78 = %scan3A to %scan3A_6 step %scan3A_7  : i32 {
      %mul3A_79 = arith.constant 1 : i32
      %mul3A_80 = arith.muli %scan3A_78, %mul3A_79 : i32
      %add3A_81 = arith.constant 0 : i32
      %add3A_82 = arith.addi %add3A_81, %mul3A_80 : i32
      %broadcast_in_dim3A_83 = arith.constant 1.000000e+00 : f32
      %broadcast_in_dim3A_84 = vector.broadcast %broadcast_in_dim3A_83 : f32 to vector<16xf32>
      %mul3A_85 = arith.constant 16 : i32
      %mul3A_86 = arith.muli %add3A_82, %mul3A_85 : i32
      %swap3A_87 = arith.index_cast %mul3A_86 : i32 to index
      %swap3A_88 = tpu.vector_load %arg17[%swap3A_87] {strides = array<i32>} : memref<1024xf32, #tpu.memory_space<vmem>>, vector<16xf32>,
      tpu.vector_store %arg17[%swap3A_87], %broadcast_in_dim3A_84 {strides = array<i32>} : memref<1024xf32, #tpu.memory_space<vmem>>, vector<16xf32>,
    }
    %scan3A_8 = arith.constant 64 : i32
    %scan3A_9 = arith.constant 0 : i32
    %scan3A_10 = arith.constant 640 : i32
    %scan3A_11 = arith.addi %scan3A_9, %scan3A_10 : i32
    %scan3A_12 = arith.constant 1 : i32
    scf.for %scan3A_78 = %scan3A_9 to %scan3A_11 step %scan3A_12  : i32 {
      %mul3A_79 = arith.constant 1 : i32
      %mul3A_80 = arith.muli %scan3A_78, %mul3A_79 : i32
      %add3A_81 = arith.constant 0 : i32
      %add3A_82 = arith.addi %add3A_81, %mul3A_80 : i32
      %broadcast_in_dim3A_83 = arith.constant 0.000000e+00 : f32
      %broadcast_in_dim3A_84 = vector.broadcast %broadcast_in_dim3A_83 : f32 to vector<16xf32>
      %swap3A_85 = arith.index_cast %add3A_82 : i32 to index
      %swap3A_86 = arith.constant 0 : index
      %swap3A_87 = tpu.vector_load %arg12[%swap3A_85, %swap3A_86] {strides = array<i32>} : memref<640x16xf32, #tpu.memory_space<vmem>>, vector<16xf32>,
      tpu.vector_store %arg12[%swap3A_85, %swap3A_86], %broadcast_in_dim3A_84 {strides = array<i32>} : memref<640x16xf32, #tpu.memory_space<vmem>>, vector<16xf32>,
    }
    %scan3A_13 = arith.constant 640 : i32
    %scan3A_14 = arith.constant 0 : i32
    %scan3A_15 = arith.constant 40 : i32
    %scan3A_16 = arith.addi %scan3A_14, %scan3A_15 : i32
    %scan3A_17 = arith.constant 1 : i32
    scf.for %scan3A_78 = %scan3A_14 to %scan3A_16 step %scan3A_17  : i32 {
      %mul3A_79 = arith.constant 1 : i32
      %mul3A_80 = arith.muli %scan3A_78, %mul3A_79 : i32
      %add3A_81 = arith.constant 0 : i32
      %add3A_82 = arith.addi %add3A_81, %mul3A_80 : i32
      %broadcast_in_dim3A_83 = arith.constant 0.000000e+00 : f32
      %broadcast_in_dim3A_84 = vector.broadcast %broadcast_in_dim3A_83 : f32 to vector<16xf32>
      %mul3A_85 = arith.constant 16 : i32
      %mul3A_86 = arith.muli %add3A_82, %mul3A_85 : i32
      %swap3A_87 = arith.index_cast %mul3A_86 : i32 to index
      %swap3A_88 = tpu.vector_load %arg15[%swap3A_87] {strides = array<i32>} : memref<640xf32, #tpu.memory_space<vmem>>, vector<16xf32>,
      tpu.vector_store %arg15[%swap3A_87], %broadcast_in_dim3A_84 {strides = array<i32>} : memref<640xf32, #tpu.memory_space<vmem>>, vector<16xf32>,
    }
    %scan3A_18 = arith.constant 40 : i32
    "tpu.region"() ({
      %run_scoped3A_78 = tpu.sem_alloc : memref<!tpu.dma_semaphore, #tpu.memory_space<semaphore_mem>>
      %dma_start3A_79 = tpu.memref_slice %arg19[%mul3A_4] : memref<10240xf32, #tpu.memory_space<vmem_shared>> -> memref<640xf32, #tpu.memory_space<vmem_shared>>
      %dma_start3A_80 = tpu.memref_slice %arg19[%mul3A_4] : memref<10240xf32, #tpu.memory_space<vmem_shared>> -> memref<640xf32, #tpu.memory_space<vmem_shared>>
      tpu.enqueue_dma source(%arg15 : memref<640xf32, #tpu.memory_space<vmem>>) target(%dma_start3A_80 : memref<640xf32, #tpu.memory_space<vmem_shared>>) target_semaphore(%run_scoped3A_78 : memref<!tpu.dma_semaphore, #tpu.memory_space<semaphore_mem>>)
      %dma_wait3A = tpu.memref_slice %arg19[%mul3A_4] : memref<10240xf32, #tpu.memory_space<vmem_shared>> -> memref<640xf32, #tpu.memory_space<vmem_shared>>
      %dma_wait3A_81 = tpu.memref_slice %arg19[%mul3A_4] : memref<10240xf32, #tpu.memory_space<vmem_shared>> -> memref<640xf32, #tpu.memory_space<vmem_shared>>
      tpu.wait_dma2 semaphore(%run_scoped3A_78 : memref<!tpu.dma_semaphore, #tpu.memory_space<semaphore_mem>>) src(%arg15 : memref<640xf32, #tpu.memory_space<vmem>>) dst(%dma_wait3A_81 : memref<640xf32, #tpu.memory_space<vmem_shared>>)
      tpu.yield
    }) : () -> ()
    "tpu.region"() ({
      %run_scoped3A_78 = tpu.sem_alloc : memref<!tpu.dma_semaphore, #tpu.memory_space<semaphore_mem>>
      %dma_start3A_79 = arith.constant 0 : i32
      %dma_start3A_80 = tpu.memref_slice %arg21[%mul3A_4, %dma_start3A_79] : memref<10240x16xf32, #tpu.memory_space<vmem_shared>> -> memref<640x16xf32, #tpu.memory_space<vmem_shared>>
      %dma_start3A_81 = arith.constant 0 : i32
      %dma_start3A_82 = tpu.memref_slice %arg21[%mul3A_4, %dma_start3A_81] : memref<10240x16xf32, #tpu.memory_space<vmem_shared>> -> memref<640x16xf32, #tpu.memory_space<vmem_shared>>
      tpu.enqueue_dma source(%arg12 : memref<640x16xf32, #tpu.memory_space<vmem>>) target(%dma_start3A_82 : memref<640x16xf32, #tpu.memory_space<vmem_shared>>) target_semaphore(%run_scoped3A_78 : memref<!tpu.dma_semaphore, #tpu.memory_space<semaphore_mem>>)
      %dma_wait3A = arith.constant 0 : i32
      %dma_wait3A_83 = tpu.memref_slice %arg21[%mul3A_4, %dma_wait3A] : memref<10240x16xf32, #tpu.memory_space<vmem_shared>> -> memref<640x16xf32, #tpu.memory_space<vmem_shared>>
      %dma_wait3A_84 = arith.constant 0 : i32
      %dma_wait3A_85 = tpu.memref_slice %arg21[%mul3A_4, %dma_wait3A_84] : memref<10240x16xf32, #tpu.memory_space<vmem_shared>> -> memref<640x16xf32, #tpu.memory_space<vmem_shared>>
      tpu.wait_dma2 semaphore(%run_scoped3A_78 : memref<!tpu.dma_semaphore, #tpu.memory_space<semaphore_mem>>) src(%arg12 : memref<640x16xf32, #tpu.memory_space<vmem>>) dst(%dma_wait3A_85 : memref<640x16xf32, #tpu.memory_space<vmem_shared>>)
      tpu.yield
    }) : () -> ()
    %mul3A_19 = arith.constant 20480 : i32
    %mul3A_20 = arith.muli %arg1, %mul3A_19 : i32
    %run_scoped3A = arith.constant 0 : i32
    "tpu.region"() ({
      %run_scoped3A_78 = tpu.sem_alloc : memref<!tpu.dma_semaphore, #tpu.memory_space<semaphore_mem>>
      %dma_start3A_79 = tpu.memref_slice %arg2[%arg0, %run_scoped3A, %mul3A_20] : memref<2x2x327680xi32, #tpu.memory_space<hbm>> -> memref<1x1x20480xi32, #tpu.memory_space<hbm>>
      %dma_start3A_80 = tpu.memref_squeeze %dma_start3A_79 : memref<1x1x20480xi32, #tpu.memory_space<hbm>> -> memref<20480xi32, #tpu.memory_space<hbm>>
      %dma_start3A_81 = tpu.memref_slice %arg2[%arg0, %run_scoped3A, %mul3A_20] : memref<2x2x327680xi32, #tpu.memory_space<hbm>> -> memref<1x1x20480xi32, #tpu.memory_space<hbm>>
      %dma_start3A_82 = tpu.memref_squeeze %dma_start3A_81 : memref<1x1x20480xi32, #tpu.memory_space<hbm>> -> memref<20480xi32, #tpu.memory_space<hbm>>
      tpu.enqueue_dma source(%dma_start3A_82 : memref<20480xi32, #tpu.memory_space<hbm>>) target(%arg6 : memref<20480xi32, #tpu.memory_space<vmem>>) target_semaphore(%run_scoped3A_78 : memref<!tpu.dma_semaphore, #tpu.memory_space<semaphore_mem>>)
      %dma_wait3A = tpu.memref_slice %arg2[%arg0, %run_scoped3A, %mul3A_20] : memref<2x2x327680xi32, #tpu.memory_space<hbm>> -> memref<1x1x20480xi32, #tpu.memory_space<hbm>>
      %dma_wait3A_83 = tpu.memref_squeeze %dma_wait3A : memref<1x1x20480xi32, #tpu.memory_space<hbm>> -> memref<20480xi32, #tpu.memory_space<hbm>>
      %dma_wait3A_84 = tpu.memref_slice %arg2[%arg0, %run_scoped3A, %mul3A_20] : memref<2x2x327680xi32, #tpu.memory_space<hbm>> -> memref<1x1x20480xi32, #tpu.memory_space<hbm>>
      %dma_wait3A_85 = tpu.memref_squeeze %dma_wait3A_84 : memref<1x1x20480xi32, #tpu.memory_space<hbm>> -> memref<20480xi32, #tpu.memory_space<hbm>>
      tpu.wait_dma2 semaphore(%run_scoped3A_78 : memref<!tpu.dma_semaphore, #tpu.memory_space<semaphore_mem>>) src(%dma_wait3A_85 : memref<20480xi32, #tpu.memory_space<hbm>>) dst(%arg6 : memref<20480xi32, #tpu.memory_space<vmem>>)
      tpu.yield
    }) : () -> ()
    %mul3A_21 = arith.constant 20480 : i32
    %mul3A_22 = arith.muli %arg1, %mul3A_21 : i32
    %run_scoped3A_23 = arith.constant 1 : i32
    "tpu.region"() ({
      %run_scoped3A_78 = tpu.sem_alloc : memref<!tpu.dma_semaphore, #tpu.memory_space<semaphore_mem>>
      %dma_start3A_79 = tpu.memref_slice %arg2[%arg0, %run_scoped3A_23, %mul3A_22] : memref<2x2x327680xi32, #tpu.memory_space<hbm>> -> memref<1x1x20480xi32, #tpu.memory_space<hbm>>
      %dma_start3A_80 = tpu.memref_squeeze %dma_start3A_79 : memref<1x1x20480xi32, #tpu.memory_space<hbm>> -> memref<20480xi32, #tpu.memory_space<hbm>>
      %dma_start3A_81 = tpu.memref_slice %arg2[%arg0, %run_scoped3A_23, %mul3A_22] : memref<2x2x327680xi32, #tpu.memory_space<hbm>> -> memref<1x1x20480xi32, #tpu.memory_space<hbm>>
      %dma_start3A_82 = tpu.memref_squeeze %dma_start3A_81 : memref<1x1x20480xi32, #tpu.memory_space<hbm>> -> memref<20480xi32, #tpu.memory_space<hbm>>
      tpu.enqueue_dma source(%dma_start3A_82 : memref<20480xi32, #tpu.memory_space<hbm>>) target(%arg7 : memref<20480xi32, #tpu.memory_space<vmem>>) target_semaphore(%run_scoped3A_78 : memref<!tpu.dma_semaphore, #tpu.memory_space<semaphore_mem>>)
      %dma_wait3A = tpu.memref_slice %arg2[%arg0, %run_scoped3A_23, %mul3A_22] : memref<2x2x327680xi32, #tpu.memory_space<hbm>> -> memref<1x1x20480xi32, #tpu.memory_space<hbm>>
      %dma_wait3A_83 = tpu.memref_squeeze %dma_wait3A : memref<1x1x20480xi32, #tpu.memory_space<hbm>> -> memref<20480xi32, #tpu.memory_space<hbm>>
      %dma_wait3A_84 = tpu.memref_slice %arg2[%arg0, %run_scoped3A_23, %mul3A_22] : memref<2x2x327680xi32, #tpu.memory_space<hbm>> -> memref<1x1x20480xi32, #tpu.memory_space<hbm>>
      %dma_wait3A_85 = tpu.memref_squeeze %dma_wait3A_84 : memref<1x1x20480xi32, #tpu.memory_space<hbm>> -> memref<20480xi32, #tpu.memory_space<hbm>>
      tpu.wait_dma2 semaphore(%run_scoped3A_78 : memref<!tpu.dma_semaphore, #tpu.memory_space<semaphore_mem>>) src(%dma_wait3A_85 : memref<20480xi32, #tpu.memory_space<hbm>>) dst(%arg7 : memref<20480xi32, #tpu.memory_space<vmem>>)
      tpu.yield
    }) : () -> ()
    %barrier3A = arith.constant 0 : index
    tpu.barrier barrier_id(%barrier3A)
    %scan3A_24 = arith.constant 0 : i32
    %scan3A_25 = arith.constant 20 : i32
    %scan3A_26 = arith.addi %scan3A_24, %scan3A_25 : i32
    %scan3A_27 = arith.constant 1 : i32
    scf.for %scan3A_78 = %scan3A_24 to %scan3A_26 step %scan3A_27  : i32 {
      %mul3A_79 = arith.constant 1 : i32
      %mul3A_80 = arith.muli %scan3A_78, %mul3A_79 : i32
      %add3A_81 = arith.constant 0 : i32
      %add3A_82 = arith.addi %add3A_81, %mul3A_80 : i32
      %mul3A_83 = arith.constant 1024 : i32
      %mul3A_84 = arith.muli %add3A_82, %mul3A_83 : i32
      %dma_start3A_85 = tpu.memref_slice %arg7[%mul3A_84] : memref<20480xi32, #tpu.memory_space<vmem>> -> memref<1024xi32, #tpu.memory_space<vmem>>
      %dma_start3A_86 = arith.constant 0 : i32
      %dma_start3A_87 = tpu.memref_slice %arg19[%dma_start3A_86] : memref<10240xf32, #tpu.memory_space<vmem_shared>> -> memref<10240xf32, #tpu.memory_space<vmem_shared>>
      tpu.enqueue_indirect_dma source(%arg17 : memref<1024xf32, #tpu.memory_space<vmem>>) target(%dma_start3A_87 : memref<10240xf32, #tpu.memory_space<vmem_shared>>) offsets(%dma_start3A_85 : memref<1024xi32, #tpu.memory_space<vmem>>) semaphore(%arg25 : memref<!tpu.dma_semaphore, #tpu.memory_space<semaphore_mem>>) {add = true}
    }
    %scan3A_28 = arith.constant 20 : i32
    %scan3A_29 = arith.constant 0 : i32
    %scan3A_30 = arith.constant 20 : i32
    %scan3A_31 = arith.addi %scan3A_29, %scan3A_30 : i32
    %scan3A_32 = arith.constant 1 : i32
    scf.for %scan3A_78 = %scan3A_29 to %scan3A_31 step %scan3A_32  : i32 {
      %mul3A_79 = arith.constant 1 : i32
      %mul3A_80 = arith.muli %scan3A_78, %mul3A_79 : i32
      %add3A_81 = arith.constant 0 : i32
      %add3A_82 = arith.addi %add3A_81, %mul3A_80 : i32
      %dma_wait3A = arith.constant 0 : i32
      %dma_wait3A_83 = tpu.memref_slice %arg7[%dma_wait3A] : memref<20480xi32, #tpu.memory_space<vmem>> -> memref<1024xi32, #tpu.memory_space<vmem>>
      %dma_wait3A_84 = arith.constant 0 : i32
      %dma_wait3A_85 = tpu.memref_slice %arg19[%dma_wait3A_84] : memref<10240xf32, #tpu.memory_space<vmem_shared>> -> memref<10240xf32, #tpu.memory_space<vmem_shared>>
      tpu.wait_indirect_dma semaphore(%arg25 : memref<!tpu.dma_semaphore, #tpu.memory_space<semaphore_mem>>) src(%arg17 : memref<1024xf32, #tpu.memory_space<vmem>>) dst(%dma_wait3A_85 : memref<10240xf32, #tpu.memory_space<vmem_shared>>)
    }
    %scan3A_33 = arith.constant 20 : i32
    %barrier3A_34 = arith.constant 0 : index
    tpu.barrier barrier_id(%barrier3A_34)
    "tpu.region"() ({
      %run_scoped3A_78 = tpu.sem_alloc : memref<!tpu.dma_semaphore, #tpu.memory_space<semaphore_mem>>
      %dma_start3A_79 = tpu.memref_slice %arg19[%mul3A_4] : memref<10240xf32, #tpu.memory_space<vmem_shared>> -> memref<640xf32, #tpu.memory_space<vmem_shared>>
      %dma_start3A_80 = tpu.memref_slice %arg19[%mul3A_4] : memref<10240xf32, #tpu.memory_space<vmem_shared>> -> memref<640xf32, #tpu.memory_space<vmem_shared>>
      tpu.enqueue_dma source(%dma_start3A_80 : memref<640xf32, #tpu.memory_space<vmem_shared>>) target(%arg15 : memref<640xf32, #tpu.memory_space<vmem>>) target_semaphore(%run_scoped3A_78 : memref<!tpu.dma_semaphore, #tpu.memory_space<semaphore_mem>>)
      %dma_wait3A = tpu.memref_slice %arg19[%mul3A_4] : memref<10240xf32, #tpu.memory_space<vmem_shared>> -> memref<640xf32, #tpu.memory_space<vmem_shared>>
      %dma_wait3A_81 = tpu.memref_slice %arg19[%mul3A_4] : memref<10240xf32, #tpu.memory_space<vmem_shared>> -> memref<640xf32, #tpu.memory_space<vmem_shared>>
      tpu.wait_dma2 semaphore(%run_scoped3A_78 : memref<!tpu.dma_semaphore, #tpu.memory_space<semaphore_mem>>) src(%dma_wait3A_81 : memref<640xf32, #tpu.memory_space<vmem_shared>>) dst(%arg15 : memref<640xf32, #tpu.memory_space<vmem>>)
      tpu.yield
    }) : () -> ()
    %scan3A_35 = arith.constant 0 : i32
    %scan3A_36 = arith.constant 40 : i32
    %scan3A_37 = arith.addi %scan3A_35, %scan3A_36 : i32
    %scan3A_38 = arith.constant 1 : i32
    scf.for %scan3A_78 = %scan3A_35 to %scan3A_37 step %scan3A_38  : i32 {
      %mul3A_79 = arith.constant 1 : i32
      %mul3A_80 = arith.muli %scan3A_78, %mul3A_79 : i32
      %add3A_81 = arith.constant 0 : i32
      %add3A_82 = arith.addi %add3A_81, %mul3A_80 : i32
      %mul3A_83 = arith.constant 16 : i32
      %mul3A_84 = arith.muli %add3A_82, %mul3A_83 : i32
      %get3A_85 = arith.index_cast %mul3A_84 : i32 to index
      %get3A_86 = tpu.vector_load %arg15[%get3A_85] {strides = array<i32>} : memref<640xf32, #tpu.memory_space<vmem>>, vector<16xf32>,
      %add3A_87 = arith.constant 1.000000e+00 : f32
      %add3A_88 = vector.broadcast %add3A_87 : f32 to vector<16xf32>
      %add3A_89 = arith.addf %get3A_86, %add3A_88 : vector<16xf32>
      %bitcast_convert_type3A = tpu.bitcast %add3A_89 : vector<16xf32> -> vector<16xi32>
      %shift_right_arithmetic3A = arith.constant 1 : i32
      %shift_right_arithmetic3A_90 = vector.broadcast %shift_right_arithmetic3A : i32 to vector<16xi32>
      %shift_right_arithmetic3A_91 = arith.shrsi %bitcast_convert_type3A, %shift_right_arithmetic3A_90 : vector<16xi32>
      %sub3A = arith.constant 1597463007 : i32
      %sub3A_92 = vector.broadcast %sub3A : i32 to vector<16xi32>
      %sub3A_93 = arith.subi %sub3A_92, %shift_right_arithmetic3A_91 : vector<16xi32>
      %bitcast_convert_type3A_94 = tpu.bitcast %sub3A_93 : vector<16xi32> -> vector<16xf32>
      %mul3A_95 = arith.constant 5.000000e-01 : f32
      %mul3A_96 = vector.broadcast %mul3A_95 : f32 to vector<16xf32>
      %mul3A_97 = arith.mulf %mul3A_96, %add3A_89 : vector<16xf32>
      %mul3A_98 = arith.mulf %mul3A_97, %bitcast_convert_type3A_94 : vector<16xf32>
      %mul3A_99 = arith.mulf %mul3A_98, %bitcast_convert_type3A_94 : vector<16xf32>
      %sub3A_100 = arith.constant 1.500000e+00 : f32
      %sub3A_101 = vector.broadcast %sub3A_100 : f32 to vector<16xf32>
      %sub3A_102 = arith.subf %sub3A_101, %mul3A_99 : vector<16xf32>
      %mul3A_103 = arith.mulf %bitcast_convert_type3A_94, %sub3A_102 : vector<16xf32>
      %mul3A_104 = arith.mulf %mul3A_97, %mul3A_103 : vector<16xf32>
      %mul3A_105 = arith.mulf %mul3A_104, %mul3A_103 : vector<16xf32>
      %sub3A_106 = arith.constant 1.500000e+00 : f32
      %sub3A_107 = vector.broadcast %sub3A_106 : f32 to vector<16xf32>
      %sub3A_108 = arith.subf %sub3A_107, %mul3A_105 : vector<16xf32>
      %mul3A_109 = arith.mulf %mul3A_103, %sub3A_108 : vector<16xf32>
      %mul3A_110 = arith.mulf %mul3A_97, %mul3A_109 : vector<16xf32>
      %mul3A_111 = arith.mulf %mul3A_110, %mul3A_109 : vector<16xf32>
      %sub3A_112 = arith.constant 1.500000e+00 : f32
      %sub3A_113 = vector.broadcast %sub3A_112 : f32 to vector<16xf32>
      %sub3A_114 = arith.subf %sub3A_113, %mul3A_111 : vector<16xf32>
      %mul3A_115 = arith.mulf %mul3A_109, %sub3A_114 : vector<16xf32>
      %mul3A_116 = arith.constant 16 : i32
      %mul3A_117 = arith.muli %add3A_82, %mul3A_116 : i32
      %swap3A_118 = arith.index_cast %mul3A_117 : i32 to index
      %swap3A_119 = tpu.vector_load %arg16[%swap3A_118] {strides = array<i32>} : memref<640xf32, #tpu.memory_space<vmem>>, vector<16xf32>,
      tpu.vector_store %arg16[%swap3A_118], %mul3A_115 {strides = array<i32>} : memref<640xf32, #tpu.memory_space<vmem>>, vector<16xf32>,
      %broadcast_in_dim3A_120 = arith.constant 0.000000e+00 : f32
      %broadcast_in_dim3A_121 = vector.broadcast %broadcast_in_dim3A_120 : f32 to vector<16xf32>
      %mul3A_122 = arith.constant 16 : i32
      %mul3A_123 = arith.muli %add3A_82, %mul3A_122 : i32
      %swap3A_124 = arith.index_cast %mul3A_123 : i32 to index
      %swap3A_125 = tpu.vector_load %arg15[%swap3A_124] {strides = array<i32>} : memref<640xf32, #tpu.memory_space<vmem>>, vector<16xf32>,
      tpu.vector_store %arg15[%swap3A_124], %broadcast_in_dim3A_121 {strides = array<i32>} : memref<640xf32, #tpu.memory_space<vmem>>, vector<16xf32>,
    }
    %scan3A_39 = arith.constant 40 : i32
    "tpu.region"() ({
      %run_scoped3A_78 = tpu.sem_alloc : memref<!tpu.dma_semaphore, #tpu.memory_space<semaphore_mem>>
      %dma_start3A_79 = tpu.memref_slice %arg20[%mul3A_4] : memref<10240xf32, #tpu.memory_space<vmem_shared>> -> memref<640xf32, #tpu.memory_space<vmem_shared>>
      %dma_start3A_80 = tpu.memref_slice %arg20[%mul3A_4] : memref<10240xf32, #tpu.memory_space<vmem_shared>> -> memref<640xf32, #tpu.memory_space<vmem_shared>>
      tpu.enqueue_dma source(%arg16 : memref<640xf32, #tpu.memory_space<vmem>>) target(%dma_start3A_80 : memref<640xf32, #tpu.memory_space<vmem_shared>>) target_semaphore(%run_scoped3A_78 : memref<!tpu.dma_semaphore, #tpu.memory_space<semaphore_mem>>)
      %dma_wait3A = tpu.memref_slice %arg20[%mul3A_4] : memref<10240xf32, #tpu.memory_space<vmem_shared>> -> memref<640xf32, #tpu.memory_space<vmem_shared>>
      %dma_wait3A_81 = tpu.memref_slice %arg20[%mul3A_4] : memref<10240xf32, #tpu.memory_space<vmem_shared>> -> memref<640xf32, #tpu.memory_space<vmem_shared>>
      tpu.wait_dma2 semaphore(%run_scoped3A_78 : memref<!tpu.dma_semaphore, #tpu.memory_space<semaphore_mem>>) src(%arg16 : memref<640xf32, #tpu.memory_space<vmem>>) dst(%dma_wait3A_81 : memref<640xf32, #tpu.memory_space<vmem_shared>>)
      tpu.yield
    }) : () -> ()
    "tpu.region"() ({
      %run_scoped3A_78 = tpu.sem_alloc : memref<!tpu.dma_semaphore, #tpu.memory_space<semaphore_mem>>
      %dma_start3A_79 = tpu.memref_slice %arg19[%mul3A_4] : memref<10240xf32, #tpu.memory_space<vmem_shared>> -> memref<640xf32, #tpu.memory_space<vmem_shared>>
      %dma_start3A_80 = tpu.memref_slice %arg19[%mul3A_4] : memref<10240xf32, #tpu.memory_space<vmem_shared>> -> memref<640xf32, #tpu.memory_space<vmem_shared>>
      tpu.enqueue_dma source(%arg15 : memref<640xf32, #tpu.memory_space<vmem>>) target(%dma_start3A_80 : memref<640xf32, #tpu.memory_space<vmem_shared>>) target_semaphore(%run_scoped3A_78 : memref<!tpu.dma_semaphore, #tpu.memory_space<semaphore_mem>>)
      %dma_wait3A = tpu.memref_slice %arg19[%mul3A_4] : memref<10240xf32, #tpu.memory_space<vmem_shared>> -> memref<640xf32, #tpu.memory_space<vmem_shared>>
      %dma_wait3A_81 = tpu.memref_slice %arg19[%mul3A_4] : memref<10240xf32, #tpu.memory_space<vmem_shared>> -> memref<640xf32, #tpu.memory_space<vmem_shared>>
      tpu.wait_dma2 semaphore(%run_scoped3A_78 : memref<!tpu.dma_semaphore, #tpu.memory_space<semaphore_mem>>) src(%arg15 : memref<640xf32, #tpu.memory_space<vmem>>) dst(%dma_wait3A_81 : memref<640xf32, #tpu.memory_space<vmem_shared>>)
      tpu.yield
    }) : () -> ()
    %scan3A_40 = arith.constant 0 : i32
    %scan3A_41 = arith.constant 8 : i32
    %scan3A_42 = arith.addi %scan3A_40, %scan3A_41 : i32
    %scan3A_43 = arith.constant 1 : i32
    scf.for %scan3A_78 = %scan3A_40 to %scan3A_42 step %scan3A_43  : i32 {
      %mul3A_79 = arith.constant 1 : i32
      %mul3A_80 = arith.muli %scan3A_78, %mul3A_79 : i32
      %add3A_81 = arith.constant 0 : i32
      %add3A_82 = arith.addi %add3A_81, %mul3A_80 : i32
      %mul3A_83 = arith.constant 80 : i32
      %mul3A_84 = arith.muli %add3A_82, %mul3A_83 : i32
      %add3A_85 = arith.addi %mul3A_4, %mul3A_84 : i32
      "tpu.region"() ({
        %run_scoped3A_91 = tpu.sem_alloc : memref<!tpu.dma_semaphore, #tpu.memory_space<semaphore_mem>>
        %dma_start3A_92 = arith.constant 0 : i32
        %dma_start3A_93 = tpu.memref_slice %arg3[%arg0, %add3A_85, %dma_start3A_92] : memref<2x10240x128xf32, #tpu.memory_space<hbm>> -> memref<1x80x128xf32, #tpu.memory_space<hbm>>
        %dma_start3A_94 = tpu.memref_squeeze %dma_start3A_93 : memref<1x80x128xf32, #tpu.memory_space<hbm>> -> memref<80x128xf32, #tpu.memory_space<hbm>>
        %dma_start3A_95 = arith.constant 0 : i32
        %dma_start3A_96 = tpu.memref_slice %arg3[%arg0, %add3A_85, %dma_start3A_95] : memref<2x10240x128xf32, #tpu.memory_space<hbm>> -> memref<1x80x128xf32, #tpu.memory_space<hbm>>
        %dma_start3A_97 = tpu.memref_squeeze %dma_start3A_96 : memref<1x80x128xf32, #tpu.memory_space<hbm>> -> memref<80x128xf32, #tpu.memory_space<hbm>>
        tpu.enqueue_dma source(%dma_start3A_97 : memref<80x128xf32, #tpu.memory_space<hbm>>) target(%arg14 : memref<80x128xf32, #tpu.memory_space<vmem>>) target_semaphore(%run_scoped3A_91 : memref<!tpu.dma_semaphore, #tpu.memory_space<semaphore_mem>>)
        %dma_wait3A = arith.constant 0 : i32
        %dma_wait3A_98 = tpu.memref_slice %arg3[%arg0, %add3A_85, %dma_wait3A] : memref<2x10240x128xf32, #tpu.memory_space<hbm>> -> memref<1x80x128xf32, #tpu.memory_space<hbm>>
        %dma_wait3A_99 = tpu.memref_squeeze %dma_wait3A_98 : memref<1x80x128xf32, #tpu.memory_space<hbm>> -> memref<80x128xf32, #tpu.memory_space<hbm>>
        %dma_wait3A_100 = arith.constant 0 : i32
        %dma_wait3A_101 = tpu.memref_slice %arg3[%arg0, %add3A_85, %dma_wait3A_100] : memref<2x10240x128xf32, #tpu.memory_space<hbm>> -> memref<1x80x128xf32, #tpu.memory_space<hbm>>
        %dma_wait3A_102 = tpu.memref_squeeze %dma_wait3A_101 : memref<1x80x128xf32, #tpu.memory_space<hbm>> -> memref<80x128xf32, #tpu.memory_space<hbm>>
        tpu.wait_dma2 semaphore(%run_scoped3A_91 : memref<!tpu.dma_semaphore, #tpu.memory_space<semaphore_mem>>) src(%dma_wait3A_102 : memref<80x128xf32, #tpu.memory_space<hbm>>) dst(%arg14 : memref<80x128xf32, #tpu.memory_space<vmem>>)
        tpu.yield
      }) : () -> ()
      %scan3A_86 = arith.constant 0 : i32
      %scan3A_87 = arith.constant 5 : i32
      %scan3A_88 = arith.addi %scan3A_86, %scan3A_87 : i32
      %scan3A_89 = arith.constant 1 : i32
      scf.for %scan3A_91 = %scan3A_86 to %scan3A_88 step %scan3A_89  : i32 {
        %mul3A_92 = arith.constant 1 : i32
        %mul3A_93 = arith.muli %scan3A_91, %mul3A_92 : i32
        %add3A_94 = arith.constant 0 : i32
        %add3A_95 = arith.addi %add3A_94, %mul3A_93 : i32
        %mul3A_96 = arith.constant 80 : i32
        %mul3A_97 = arith.muli %add3A_82, %mul3A_96 : i32
        %mul3A_98 = arith.constant 16 : i32
        %mul3A_99 = arith.muli %add3A_95, %mul3A_98 : i32
        %add3A_100 = arith.addi %mul3A_97, %mul3A_99 : i32
        %get3A_101 = arith.index_cast %add3A_100 : i32 to index
        %get3A_102 = tpu.vector_load %arg16[%get3A_101] {strides = array<i32>} : memref<640xf32, #tpu.memory_space<vmem>>, vector<16xf32>,
        %mul3A_103 = arith.constant 80 : i32
        %mul3A_104 = arith.muli %add3A_82, %mul3A_103 : i32
        %mul3A_105 = arith.constant 16 : i32
        %mul3A_106 = arith.muli %add3A_95, %mul3A_105 : i32
        %add3A_107 = arith.addi %mul3A_104, %mul3A_106 : i32
        %add3A_108 = arith.constant 0 : i32
        %add3A_109 = arith.addi %add3A_107, %add3A_108 : i32
        %mul3A_110 = arith.constant 16 : i32
        %mul3A_111 = arith.muli %add3A_95, %mul3A_110 : i32
        %add3A_112 = arith.constant 0 : i32
        %add3A_113 = arith.addi %mul3A_111, %add3A_112 : i32
        %get3A_114 = arith.index_cast %add3A_113 : i32 to index
        %get3A_115 = arith.constant 0 : index
        %get3A_116 = tpu.vector_load %arg14[%get3A_114, %get3A_115] {strides = array<i32>} : memref<80x128xf32, #tpu.memory_space<vmem>>, vector<16xf32>,
        %swap3A_117 = arith.index_cast %add3A_109 : i32 to index
        %swap3A_118 = arith.constant 0 : index
        %swap3A_119 = tpu.vector_load %arg13[%swap3A_117, %swap3A_118] {strides = array<i32>} : memref<640x16xf32, #tpu.memory_space<vmem>>, vector<16xf32>,
        tpu.vector_store %arg13[%swap3A_117, %swap3A_118], %get3A_116 {strides = array<i32>} : memref<640x16xf32, #tpu.memory_space<vmem>>, vector<16xf32>,
        %slice3A = vector.extract_strided_slice %get3A_102 {offsets = [0], sizes = [1], strides = [1]} : vector<16xf32> to vector<1xf32>
        %squeeze3A = vector.extract %slice3A[0] : f32 from vector<1xf32>
        %mul3A_120 = vector.broadcast %squeeze3A : f32 to vector<16xf32>
        %mul3A_121 = arith.mulf %get3A_116, %mul3A_120 : vector<16xf32>
        %swap3A_122 = arith.index_cast %add3A_109 : i32 to index
        %swap3A_123 = arith.constant 0 : index
        %swap3A_124 = tpu.vector_load %arg12[%swap3A_122, %swap3A_123] {strides = array<i32>} : memref<640x16xf32, #tpu.memory_space<vmem>>, vector<16xf32>,
        tpu.vector_store %arg12[%swap3A_122, %swap3A_123], %mul3A_121 {strides = array<i32>} : memref<640x16xf32, #tpu.memory_space<vmem>>, vector<16xf32>,
        %mul3A_125 = arith.constant 80 : i32
        %mul3A_126 = arith.muli %add3A_82, %mul3A_125 : i32
        %mul3A_127 = arith.constant 16 : i32
        %mul3A_128 = arith.muli %add3A_95, %mul3A_127 : i32
        %add3A_129 = arith.addi %mul3A_126, %mul3A_128 : i32
        %add3A_130 = arith.constant 1 : i32
        %add3A_131 = arith.addi %add3A_129, %add3A_130 : i32
        %mul3A_132 = arith.constant 16 : i32
        %mul3A_133 = arith.muli %add3A_95, %mul3A_132 : i32
        %add3A_134 = arith.constant 1 : i32
        %add3A_135 = arith.addi %mul3A_133, %add3A_134 : i32
        %get3A_136 = arith.index_cast %add3A_135 : i32 to index
        %get3A_137 = arith.constant 0 : index
        %get3A_138 = tpu.vector_load %arg14[%get3A_136, %get3A_137] {strides = array<i32>} : memref<80x128xf32, #tpu.memory_space<vmem>>, vector<16xf32>,
        %swap3A_139 = arith.index_cast %add3A_131 : i32 to index
        %swap3A_140 = arith.constant 0 : index
        %swap3A_141 = tpu.vector_load %arg13[%swap3A_139, %swap3A_140] {strides = array<i32>} : memref<640x16xf32, #tpu.memory_space<vmem>>, vector<16xf32>,
        tpu.vector_store %arg13[%swap3A_139, %swap3A_140], %get3A_138 {strides = array<i32>} : memref<640x16xf32, #tpu.memory_space<vmem>>, vector<16xf32>,
        %slice3A_142 = vector.extract_strided_slice %get3A_102 {offsets = [1], sizes = [1], strides = [1]} : vector<16xf32> to vector<1xf32>
        %squeeze3A_143 = vector.extract %slice3A_142[0] : f32 from vector<1xf32>
        %mul3A_144 = vector.broadcast %squeeze3A_143 : f32 to vector<16xf32>
        %mul3A_145 = arith.mulf %get3A_138, %mul3A_144 : vector<16xf32>
        %swap3A_146 = arith.index_cast %add3A_131 : i32 to index
        %swap3A_147 = arith.constant 0 : index
        %swap3A_148 = tpu.vector_load %arg12[%swap3A_146, %swap3A_147] {strides = array<i32>} : memref<640x16xf32, #tpu.memory_space<vmem>>, vector<16xf32>,
        tpu.vector_store %arg12[%swap3A_146, %swap3A_147], %mul3A_145 {strides = array<i32>} : memref<640x16xf32, #tpu.memory_space<vmem>>, vector<16xf32>,
        %mul3A_149 = arith.constant 80 : i32
        %mul3A_150 = arith.muli %add3A_82, %mul3A_149 : i32
        %mul3A_151 = arith.constant 16 : i32
        %mul3A_152 = arith.muli %add3A_95, %mul3A_151 : i32
        %add3A_153 = arith.addi %mul3A_150, %mul3A_152 : i32
        %add3A_154 = arith.constant 2 : i32
        %add3A_155 = arith.addi %add3A_153, %add3A_154 : i32
        %mul3A_156 = arith.constant 16 : i32
        %mul3A_157 = arith.muli %add3A_95, %mul3A_156 : i32
        %add3A_158 = arith.constant 2 : i32
        %add3A_159 = arith.addi %mul3A_157, %add3A_158 : i32
        %get3A_160 = arith.index_cast %add3A_159 : i32 to index
        %get3A_161 = arith.constant 0 : index
        %get3A_162 = tpu.vector_load %arg14[%get3A_160, %get3A_161] {strides = array<i32>} : memref<80x128xf32, #tpu.memory_space<vmem>>, vector<16xf32>,
        %swap3A_163 = arith.index_cast %add3A_155 : i32 to index
        %swap3A_164 = arith.constant 0 : index
        %swap3A_165 = tpu.vector_load %arg13[%swap3A_163, %swap3A_164] {strides = array<i32>} : memref<640x16xf32, #tpu.memory_space<vmem>>, vector<16xf32>,
        tpu.vector_store %arg13[%swap3A_163, %swap3A_164], %get3A_162 {strides = array<i32>} : memref<640x16xf32, #tpu.memory_space<vmem>>, vector<16xf32>,
        %slice3A_166 = vector.extract_strided_slice %get3A_102 {offsets = [2], sizes = [1], strides = [1]} : vector<16xf32> to vector<1xf32>
        %squeeze3A_167 = vector.extract %slice3A_166[0] : f32 from vector<1xf32>
        %mul3A_168 = vector.broadcast %squeeze3A_167 : f32 to vector<16xf32>
        %mul3A_169 = arith.mulf %get3A_162, %mul3A_168 : vector<16xf32>
        %swap3A_170 = arith.index_cast %add3A_155 : i32 to index
        %swap3A_171 = arith.constant 0 : index
        %swap3A_172 = tpu.vector_load %arg12[%swap3A_170, %swap3A_171] {strides = array<i32>} : memref<640x16xf32, #tpu.memory_space<vmem>>, vector<16xf32>,
        tpu.vector_store %arg12[%swap3A_170, %swap3A_171], %mul3A_169 {strides = array<i32>} : memref<640x16xf32, #tpu.memory_space<vmem>>, vector<16xf32>,
        %mul3A_173 = arith.constant 80 : i32
        %mul3A_174 = arith.muli %add3A_82, %mul3A_173 : i32
        %mul3A_175 = arith.constant 16 : i32
        %mul3A_176 = arith.muli %add3A_95, %mul3A_175 : i32
        %add3A_177 = arith.addi %mul3A_174, %mul3A_176 : i32
        %add3A_178 = arith.constant 3 : i32
        %add3A_179 = arith.addi %add3A_177, %add3A_178 : i32
        %mul3A_180 = arith.constant 16 : i32
        %mul3A_181 = arith.muli %add3A_95, %mul3A_180 : i32
        %add3A_182 = arith.constant 3 : i32
        %add3A_183 = arith.addi %mul3A_181, %add3A_182 : i32
        %get3A_184 = arith.index_cast %add3A_183 : i32 to index
        %get3A_185 = arith.constant 0 : index
        %get3A_186 = tpu.vector_load %arg14[%get3A_184, %get3A_185] {strides = array<i32>} : memref<80x128xf32, #tpu.memory_space<vmem>>, vector<16xf32>,
        %swap3A_187 = arith.index_cast %add3A_179 : i32 to index
        %swap3A_188 = arith.constant 0 : index
        %swap3A_189 = tpu.vector_load %arg13[%swap3A_187, %swap3A_188] {strides = array<i32>} : memref<640x16xf32, #tpu.memory_space<vmem>>, vector<16xf32>,
        tpu.vector_store %arg13[%swap3A_187, %swap3A_188], %get3A_186 {strides = array<i32>} : memref<640x16xf32, #tpu.memory_space<vmem>>, vector<16xf32>,
        %slice3A_190 = vector.extract_strided_slice %get3A_102 {offsets = [3], sizes = [1], strides = [1]} : vector<16xf32> to vector<1xf32>
        %squeeze3A_191 = vector.extract %slice3A_190[0] : f32 from vector<1xf32>
        %mul3A_192 = vector.broadcast %squeeze3A_191 : f32 to vector<16xf32>
        %mul3A_193 = arith.mulf %get3A_186, %mul3A_192 : vector<16xf32>
        %swap3A_194 = arith.index_cast %add3A_179 : i32 to index
        %swap3A_195 = arith.constant 0 : index
        %swap3A_196 = tpu.vector_load %arg12[%swap3A_194, %swap3A_195] {strides = array<i32>} : memref<640x16xf32, #tpu.memory_space<vmem>>, vector<16xf32>,
        tpu.vector_store %arg12[%swap3A_194, %swap3A_195], %mul3A_193 {strides = array<i32>} : memref<640x16xf32, #tpu.memory_space<vmem>>, vector<16xf32>,
        %mul3A_197 = arith.constant 80 : i32
        %mul3A_198 = arith.muli %add3A_82, %mul3A_197 : i32
        %mul3A_199 = arith.constant 16 : i32
        %mul3A_200 = arith.muli %add3A_95, %mul3A_199 : i32
        %add3A_201 = arith.addi %mul3A_198, %mul3A_200 : i32
        %add3A_202 = arith.constant 4 : i32
        %add3A_203 = arith.addi %add3A_201, %add3A_202 : i32
        %mul3A_204 = arith.constant 16 : i32
        %mul3A_205 = arith.muli %add3A_95, %mul3A_204 : i32
        %add3A_206 = arith.constant 4 : i32
        %add3A_207 = arith.addi %mul3A_205, %add3A_206 : i32
        %get3A_208 = arith.index_cast %add3A_207 : i32 to index
        %get3A_209 = arith.constant 0 : index
        %get3A_210 = tpu.vector_load %arg14[%get3A_208, %get3A_209] {strides = array<i32>} : memref<80x128xf32, #tpu.memory_space<vmem>>, vector<16xf32>,
        %swap3A_211 = arith.index_cast %add3A_203 : i32 to index
        %swap3A_212 = arith.constant 0 : index
        %swap3A_213 = tpu.vector_load %arg13[%swap3A_211, %swap3A_212] {strides = array<i32>} : memref<640x16xf32, #tpu.memory_space<vmem>>, vector<16xf32>,
        tpu.vector_store %arg13[%swap3A_211, %swap3A_212], %get3A_210 {strides = array<i32>} : memref<640x16xf32, #tpu.memory_space<vmem>>, vector<16xf32>,
        %slice3A_214 = vector.extract_strided_slice %get3A_102 {offsets = [4], sizes = [1], strides = [1]} : vector<16xf32> to vector<1xf32>
        %squeeze3A_215 = vector.extract %slice3A_214[0] : f32 from vector<1xf32>
        %mul3A_216 = vector.broadcast %squeeze3A_215 : f32 to vector<16xf32>
        %mul3A_217 = arith.mulf %get3A_210, %mul3A_216 : vector<16xf32>
        %swap3A_218 = arith.index_cast %add3A_203 : i32 to index
        %swap3A_219 = arith.constant 0 : index
        %swap3A_220 = tpu.vector_load %arg12[%swap3A_218, %swap3A_219] {strides = array<i32>} : memref<640x16xf32, #tpu.memory_space<vmem>>, vector<16xf32>,
        tpu.vector_store %arg12[%swap3A_218, %swap3A_219], %mul3A_217 {strides = array<i32>} : memref<640x16xf32, #tpu.memory_space<vmem>>, vector<16xf32>,
        %mul3A_221 = arith.constant 80 : i32
        %mul3A_222 = arith.muli %add3A_82, %mul3A_221 : i32
        %mul3A_223 = arith.constant 16 : i32
        %mul3A_224 = arith.muli %add3A_95, %mul3A_223 : i32
        %add3A_225 = arith.addi %mul3A_222, %mul3A_224 : i32
        %add3A_226 = arith.constant 5 : i32
        %add3A_227 = arith.addi %add3A_225, %add3A_226 : i32
        %mul3A_228 = arith.constant 16 : i32
        %mul3A_229 = arith.muli %add3A_95, %mul3A_228 : i32
        %add3A_230 = arith.constant 5 : i32
        %add3A_231 = arith.addi %mul3A_229, %add3A_230 : i32
        %get3A_232 = arith.index_cast %add3A_231 : i32 to index
        %get3A_233 = arith.constant 0 : index
        %get3A_234 = tpu.vector_load %arg14[%get3A_232, %get3A_233] {strides = array<i32>} : memref<80x128xf32, #tpu.memory_space<vmem>>, vector<16xf32>,
        %swap3A_235 = arith.index_cast %add3A_227 : i32 to index
        %swap3A_236 = arith.constant 0 : index
        %swap3A_237 = tpu.vector_load %arg13[%swap3A_235, %swap3A_236] {strides = array<i32>} : memref<640x16xf32, #tpu.memory_space<vmem>>, vector<16xf32>,
        tpu.vector_store %arg13[%swap3A_235, %swap3A_236], %get3A_234 {strides = array<i32>} : memref<640x16xf32, #tpu.memory_space<vmem>>, vector<16xf32>,
        %slice3A_238 = vector.extract_strided_slice %get3A_102 {offsets = [5], sizes = [1], strides = [1]} : vector<16xf32> to vector<1xf32>
        %squeeze3A_239 = vector.extract %slice3A_238[0] : f32 from vector<1xf32>
        %mul3A_240 = vector.broadcast %squeeze3A_239 : f32 to vector<16xf32>
        %mul3A_241 = arith.mulf %get3A_234, %mul3A_240 : vector<16xf32>
        %swap3A_242 = arith.index_cast %add3A_227 : i32 to index
        %swap3A_243 = arith.constant 0 : index
        %swap3A_244 = tpu.vector_load %arg12[%swap3A_242, %swap3A_243] {strides = array<i32>} : memref<640x16xf32, #tpu.memory_space<vmem>>, vector<16xf32>,
        tpu.vector_store %arg12[%swap3A_242, %swap3A_243], %mul3A_241 {strides = array<i32>} : memref<640x16xf32, #tpu.memory_space<vmem>>, vector<16xf32>,
        %mul3A_245 = arith.constant 80 : i32
        %mul3A_246 = arith.muli %add3A_82, %mul3A_245 : i32
        %mul3A_247 = arith.constant 16 : i32
        %mul3A_248 = arith.muli %add3A_95, %mul3A_247 : i32
        %add3A_249 = arith.addi %mul3A_246, %mul3A_248 : i32
        %add3A_250 = arith.constant 6 : i32
        %add3A_251 = arith.addi %add3A_249, %add3A_250 : i32
        %mul3A_252 = arith.constant 16 : i32
        %mul3A_253 = arith.muli %add3A_95, %mul3A_252 : i32
        %add3A_254 = arith.constant 6 : i32
        %add3A_255 = arith.addi %mul3A_253, %add3A_254 : i32
        %get3A_256 = arith.index_cast %add3A_255 : i32 to index
        %get3A_257 = arith.constant 0 : index
        %get3A_258 = tpu.vector_load %arg14[%get3A_256, %get3A_257] {strides = array<i32>} : memref<80x128xf32, #tpu.memory_space<vmem>>, vector<16xf32>,
        %swap3A_259 = arith.index_cast %add3A_251 : i32 to index
        %swap3A_260 = arith.constant 0 : index
        %swap3A_261 = tpu.vector_load %arg13[%swap3A_259, %swap3A_260] {strides = array<i32>} : memref<640x16xf32, #tpu.memory_space<vmem>>, vector<16xf32>,
        tpu.vector_store %arg13[%swap3A_259, %swap3A_260], %get3A_258 {strides = array<i32>} : memref<640x16xf32, #tpu.memory_space<vmem>>, vector<16xf32>,
        %slice3A_262 = vector.extract_strided_slice %get3A_102 {offsets = [6], sizes = [1], strides = [1]} : vector<16xf32> to vector<1xf32>
        %squeeze3A_263 = vector.extract %slice3A_262[0] : f32 from vector<1xf32>
        %mul3A_264 = vector.broadcast %squeeze3A_263 : f32 to vector<16xf32>
        %mul3A_265 = arith.mulf %get3A_258, %mul3A_264 : vector<16xf32>
        %swap3A_266 = arith.index_cast %add3A_251 : i32 to index
        %swap3A_267 = arith.constant 0 : index
        %swap3A_268 = tpu.vector_load %arg12[%swap3A_266, %swap3A_267] {strides = array<i32>} : memref<640x16xf32, #tpu.memory_space<vmem>>, vector<16xf32>,
        tpu.vector_store %arg12[%swap3A_266, %swap3A_267], %mul3A_265 {strides = array<i32>} : memref<640x16xf32, #tpu.memory_space<vmem>>, vector<16xf32>,
        %mul3A_269 = arith.constant 80 : i32
        %mul3A_270 = arith.muli %add3A_82, %mul3A_269 : i32
        %mul3A_271 = arith.constant 16 : i32
        %mul3A_272 = arith.muli %add3A_95, %mul3A_271 : i32
        %add3A_273 = arith.addi %mul3A_270, %mul3A_272 : i32
        %add3A_274 = arith.constant 7 : i32
        %add3A_275 = arith.addi %add3A_273, %add3A_274 : i32
        %mul3A_276 = arith.constant 16 : i32
        %mul3A_277 = arith.muli %add3A_95, %mul3A_276 : i32
        %add3A_278 = arith.constant 7 : i32
        %add3A_279 = arith.addi %mul3A_277, %add3A_278 : i32
        %get3A_280 = arith.index_cast %add3A_279 : i32 to index
        %get3A_281 = arith.constant 0 : index
        %get3A_282 = tpu.vector_load %arg14[%get3A_280, %get3A_281] {strides = array<i32>} : memref<80x128xf32, #tpu.memory_space<vmem>>, vector<16xf32>,
        %swap3A_283 = arith.index_cast %add3A_275 : i32 to index
        %swap3A_284 = arith.constant 0 : index
        %swap3A_285 = tpu.vector_load %arg13[%swap3A_283, %swap3A_284] {strides = array<i32>} : memref<640x16xf32, #tpu.memory_space<vmem>>, vector<16xf32>,
        tpu.vector_store %arg13[%swap3A_283, %swap3A_284], %get3A_282 {strides = array<i32>} : memref<640x16xf32, #tpu.memory_space<vmem>>, vector<16xf32>,
        %slice3A_286 = vector.extract_strided_slice %get3A_102 {offsets = [7], sizes = [1], strides = [1]} : vector<16xf32> to vector<1xf32>
        %squeeze3A_287 = vector.extract %slice3A_286[0] : f32 from vector<1xf32>
        %mul3A_288 = vector.broadcast %squeeze3A_287 : f32 to vector<16xf32>
        %mul3A_289 = arith.mulf %get3A_282, %mul3A_288 : vector<16xf32>
        %swap3A_290 = arith.index_cast %add3A_275 : i32 to index
        %swap3A_291 = arith.constant 0 : index
        %swap3A_292 = tpu.vector_load %arg12[%swap3A_290, %swap3A_291] {strides = array<i32>} : memref<640x16xf32, #tpu.memory_space<vmem>>, vector<16xf32>,
        tpu.vector_store %arg12[%swap3A_290, %swap3A_291], %mul3A_289 {strides = array<i32>} : memref<640x16xf32, #tpu.memory_space<vmem>>, vector<16xf32>,
        %mul3A_293 = arith.constant 80 : i32
        %mul3A_294 = arith.muli %add3A_82, %mul3A_293 : i32
        %mul3A_295 = arith.constant 16 : i32
        %mul3A_296 = arith.muli %add3A_95, %mul3A_295 : i32
        %add3A_297 = arith.addi %mul3A_294, %mul3A_296 : i32
        %add3A_298 = arith.constant 8 : i32
        %add3A_299 = arith.addi %add3A_297, %add3A_298 : i32
        %mul3A_300 = arith.constant 16 : i32
        %mul3A_301 = arith.muli %add3A_95, %mul3A_300 : i32
        %add3A_302 = arith.constant 8 : i32
        %add3A_303 = arith.addi %mul3A_301, %add3A_302 : i32
        %get3A_304 = arith.index_cast %add3A_303 : i32 to index
        %get3A_305 = arith.constant 0 : index
        %get3A_306 = tpu.vector_load %arg14[%get3A_304, %get3A_305] {strides = array<i32>} : memref<80x128xf32, #tpu.memory_space<vmem>>, vector<16xf32>,
        %swap3A_307 = arith.index_cast %add3A_299 : i32 to index
        %swap3A_308 = arith.constant 0 : index
        %swap3A_309 = tpu.vector_load %arg13[%swap3A_307, %swap3A_308] {strides = array<i32>} : memref<640x16xf32, #tpu.memory_space<vmem>>, vector<16xf32>,
        tpu.vector_store %arg13[%swap3A_307, %swap3A_308], %get3A_306 {strides = array<i32>} : memref<640x16xf32, #tpu.memory_space<vmem>>, vector<16xf32>,
        %slice3A_310 = vector.extract_strided_slice %get3A_102 {offsets = [8], sizes = [1], strides = [1]} : vector<16xf32> to vector<1xf32>
        %squeeze3A_311 = vector.extract %slice3A_310[0] : f32 from vector<1xf32>
        %mul3A_312 = vector.broadcast %squeeze3A_311 : f32 to vector<16xf32>
        %mul3A_313 = arith.mulf %get3A_306, %mul3A_312 : vector<16xf32>
        %swap3A_314 = arith.index_cast %add3A_299 : i32 to index
        %swap3A_315 = arith.constant 0 : index
        %swap3A_316 = tpu.vector_load %arg12[%swap3A_314, %swap3A_315] {strides = array<i32>} : memref<640x16xf32, #tpu.memory_space<vmem>>, vector<16xf32>,
        tpu.vector_store %arg12[%swap3A_314, %swap3A_315], %mul3A_313 {strides = array<i32>} : memref<640x16xf32, #tpu.memory_space<vmem>>, vector<16xf32>,
        %mul3A_317 = arith.constant 80 : i32
        %mul3A_318 = arith.muli %add3A_82, %mul3A_317 : i32
        %mul3A_319 = arith.constant 16 : i32
        %mul3A_320 = arith.muli %add3A_95, %mul3A_319 : i32
        %add3A_321 = arith.addi %mul3A_318, %mul3A_320 : i32
        %add3A_322 = arith.constant 9 : i32
        %add3A_323 = arith.addi %add3A_321, %add3A_322 : i32
        %mul3A_324 = arith.constant 16 : i32
        %mul3A_325 = arith.muli %add3A_95, %mul3A_324 : i32
        %add3A_326 = arith.constant 9 : i32
        %add3A_327 = arith.addi %mul3A_325, %add3A_326 : i32
        %get3A_328 = arith.index_cast %add3A_327 : i32 to index
        %get3A_329 = arith.constant 0 : index
        %get3A_330 = tpu.vector_load %arg14[%get3A_328, %get3A_329] {strides = array<i32>} : memref<80x128xf32, #tpu.memory_space<vmem>>, vector<16xf32>,
        %swap3A_331 = arith.index_cast %add3A_323 : i32 to index
        %swap3A_332 = arith.constant 0 : index
        %swap3A_333 = tpu.vector_load %arg13[%swap3A_331, %swap3A_332] {strides = array<i32>} : memref<640x16xf32, #tpu.memory_space<vmem>>, vector<16xf32>,
        tpu.vector_store %arg13[%swap3A_331, %swap3A_332], %get3A_330 {strides = array<i32>} : memref<640x16xf32, #tpu.memory_space<vmem>>, vector<16xf32>,
        %slice3A_334 = vector.extract_strided_slice %get3A_102 {offsets = [9], sizes = [1], strides = [1]} : vector<16xf32> to vector<1xf32>
        %squeeze3A_335 = vector.extract %slice3A_334[0] : f32 from vector<1xf32>
        %mul3A_336 = vector.broadcast %squeeze3A_335 : f32 to vector<16xf32>
        %mul3A_337 = arith.mulf %get3A_330, %mul3A_336 : vector<16xf32>
        %swap3A_338 = arith.index_cast %add3A_323 : i32 to index
        %swap3A_339 = arith.constant 0 : index
        %swap3A_340 = tpu.vector_load %arg12[%swap3A_338, %swap3A_339] {strides = array<i32>} : memref<640x16xf32, #tpu.memory_space<vmem>>, vector<16xf32>,
        tpu.vector_store %arg12[%swap3A_338, %swap3A_339], %mul3A_337 {strides = array<i32>} : memref<640x16xf32, #tpu.memory_space<vmem>>, vector<16xf32>,
        %mul3A_341 = arith.constant 80 : i32
        %mul3A_342 = arith.muli %add3A_82, %mul3A_341 : i32
        %mul3A_343 = arith.constant 16 : i32
        %mul3A_344 = arith.muli %add3A_95, %mul3A_343 : i32
        %add3A_345 = arith.addi %mul3A_342, %mul3A_344 : i32
        %add3A_346 = arith.constant 10 : i32
        %add3A_347 = arith.addi %add3A_345, %add3A_346 : i32
        %mul3A_348 = arith.constant 16 : i32
        %mul3A_349 = arith.muli %add3A_95, %mul3A_348 : i32
        %add3A_350 = arith.constant 10 : i32
        %add3A_351 = arith.addi %mul3A_349, %add3A_350 : i32
        %get3A_352 = arith.index_cast %add3A_351 : i32 to index
        %get3A_353 = arith.constant 0 : index
        %get3A_354 = tpu.vector_load %arg14[%get3A_352, %get3A_353] {strides = array<i32>} : memref<80x128xf32, #tpu.memory_space<vmem>>, vector<16xf32>,
        %swap3A_355 = arith.index_cast %add3A_347 : i32 to index
        %swap3A_356 = arith.constant 0 : index
        %swap3A_357 = tpu.vector_load %arg13[%swap3A_355, %swap3A_356] {strides = array<i32>} : memref<640x16xf32, #tpu.memory_space<vmem>>, vector<16xf32>,
        tpu.vector_store %arg13[%swap3A_355, %swap3A_356], %get3A_354 {strides = array<i32>} : memref<640x16xf32, #tpu.memory_space<vmem>>, vector<16xf32>,
        %slice3A_358 = vector.extract_strided_slice %get3A_102 {offsets = [10], sizes = [1], strides = [1]} : vector<16xf32> to vector<1xf32>
        %squeeze3A_359 = vector.extract %slice3A_358[0] : f32 from vector<1xf32>
        %mul3A_360 = vector.broadcast %squeeze3A_359 : f32 to vector<16xf32>
        %mul3A_361 = arith.mulf %get3A_354, %mul3A_360 : vector<16xf32>
        %swap3A_362 = arith.index_cast %add3A_347 : i32 to index
        %swap3A_363 = arith.constant 0 : index
        %swap3A_364 = tpu.vector_load %arg12[%swap3A_362, %swap3A_363] {strides = array<i32>} : memref<640x16xf32, #tpu.memory_space<vmem>>, vector<16xf32>,
        tpu.vector_store %arg12[%swap3A_362, %swap3A_363], %mul3A_361 {strides = array<i32>} : memref<640x16xf32, #tpu.memory_space<vmem>>, vector<16xf32>,
        %mul3A_365 = arith.constant 80 : i32
        %mul3A_366 = arith.muli %add3A_82, %mul3A_365 : i32
        %mul3A_367 = arith.constant 16 : i32
        %mul3A_368 = arith.muli %add3A_95, %mul3A_367 : i32
        %add3A_369 = arith.addi %mul3A_366, %mul3A_368 : i32
        %add3A_370 = arith.constant 11 : i32
        %add3A_371 = arith.addi %add3A_369, %add3A_370 : i32
        %mul3A_372 = arith.constant 16 : i32
        %mul3A_373 = arith.muli %add3A_95, %mul3A_372 : i32
        %add3A_374 = arith.constant 11 : i32
        %add3A_375 = arith.addi %mul3A_373, %add3A_374 : i32
        %get3A_376 = arith.index_cast %add3A_375 : i32 to index
        %get3A_377 = arith.constant 0 : index
        %get3A_378 = tpu.vector_load %arg14[%get3A_376, %get3A_377] {strides = array<i32>} : memref<80x128xf32, #tpu.memory_space<vmem>>, vector<16xf32>,
        %swap3A_379 = arith.index_cast %add3A_371 : i32 to index
        %swap3A_380 = arith.constant 0 : index
        %swap3A_381 = tpu.vector_load %arg13[%swap3A_379, %swap3A_380] {strides = array<i32>} : memref<640x16xf32, #tpu.memory_space<vmem>>, vector<16xf32>,
        tpu.vector_store %arg13[%swap3A_379, %swap3A_380], %get3A_378 {strides = array<i32>} : memref<640x16xf32, #tpu.memory_space<vmem>>, vector<16xf32>,
        %slice3A_382 = vector.extract_strided_slice %get3A_102 {offsets = [11], sizes = [1], strides = [1]} : vector<16xf32> to vector<1xf32>
        %squeeze3A_383 = vector.extract %slice3A_382[0] : f32 from vector<1xf32>
        %mul3A_384 = vector.broadcast %squeeze3A_383 : f32 to vector<16xf32>
        %mul3A_385 = arith.mulf %get3A_378, %mul3A_384 : vector<16xf32>
        %swap3A_386 = arith.index_cast %add3A_371 : i32 to index
        %swap3A_387 = arith.constant 0 : index
        %swap3A_388 = tpu.vector_load %arg12[%swap3A_386, %swap3A_387] {strides = array<i32>} : memref<640x16xf32, #tpu.memory_space<vmem>>, vector<16xf32>,
        tpu.vector_store %arg12[%swap3A_386, %swap3A_387], %mul3A_385 {strides = array<i32>} : memref<640x16xf32, #tpu.memory_space<vmem>>, vector<16xf32>,
        %mul3A_389 = arith.constant 80 : i32
        %mul3A_390 = arith.muli %add3A_82, %mul3A_389 : i32
        %mul3A_391 = arith.constant 16 : i32
        %mul3A_392 = arith.muli %add3A_95, %mul3A_391 : i32
        %add3A_393 = arith.addi %mul3A_390, %mul3A_392 : i32
        %add3A_394 = arith.constant 12 : i32
        %add3A_395 = arith.addi %add3A_393, %add3A_394 : i32
        %mul3A_396 = arith.constant 16 : i32
        %mul3A_397 = arith.muli %add3A_95, %mul3A_396 : i32
        %add3A_398 = arith.constant 12 : i32
        %add3A_399 = arith.addi %mul3A_397, %add3A_398 : i32
        %get3A_400 = arith.index_cast %add3A_399 : i32 to index
        %get3A_401 = arith.constant 0 : index
        %get3A_402 = tpu.vector_load %arg14[%get3A_400, %get3A_401] {strides = array<i32>} : memref<80x128xf32, #tpu.memory_space<vmem>>, vector<16xf32>,
        %swap3A_403 = arith.index_cast %add3A_395 : i32 to index
        %swap3A_404 = arith.constant 0 : index
        %swap3A_405 = tpu.vector_load %arg13[%swap3A_403, %swap3A_404] {strides = array<i32>} : memref<640x16xf32, #tpu.memory_space<vmem>>, vector<16xf32>,
        tpu.vector_store %arg13[%swap3A_403, %swap3A_404], %get3A_402 {strides = array<i32>} : memref<640x16xf32, #tpu.memory_space<vmem>>, vector<16xf32>,
        %slice3A_406 = vector.extract_strided_slice %get3A_102 {offsets = [12], sizes = [1], strides = [1]} : vector<16xf32> to vector<1xf32>
        %squeeze3A_407 = vector.extract %slice3A_406[0] : f32 from vector<1xf32>
        %mul3A_408 = vector.broadcast %squeeze3A_407 : f32 to vector<16xf32>
        %mul3A_409 = arith.mulf %get3A_402, %mul3A_408 : vector<16xf32>
        %swap3A_410 = arith.index_cast %add3A_395 : i32 to index
        %swap3A_411 = arith.constant 0 : index
        %swap3A_412 = tpu.vector_load %arg12[%swap3A_410, %swap3A_411] {strides = array<i32>} : memref<640x16xf32, #tpu.memory_space<vmem>>, vector<16xf32>,
        tpu.vector_store %arg12[%swap3A_410, %swap3A_411], %mul3A_409 {strides = array<i32>} : memref<640x16xf32, #tpu.memory_space<vmem>>, vector<16xf32>,
        %mul3A_413 = arith.constant 80 : i32
        %mul3A_414 = arith.muli %add3A_82, %mul3A_413 : i32
        %mul3A_415 = arith.constant 16 : i32
        %mul3A_416 = arith.muli %add3A_95, %mul3A_415 : i32
        %add3A_417 = arith.addi %mul3A_414, %mul3A_416 : i32
        %add3A_418 = arith.constant 13 : i32
        %add3A_419 = arith.addi %add3A_417, %add3A_418 : i32
        %mul3A_420 = arith.constant 16 : i32
        %mul3A_421 = arith.muli %add3A_95, %mul3A_420 : i32
        %add3A_422 = arith.constant 13 : i32
        %add3A_423 = arith.addi %mul3A_421, %add3A_422 : i32
        %get3A_424 = arith.index_cast %add3A_423 : i32 to index
        %get3A_425 = arith.constant 0 : index
        %get3A_426 = tpu.vector_load %arg14[%get3A_424, %get3A_425] {strides = array<i32>} : memref<80x128xf32, #tpu.memory_space<vmem>>, vector<16xf32>,
        %swap3A_427 = arith.index_cast %add3A_419 : i32 to index
        %swap3A_428 = arith.constant 0 : index
        %swap3A_429 = tpu.vector_load %arg13[%swap3A_427, %swap3A_428] {strides = array<i32>} : memref<640x16xf32, #tpu.memory_space<vmem>>, vector<16xf32>,
        tpu.vector_store %arg13[%swap3A_427, %swap3A_428], %get3A_426 {strides = array<i32>} : memref<640x16xf32, #tpu.memory_space<vmem>>, vector<16xf32>,
        %slice3A_430 = vector.extract_strided_slice %get3A_102 {offsets = [13], sizes = [1], strides = [1]} : vector<16xf32> to vector<1xf32>
        %squeeze3A_431 = vector.extract %slice3A_430[0] : f32 from vector<1xf32>
        %mul3A_432 = vector.broadcast %squeeze3A_431 : f32 to vector<16xf32>
        %mul3A_433 = arith.mulf %get3A_426, %mul3A_432 : vector<16xf32>
        %swap3A_434 = arith.index_cast %add3A_419 : i32 to index
        %swap3A_435 = arith.constant 0 : index
        %swap3A_436 = tpu.vector_load %arg12[%swap3A_434, %swap3A_435] {strides = array<i32>} : memref<640x16xf32, #tpu.memory_space<vmem>>, vector<16xf32>,
        tpu.vector_store %arg12[%swap3A_434, %swap3A_435], %mul3A_433 {strides = array<i32>} : memref<640x16xf32, #tpu.memory_space<vmem>>, vector<16xf32>,
        %mul3A_437 = arith.constant 80 : i32
        %mul3A_438 = arith.muli %add3A_82, %mul3A_437 : i32
        %mul3A_439 = arith.constant 16 : i32
        %mul3A_440 = arith.muli %add3A_95, %mul3A_439 : i32
        %add3A_441 = arith.addi %mul3A_438, %mul3A_440 : i32
        %add3A_442 = arith.constant 14 : i32
        %add3A_443 = arith.addi %add3A_441, %add3A_442 : i32
        %mul3A_444 = arith.constant 16 : i32
        %mul3A_445 = arith.muli %add3A_95, %mul3A_444 : i32
        %add3A_446 = arith.constant 14 : i32
        %add3A_447 = arith.addi %mul3A_445, %add3A_446 : i32
        %get3A_448 = arith.index_cast %add3A_447 : i32 to index
        %get3A_449 = arith.constant 0 : index
        %get3A_450 = tpu.vector_load %arg14[%get3A_448, %get3A_449] {strides = array<i32>} : memref<80x128xf32, #tpu.memory_space<vmem>>, vector<16xf32>,
        %swap3A_451 = arith.index_cast %add3A_443 : i32 to index
        %swap3A_452 = arith.constant 0 : index
        %swap3A_453 = tpu.vector_load %arg13[%swap3A_451, %swap3A_452] {strides = array<i32>} : memref<640x16xf32, #tpu.memory_space<vmem>>, vector<16xf32>,
        tpu.vector_store %arg13[%swap3A_451, %swap3A_452], %get3A_450 {strides = array<i32>} : memref<640x16xf32, #tpu.memory_space<vmem>>, vector<16xf32>,
        %slice3A_454 = vector.extract_strided_slice %get3A_102 {offsets = [14], sizes = [1], strides = [1]} : vector<16xf32> to vector<1xf32>
        %squeeze3A_455 = vector.extract %slice3A_454[0] : f32 from vector<1xf32>
        %mul3A_456 = vector.broadcast %squeeze3A_455 : f32 to vector<16xf32>
        %mul3A_457 = arith.mulf %get3A_450, %mul3A_456 : vector<16xf32>
        %swap3A_458 = arith.index_cast %add3A_443 : i32 to index
        %swap3A_459 = arith.constant 0 : index
        %swap3A_460 = tpu.vector_load %arg12[%swap3A_458, %swap3A_459] {strides = array<i32>} : memref<640x16xf32, #tpu.memory_space<vmem>>, vector<16xf32>,
        tpu.vector_store %arg12[%swap3A_458, %swap3A_459], %mul3A_457 {strides = array<i32>} : memref<640x16xf32, #tpu.memory_space<vmem>>, vector<16xf32>,
        %mul3A_461 = arith.constant 80 : i32
        %mul3A_462 = arith.muli %add3A_82, %mul3A_461 : i32
        %mul3A_463 = arith.constant 16 : i32
        %mul3A_464 = arith.muli %add3A_95, %mul3A_463 : i32
        %add3A_465 = arith.addi %mul3A_462, %mul3A_464 : i32
        %add3A_466 = arith.constant 15 : i32
        %add3A_467 = arith.addi %add3A_465, %add3A_466 : i32
        %mul3A_468 = arith.constant 16 : i32
        %mul3A_469 = arith.muli %add3A_95, %mul3A_468 : i32
        %add3A_470 = arith.constant 15 : i32
        %add3A_471 = arith.addi %mul3A_469, %add3A_470 : i32
        %get3A_472 = arith.index_cast %add3A_471 : i32 to index
        %get3A_473 = arith.constant 0 : index
        %get3A_474 = tpu.vector_load %arg14[%get3A_472, %get3A_473] {strides = array<i32>} : memref<80x128xf32, #tpu.memory_space<vmem>>, vector<16xf32>,
        %swap3A_475 = arith.index_cast %add3A_467 : i32 to index
        %swap3A_476 = arith.constant 0 : index
        %swap3A_477 = tpu.vector_load %arg13[%swap3A_475, %swap3A_476] {strides = array<i32>} : memref<640x16xf32, #tpu.memory_space<vmem>>, vector<16xf32>,
        tpu.vector_store %arg13[%swap3A_475, %swap3A_476], %get3A_474 {strides = array<i32>} : memref<640x16xf32, #tpu.memory_space<vmem>>, vector<16xf32>,
        %slice3A_478 = vector.extract_strided_slice %get3A_102 {offsets = [15], sizes = [1], strides = [1]} : vector<16xf32> to vector<1xf32>
        %squeeze3A_479 = vector.extract %slice3A_478[0] : f32 from vector<1xf32>
        %mul3A_480 = vector.broadcast %squeeze3A_479 : f32 to vector<16xf32>
        %mul3A_481 = arith.mulf %get3A_474, %mul3A_480 : vector<16xf32>
        %swap3A_482 = arith.index_cast %add3A_467 : i32 to index
        %swap3A_483 = arith.constant 0 : index
        %swap3A_484 = tpu.vector_load %arg12[%swap3A_482, %swap3A_483] {strides = array<i32>} : memref<640x16xf32, #tpu.memory_space<vmem>>, vector<16xf32>,
        tpu.vector_store %arg12[%swap3A_482, %swap3A_483], %mul3A_481 {strides = array<i32>} : memref<640x16xf32, #tpu.memory_space<vmem>>, vector<16xf32>,
      }
      %scan3A_90 = arith.constant 5 : i32
    }
    %scan3A_44 = arith.constant 8 : i32
    "tpu.region"() ({
      %run_scoped3A_78 = tpu.sem_alloc : memref<!tpu.dma_semaphore, #tpu.memory_space<semaphore_mem>>
      %dma_start3A_79 = arith.constant 0 : i32
      %dma_start3A_80 = tpu.memref_slice %arg22[%mul3A_4, %dma_start3A_79] : memref<10240x16xf32, #tpu.memory_space<vmem_shared>> -> memref<640x16xf32, #tpu.memory_space<vmem_shared>>
      %dma_start3A_81 = arith.constant 0 : i32
      %dma_start3A_82 = tpu.memref_slice %arg22[%mul3A_4, %dma_start3A_81] : memref<10240x16xf32, #tpu.memory_space<vmem_shared>> -> memref<640x16xf32, #tpu.memory_space<vmem_shared>>
      tpu.enqueue_dma source(%arg12 : memref<640x16xf32, #tpu.memory_space<vmem>>) target(%dma_start3A_82 : memref<640x16xf32, #tpu.memory_space<vmem_shared>>) target_semaphore(%run_scoped3A_78 : memref<!tpu.dma_semaphore, #tpu.memory_space<semaphore_mem>>)
      %dma_wait3A = arith.constant 0 : i32
      %dma_wait3A_83 = tpu.memref_slice %arg22[%mul3A_4, %dma_wait3A] : memref<10240x16xf32, #tpu.memory_space<vmem_shared>> -> memref<640x16xf32, #tpu.memory_space<vmem_shared>>
      %dma_wait3A_84 = arith.constant 0 : i32
      %dma_wait3A_85 = tpu.memref_slice %arg22[%mul3A_4, %dma_wait3A_84] : memref<10240x16xf32, #tpu.memory_space<vmem_shared>> -> memref<640x16xf32, #tpu.memory_space<vmem_shared>>
      tpu.wait_dma2 semaphore(%run_scoped3A_78 : memref<!tpu.dma_semaphore, #tpu.memory_space<semaphore_mem>>) src(%arg12 : memref<640x16xf32, #tpu.memory_space<vmem>>) dst(%dma_wait3A_85 : memref<640x16xf32, #tpu.memory_space<vmem_shared>>)
      tpu.yield
    }) : () -> ()
    %barrier3A_45 = arith.constant 0 : index
    tpu.barrier barrier_id(%barrier3A_45)
    %dma_start3A = arith.constant 0 : i32
    %dma_start3A_46 = tpu.memref_slice %arg6[%dma_start3A] : memref<20480xi32, #tpu.memory_space<vmem>> -> memref<1024xi32, #tpu.memory_space<vmem>>
    %dma_start3A_47 = arith.constant 0 : i32
    %dma_start3A_48 = arith.constant 0 : i32
    %dma_start3A_49 = tpu.memref_slice %arg22[%dma_start3A_47, %dma_start3A_48] : memref<10240x16xf32, #tpu.memory_space<vmem_shared>> -> memref<10240x16xf32, #tpu.memory_space<vmem_shared>>
    tpu.enqueue_indirect_dma source(%dma_start3A_49 : memref<10240x16xf32, #tpu.memory_space<vmem_shared>>) target(%arg10 : memref<1024x16xf32, #tpu.memory_space<vmem>>) offsets(%dma_start3A_46 : memref<1024xi32, #tpu.memory_space<vmem>>) semaphore(%arg24 : memref<!tpu.dma_semaphore, #tpu.memory_space<semaphore_mem>>)
    %dma_start3A_50 = arith.constant 0 : i32
    %dma_start3A_51 = tpu.memref_slice %arg7[%dma_start3A_50] : memref<20480xi32, #tpu.memory_space<vmem>> -> memref<1024xi32, #tpu.memory_space<vmem>>
    %dma_start3A_52 = arith.constant 0 : i32
    %dma_start3A_53 = tpu.memref_slice %arg20[%dma_start3A_52] : memref<10240xf32, #tpu.memory_space<vmem_shared>> -> memref<10240xf32, #tpu.memory_space<vmem_shared>>
    tpu.enqueue_indirect_dma source(%dma_start3A_53 : memref<10240xf32, #tpu.memory_space<vmem_shared>>) target(%arg8 : memref<1024xf32, #tpu.memory_space<vmem>>) offsets(%dma_start3A_51 : memref<1024xi32, #tpu.memory_space<vmem>>) semaphore(%arg26 : memref<!tpu.dma_semaphore, #tpu.memory_space<semaphore_mem>>)
    %scan3A_54 = arith.constant 0 : i32
    %scan3A_55 = arith.constant 10 : i32
    %scan3A_56 = arith.addi %scan3A_54, %scan3A_55 : i32
    %scan3A_57 = arith.constant 1 : i32
    scf.for %scan3A_78 = %scan3A_54 to %scan3A_56 step %scan3A_57  : i32 {
      %mul3A_79 = arith.constant 2 : i32
      %mul3A_80 = arith.muli %scan3A_78, %mul3A_79 : i32
      %add3A_81 = arith.constant 0 : i32
      %add3A_82 = arith.addi %add3A_81, %mul3A_80 : i32
      %dma_wait3A = arith.constant 0 : i32
      %dma_wait3A_83 = tpu.memref_slice %arg6[%dma_wait3A] : memref<20480xi32, #tpu.memory_space<vmem>> -> memref<1024xi32, #tpu.memory_space<vmem>>
      %dma_wait3A_84 = arith.constant 0 : i32
      %dma_wait3A_85 = arith.constant 0 : i32
      %dma_wait3A_86 = tpu.memref_slice %arg22[%dma_wait3A_84, %dma_wait3A_85] : memref<10240x16xf32, #tpu.memory_space<vmem_shared>> -> memref<10240x16xf32, #tpu.memory_space<vmem_shared>>
      tpu.wait_indirect_dma semaphore(%arg24 : memref<!tpu.dma_semaphore, #tpu.memory_space<semaphore_mem>>) src(%dma_wait3A_86 : memref<10240x16xf32, #tpu.memory_space<vmem_shared>>) dst(%arg10 : memref<1024x16xf32, #tpu.memory_space<vmem>>)
      %dma_wait3A_87 = arith.constant 0 : i32
      %dma_wait3A_88 = tpu.memref_slice %arg7[%dma_wait3A_87] : memref<20480xi32, #tpu.memory_space<vmem>> -> memref<1024xi32, #tpu.memory_space<vmem>>
      %dma_wait3A_89 = arith.constant 0 : i32
      %dma_wait3A_90 = tpu.memref_slice %arg20[%dma_wait3A_89] : memref<10240xf32, #tpu.memory_space<vmem_shared>> -> memref<10240xf32, #tpu.memory_space<vmem_shared>>
      tpu.wait_indirect_dma semaphore(%arg26 : memref<!tpu.dma_semaphore, #tpu.memory_space<semaphore_mem>>) src(%dma_wait3A_90 : memref<10240xf32, #tpu.memory_space<vmem_shared>>) dst(%arg8 : memref<1024xf32, #tpu.memory_space<vmem>>)
      %add3A_91 = arith.constant 1 : i32
      %add3A_92 = arith.addi %add3A_82, %add3A_91 : i32
      %mul3A_93 = arith.constant 1024 : i32
      %mul3A_94 = arith.muli %add3A_92, %mul3A_93 : i32
      %dma_start3A_95 = tpu.memref_slice %arg6[%mul3A_94] : memref<20480xi32, #tpu.memory_space<vmem>> -> memref<1024xi32, #tpu.memory_space<vmem>>
      %dma_start3A_96 = arith.constant 0 : i32
      %dma_start3A_97 = arith.constant 0 : i32
      %dma_start3A_98 = tpu.memref_slice %arg22[%dma_start3A_96, %dma_start3A_97] : memref<10240x16xf32, #tpu.memory_space<vmem_shared>> -> memref<10240x16xf32, #tpu.memory_space<vmem_shared>>
      tpu.enqueue_indirect_dma source(%dma_start3A_98 : memref<10240x16xf32, #tpu.memory_space<vmem_shared>>) target(%arg11 : memref<1024x16xf32, #tpu.memory_space<vmem>>) offsets(%dma_start3A_95 : memref<1024xi32, #tpu.memory_space<vmem>>) semaphore(%arg24 : memref<!tpu.dma_semaphore, #tpu.memory_space<semaphore_mem>>)
      %dma_start3A_99 = tpu.memref_slice %arg7[%mul3A_94] : memref<20480xi32, #tpu.memory_space<vmem>> -> memref<1024xi32, #tpu.memory_space<vmem>>
      %dma_start3A_100 = arith.constant 0 : i32
      %dma_start3A_101 = tpu.memref_slice %arg20[%dma_start3A_100] : memref<10240xf32, #tpu.memory_space<vmem_shared>> -> memref<10240xf32, #tpu.memory_space<vmem_shared>>
      tpu.enqueue_indirect_dma source(%dma_start3A_101 : memref<10240xf32, #tpu.memory_space<vmem_shared>>) target(%arg9 : memref<1024xf32, #tpu.memory_space<vmem>>) offsets(%dma_start3A_99 : memref<1024xi32, #tpu.memory_space<vmem>>) semaphore(%arg26 : memref<!tpu.dma_semaphore, #tpu.memory_space<semaphore_mem>>)
      %mul3A_102 = arith.constant 1024 : i32
      %mul3A_103 = arith.muli %add3A_82, %mul3A_102 : i32
      %dma_start3A_104 = tpu.memref_slice %arg7[%mul3A_103] : memref<20480xi32, #tpu.memory_space<vmem>> -> memref<1024xi32, #tpu.memory_space<vmem>>
      %dma_start3A_105 = arith.constant 0 : i32
      %dma_start3A_106 = arith.constant 0 : i32
      %dma_start3A_107 = tpu.memref_slice %arg21[%dma_start3A_105, %dma_start3A_106] : memref<10240x16xf32, #tpu.memory_space<vmem_shared>> -> memref<10240x16xf32, #tpu.memory_space<vmem_shared>>
      tpu.enqueue_indirect_dma source(%arg10 : memref<1024x16xf32, #tpu.memory_space<vmem>>) target(%dma_start3A_107 : memref<10240x16xf32, #tpu.memory_space<vmem_shared>>) offsets(%dma_start3A_104 : memref<1024xi32, #tpu.memory_space<vmem>>) semaphore(%arg25 : memref<!tpu.dma_semaphore, #tpu.memory_space<semaphore_mem>>) {add = true}
      "tpu.region"() ({
        %run_scoped3A_139 = tpu.sem_alloc : memref<!tpu.dma_semaphore, #tpu.memory_space<semaphore_mem>>
        %dma_start3A_140 = tpu.memref_slice %arg6[%mul3A_103] : memref<20480xi32, #tpu.memory_space<vmem>> -> memref<1024xi32, #tpu.memory_space<vmem>>
        %dma_start3A_141 = arith.constant 0 : i32
        %dma_start3A_142 = tpu.memref_slice %arg19[%dma_start3A_141] : memref<10240xf32, #tpu.memory_space<vmem_shared>> -> memref<10240xf32, #tpu.memory_space<vmem_shared>>
        tpu.enqueue_indirect_dma source(%arg8 : memref<1024xf32, #tpu.memory_space<vmem>>) target(%dma_start3A_142 : memref<10240xf32, #tpu.memory_space<vmem_shared>>) offsets(%dma_start3A_140 : memref<1024xi32, #tpu.memory_space<vmem>>) semaphore(%run_scoped3A_139 : memref<!tpu.dma_semaphore, #tpu.memory_space<semaphore_mem>>) {add = true}
        %dma_wait3A_143 = tpu.memref_slice %arg6[%mul3A_103] : memref<20480xi32, #tpu.memory_space<vmem>> -> memref<1024xi32, #tpu.memory_space<vmem>>
        %dma_wait3A_144 = arith.constant 0 : i32
        %dma_wait3A_145 = tpu.memref_slice %arg19[%dma_wait3A_144] : memref<10240xf32, #tpu.memory_space<vmem_shared>> -> memref<10240xf32, #tpu.memory_space<vmem_shared>>
        tpu.wait_indirect_dma semaphore(%run_scoped3A_139 : memref<!tpu.dma_semaphore, #tpu.memory_space<semaphore_mem>>) src(%arg8 : memref<1024xf32, #tpu.memory_space<vmem>>) dst(%dma_wait3A_145 : memref<10240xf32, #tpu.memory_space<vmem_shared>>)
        tpu.yield
      }) : () -> ()
      %dma_wait3A_108 = tpu.memref_slice %arg7[%mul3A_103] : memref<20480xi32, #tpu.memory_space<vmem>> -> memref<1024xi32, #tpu.memory_space<vmem>>
      %dma_wait3A_109 = arith.constant 0 : i32
      %dma_wait3A_110 = arith.constant 0 : i32
      %dma_wait3A_111 = tpu.memref_slice %arg21[%dma_wait3A_109, %dma_wait3A_110] : memref<10240x16xf32, #tpu.memory_space<vmem_shared>> -> memref<10240x16xf32, #tpu.memory_space<vmem_shared>>
      tpu.wait_indirect_dma semaphore(%arg25 : memref<!tpu.dma_semaphore, #tpu.memory_space<semaphore_mem>>) src(%arg10 : memref<1024x16xf32, #tpu.memory_space<vmem>>) dst(%dma_wait3A_111 : memref<10240x16xf32, #tpu.memory_space<vmem_shared>>)
      %dma_wait3A_112 = arith.constant 0 : i32
      %dma_wait3A_113 = tpu.memref_slice %arg6[%dma_wait3A_112] : memref<20480xi32, #tpu.memory_space<vmem>> -> memref<1024xi32, #tpu.memory_space<vmem>>
      %dma_wait3A_114 = arith.constant 0 : i32
      %dma_wait3A_115 = arith.constant 0 : i32
      %dma_wait3A_116 = tpu.memref_slice %arg22[%dma_wait3A_114, %dma_wait3A_115] : memref<10240x16xf32, #tpu.memory_space<vmem_shared>> -> memref<10240x16xf32, #tpu.memory_space<vmem_shared>>
      tpu.wait_indirect_dma semaphore(%arg24 : memref<!tpu.dma_semaphore, #tpu.memory_space<semaphore_mem>>) src(%dma_wait3A_116 : memref<10240x16xf32, #tpu.memory_space<vmem_shared>>) dst(%arg11 : memref<1024x16xf32, #tpu.memory_space<vmem>>)
      %dma_wait3A_117 = arith.constant 0 : i32
      %dma_wait3A_118 = tpu.memref_slice %arg7[%dma_wait3A_117] : memref<20480xi32, #tpu.memory_space<vmem>> -> memref<1024xi32, #tpu.memory_space<vmem>>
      %dma_wait3A_119 = arith.constant 0 : i32
      %dma_wait3A_120 = tpu.memref_slice %arg20[%dma_wait3A_119] : memref<10240xf32, #tpu.memory_space<vmem_shared>> -> memref<10240xf32, #tpu.memory_space<vmem_shared>>
      tpu.wait_indirect_dma semaphore(%arg26 : memref<!tpu.dma_semaphore, #tpu.memory_space<semaphore_mem>>) src(%dma_wait3A_120 : memref<10240xf32, #tpu.memory_space<vmem_shared>>) dst(%arg9 : memref<1024xf32, #tpu.memory_space<vmem>>)
      %add3A_121 = arith.constant 2 : i32
      %add3A_122 = arith.addi %add3A_82, %add3A_121 : i32
      %lt3A = arith.constant 20 : i32
      %lt3A_123 = arith.cmpi slt, %add3A_122, %lt3A : i32
      %convert_element_type3A_124 = arith.extui %lt3A_123 : i1 to i32
      %cond3A_125 = arith.constant 0 : i32
      %cond3A_126 = arith.cmpi ne, %convert_element_type3A_124, %cond3A_125 : i32
      scf.if %cond3A_126 {
        %add3A_139 = arith.constant 2 : i32
        %add3A_140 = arith.addi %add3A_82, %add3A_139 : i32
        %mul3A_141 = arith.constant 1024 : i32
        %mul3A_142 = arith.muli %add3A_140, %mul3A_141 : i32
        %dma_start3A_143 = tpu.memref_slice %arg6[%mul3A_142] : memref<20480xi32, #tpu.memory_space<vmem>> -> memref<1024xi32, #tpu.memory_space<vmem>>
        %dma_start3A_144 = arith.constant 0 : i32
        %dma_start3A_145 = arith.constant 0 : i32
        %dma_start3A_146 = tpu.memref_slice %arg22[%dma_start3A_144, %dma_start3A_145] : memref<10240x16xf32, #tpu.memory_space<vmem_shared>> -> memref<10240x16xf32, #tpu.memory_space<vmem_shared>>
        tpu.enqueue_indirect_dma source(%dma_start3A_146 : memref<10240x16xf32, #tpu.memory_space<vmem_shared>>) target(%arg10 : memref<1024x16xf32, #tpu.memory_space<vmem>>) offsets(%dma_start3A_143 : memref<1024xi32, #tpu.memory_space<vmem>>) semaphore(%arg24 : memref<!tpu.dma_semaphore, #tpu.memory_space<semaphore_mem>>)
        %dma_start3A_147 = tpu.memref_slice %arg7[%mul3A_142] : memref<20480xi32, #tpu.memory_space<vmem>> -> memref<1024xi32, #tpu.memory_space<vmem>>
        %dma_start3A_148 = arith.constant 0 : i32
        %dma_start3A_149 = tpu.memref_slice %arg20[%dma_start3A_148] : memref<10240xf32, #tpu.memory_space<vmem_shared>> -> memref<10240xf32, #tpu.memory_space<vmem_shared>>
        tpu.enqueue_indirect_dma source(%dma_start3A_149 : memref<10240xf32, #tpu.memory_space<vmem_shared>>) target(%arg8 : memref<1024xf32, #tpu.memory_space<vmem>>) offsets(%dma_start3A_147 : memref<1024xi32, #tpu.memory_space<vmem>>) semaphore(%arg26 : memref<!tpu.dma_semaphore, #tpu.memory_space<semaphore_mem>>)
      } else {
      }
      %add3A_127 = arith.constant 1 : i32
      %add3A_128 = arith.addi %add3A_82, %add3A_127 : i32
      %mul3A_129 = arith.constant 1024 : i32
      %mul3A_130 = arith.muli %add3A_128, %mul3A_129 : i32
      %dma_start3A_131 = tpu.memref_slice %arg7[%mul3A_130] : memref<20480xi32, #tpu.memory_space<vmem>> -> memref<1024xi32, #tpu.memory_space<vmem>>
      %dma_start3A_132 = arith.constant 0 : i32
      %dma_start3A_133 = arith.constant 0 : i32
      %dma_start3A_134 = tpu.memref_slice %arg21[%dma_start3A_132, %dma_start3A_133] : memref<10240x16xf32, #tpu.memory_space<vmem_shared>> -> memref<10240x16xf32, #tpu.memory_space<vmem_shared>>
      tpu.enqueue_indirect_dma source(%arg11 : memref<1024x16xf32, #tpu.memory_space<vmem>>) target(%dma_start3A_134 : memref<10240x16xf32, #tpu.memory_space<vmem_shared>>) offsets(%dma_start3A_131 : memref<1024xi32, #tpu.memory_space<vmem>>) semaphore(%arg25 : memref<!tpu.dma_semaphore, #tpu.memory_space<semaphore_mem>>) {add = true}
      "tpu.region"() ({
        %run_scoped3A_139 = tpu.sem_alloc : memref<!tpu.dma_semaphore, #tpu.memory_space<semaphore_mem>>
        %dma_start3A_140 = tpu.memref_slice %arg6[%mul3A_130] : memref<20480xi32, #tpu.memory_space<vmem>> -> memref<1024xi32, #tpu.memory_space<vmem>>
        %dma_start3A_141 = arith.constant 0 : i32
        %dma_start3A_142 = tpu.memref_slice %arg19[%dma_start3A_141] : memref<10240xf32, #tpu.memory_space<vmem_shared>> -> memref<10240xf32, #tpu.memory_space<vmem_shared>>
        tpu.enqueue_indirect_dma source(%arg9 : memref<1024xf32, #tpu.memory_space<vmem>>) target(%dma_start3A_142 : memref<10240xf32, #tpu.memory_space<vmem_shared>>) offsets(%dma_start3A_140 : memref<1024xi32, #tpu.memory_space<vmem>>) semaphore(%run_scoped3A_139 : memref<!tpu.dma_semaphore, #tpu.memory_space<semaphore_mem>>) {add = true}
        %dma_wait3A_143 = tpu.memref_slice %arg6[%mul3A_130] : memref<20480xi32, #tpu.memory_space<vmem>> -> memref<1024xi32, #tpu.memory_space<vmem>>
        %dma_wait3A_144 = arith.constant 0 : i32
        %dma_wait3A_145 = tpu.memref_slice %arg19[%dma_wait3A_144] : memref<10240xf32, #tpu.memory_space<vmem_shared>> -> memref<10240xf32, #tpu.memory_space<vmem_shared>>
        tpu.wait_indirect_dma semaphore(%run_scoped3A_139 : memref<!tpu.dma_semaphore, #tpu.memory_space<semaphore_mem>>) src(%arg9 : memref<1024xf32, #tpu.memory_space<vmem>>) dst(%dma_wait3A_145 : memref<10240xf32, #tpu.memory_space<vmem_shared>>)
        tpu.yield
      }) : () -> ()
      %dma_wait3A_135 = tpu.memref_slice %arg7[%mul3A_130] : memref<20480xi32, #tpu.memory_space<vmem>> -> memref<1024xi32, #tpu.memory_space<vmem>>
      %dma_wait3A_136 = arith.constant 0 : i32
      %dma_wait3A_137 = arith.constant 0 : i32
      %dma_wait3A_138 = tpu.memref_slice %arg21[%dma_wait3A_136, %dma_wait3A_137] : memref<10240x16xf32, #tpu.memory_space<vmem_shared>> -> memref<10240x16xf32, #tpu.memory_space<vmem_shared>>
      tpu.wait_indirect_dma semaphore(%arg25 : memref<!tpu.dma_semaphore, #tpu.memory_space<semaphore_mem>>) src(%arg11 : memref<1024x16xf32, #tpu.memory_space<vmem>>) dst(%dma_wait3A_138 : memref<10240x16xf32, #tpu.memory_space<vmem_shared>>)
    }
    %scan3A_58 = arith.constant 10 : i32
    %barrier3A_59 = arith.constant 0 : index
    tpu.barrier barrier_id(%barrier3A_59)
    "tpu.region"() ({
      %run_scoped3A_78 = tpu.sem_alloc : memref<!tpu.dma_semaphore, #tpu.memory_space<semaphore_mem>>
      %dma_start3A_79 = arith.constant 0 : i32
      %dma_start3A_80 = tpu.memref_slice %arg21[%mul3A_4, %dma_start3A_79] : memref<10240x16xf32, #tpu.memory_space<vmem_shared>> -> memref<640x16xf32, #tpu.memory_space<vmem_shared>>
      %dma_start3A_81 = arith.constant 0 : i32
      %dma_start3A_82 = tpu.memref_slice %arg21[%mul3A_4, %dma_start3A_81] : memref<10240x16xf32, #tpu.memory_space<vmem_shared>> -> memref<640x16xf32, #tpu.memory_space<vmem_shared>>
      tpu.enqueue_dma source(%dma_start3A_82 : memref<640x16xf32, #tpu.memory_space<vmem_shared>>) target(%arg12 : memref<640x16xf32, #tpu.memory_space<vmem>>) target_semaphore(%run_scoped3A_78 : memref<!tpu.dma_semaphore, #tpu.memory_space<semaphore_mem>>)
      %dma_wait3A = arith.constant 0 : i32
      %dma_wait3A_83 = tpu.memref_slice %arg21[%mul3A_4, %dma_wait3A] : memref<10240x16xf32, #tpu.memory_space<vmem_shared>> -> memref<640x16xf32, #tpu.memory_space<vmem_shared>>
      %dma_wait3A_84 = arith.constant 0 : i32
      %dma_wait3A_85 = tpu.memref_slice %arg21[%mul3A_4, %dma_wait3A_84] : memref<10240x16xf32, #tpu.memory_space<vmem_shared>> -> memref<640x16xf32, #tpu.memory_space<vmem_shared>>
      tpu.wait_dma2 semaphore(%run_scoped3A_78 : memref<!tpu.dma_semaphore, #tpu.memory_space<semaphore_mem>>) src(%dma_wait3A_85 : memref<640x16xf32, #tpu.memory_space<vmem_shared>>) dst(%arg12 : memref<640x16xf32, #tpu.memory_space<vmem>>)
      tpu.yield
    }) : () -> ()
    "tpu.region"() ({
      %run_scoped3A_78 = tpu.sem_alloc : memref<!tpu.dma_semaphore, #tpu.memory_space<semaphore_mem>>
      %dma_start3A_79 = tpu.memref_slice %arg19[%mul3A_4] : memref<10240xf32, #tpu.memory_space<vmem_shared>> -> memref<640xf32, #tpu.memory_space<vmem_shared>>
      %dma_start3A_80 = tpu.memref_slice %arg19[%mul3A_4] : memref<10240xf32, #tpu.memory_space<vmem_shared>> -> memref<640xf32, #tpu.memory_space<vmem_shared>>
      tpu.enqueue_dma source(%dma_start3A_80 : memref<640xf32, #tpu.memory_space<vmem_shared>>) target(%arg15 : memref<640xf32, #tpu.memory_space<vmem>>) target_semaphore(%run_scoped3A_78 : memref<!tpu.dma_semaphore, #tpu.memory_space<semaphore_mem>>)
      %dma_wait3A = tpu.memref_slice %arg19[%mul3A_4] : memref<10240xf32, #tpu.memory_space<vmem_shared>> -> memref<640xf32, #tpu.memory_space<vmem_shared>>
      %dma_wait3A_81 = tpu.memref_slice %arg19[%mul3A_4] : memref<10240xf32, #tpu.memory_space<vmem_shared>> -> memref<640xf32, #tpu.memory_space<vmem_shared>>
      tpu.wait_dma2 semaphore(%run_scoped3A_78 : memref<!tpu.dma_semaphore, #tpu.memory_space<semaphore_mem>>) src(%dma_wait3A_81 : memref<640xf32, #tpu.memory_space<vmem_shared>>) dst(%arg15 : memref<640xf32, #tpu.memory_space<vmem>>)
      tpu.yield
    }) : () -> ()
    %run_scoped3A_60 = arith.constant 0 : i32
    "tpu.region"() ({
      %run_scoped3A_78 = tpu.sem_alloc : memref<!tpu.dma_semaphore, #tpu.memory_space<semaphore_mem>>
      %dma_start3A_79 = arith.constant 0 : i32
      %dma_start3A_80 = tpu.memref_slice %arg18[%run_scoped3A_60, %dma_start3A_79] : memref<16x16xf32, #tpu.memory_space<vmem>> -> memref<1x16xf32, #tpu.memory_space<vmem>>
      %dma_start3A_81 = tpu.memref_squeeze %dma_start3A_80 : memref<1x16xf32, #tpu.memory_space<vmem>> -> memref<16xf32, #tpu.memory_space<vmem>>
      %dma_start3A_82 = arith.constant 0 : i32
      %dma_start3A_83 = tpu.memref_slice %arg4[%arg0, %dma_start3A_82] : memref<2x16xf32, #tpu.memory_space<hbm>> -> memref<1x16xf32, #tpu.memory_space<hbm>>
      %dma_start3A_84 = tpu.memref_squeeze %dma_start3A_83 : memref<1x16xf32, #tpu.memory_space<hbm>> -> memref<16xf32, #tpu.memory_space<hbm>>
      %dma_start3A_85 = arith.constant 0 : i32
      %dma_start3A_86 = tpu.memref_slice %arg18[%run_scoped3A_60, %dma_start3A_85] : memref<16x16xf32, #tpu.memory_space<vmem>> -> memref<1x16xf32, #tpu.memory_space<vmem>>
      %dma_start3A_87 = tpu.memref_squeeze %dma_start3A_86 : memref<1x16xf32, #tpu.memory_space<vmem>> -> memref<16xf32, #tpu.memory_space<vmem>>
      %dma_start3A_88 = arith.constant 0 : i32
      %dma_start3A_89 = tpu.memref_slice %arg4[%arg0, %dma_start3A_88] : memref<2x16xf32, #tpu.memory_space<hbm>> -> memref<1x16xf32, #tpu.memory_space<hbm>>
      %dma_start3A_90 = tpu.memref_squeeze %dma_start3A_89 : memref<1x16xf32, #tpu.memory_space<hbm>> -> memref<16xf32, #tpu.memory_space<hbm>>
      tpu.enqueue_dma source(%dma_start3A_90 : memref<16xf32, #tpu.memory_space<hbm>>) target(%dma_start3A_87 : memref<16xf32, #tpu.memory_space<vmem>>) target_semaphore(%run_scoped3A_78 : memref<!tpu.dma_semaphore, #tpu.memory_space<semaphore_mem>>)
      %dma_wait3A = arith.constant 0 : i32
      %dma_wait3A_91 = tpu.memref_slice %arg18[%run_scoped3A_60, %dma_wait3A] : memref<16x16xf32, #tpu.memory_space<vmem>> -> memref<1x16xf32, #tpu.memory_space<vmem>>
      %dma_wait3A_92 = tpu.memref_squeeze %dma_wait3A_91 : memref<1x16xf32, #tpu.memory_space<vmem>> -> memref<16xf32, #tpu.memory_space<vmem>>
      %dma_wait3A_93 = arith.constant 0 : i32
      %dma_wait3A_94 = tpu.memref_slice %arg4[%arg0, %dma_wait3A_93] : memref<2x16xf32, #tpu.memory_space<hbm>> -> memref<1x16xf32, #tpu.memory_space<hbm>>
      %dma_wait3A_95 = tpu.memref_squeeze %dma_wait3A_94 : memref<1x16xf32, #tpu.memory_space<hbm>> -> memref<16xf32, #tpu.memory_space<hbm>>
      %dma_wait3A_96 = arith.constant 0 : i32
      %dma_wait3A_97 = tpu.memref_slice %arg18[%run_scoped3A_60, %dma_wait3A_96] : memref<16x16xf32, #tpu.memory_space<vmem>> -> memref<1x16xf32, #tpu.memory_space<vmem>>
      %dma_wait3A_98 = tpu.memref_squeeze %dma_wait3A_97 : memref<1x16xf32, #tpu.memory_space<vmem>> -> memref<16xf32, #tpu.memory_space<vmem>>
      %dma_wait3A_99 = arith.constant 0 : i32
      %dma_wait3A_100 = tpu.memref_slice %arg4[%arg0, %dma_wait3A_99] : memref<2x16xf32, #tpu.memory_space<hbm>> -> memref<1x16xf32, #tpu.memory_space<hbm>>
      %dma_wait3A_101 = tpu.memref_squeeze %dma_wait3A_100 : memref<1x16xf32, #tpu.memory_space<hbm>> -> memref<16xf32, #tpu.memory_space<hbm>>
      tpu.wait_dma2 semaphore(%run_scoped3A_78 : memref<!tpu.dma_semaphore, #tpu.memory_space<semaphore_mem>>) src(%dma_wait3A_101 : memref<16xf32, #tpu.memory_space<hbm>>) dst(%dma_wait3A_98 : memref<16xf32, #tpu.memory_space<vmem>>)
      tpu.yield
    }) : () -> ()
    %get3A = arith.constant 0 : i32
    %get3A_61 = arith.index_cast %get3A : i32 to index
    %get3A_62 = arith.constant 0 : index
    %get3A_63 = tpu.vector_load %arg18[%get3A_61, %get3A_62] {strides = array<i32>} : memref<16x16xf32, #tpu.memory_space<vmem>>, vector<16xf32>,
    %broadcast_in_dim3A = arith.constant 0.000000e+00 : f32
    %broadcast_in_dim3A_64 = vector.broadcast %broadcast_in_dim3A : f32 to vector<16xf32>
    %scan3A_65 = arith.constant 0 : i32
    %scan3A_66 = arith.constant 40 : i32
    %scan3A_67 = arith.addi %scan3A_65, %scan3A_66 : i32
    %scan3A_68 = arith.constant 1 : i32
    %scan3A_69 = scf.for %scan3A_78 = %scan3A_65 to %scan3A_67 step %scan3A_68 iter_args(%scan3A_79 = %broadcast_in_dim3A_64) -> (vector<16xf32>)  : i32 {
      %mul3A_80 = arith.constant 1 : i32
      %mul3A_81 = arith.muli %scan3A_78, %mul3A_80 : i32
      %add3A_82 = arith.constant 0 : i32
      %add3A_83 = arith.addi %add3A_82, %mul3A_81 : i32
      %mul3A_84 = arith.constant 16 : i32
      %mul3A_85 = arith.muli %add3A_83, %mul3A_84 : i32
      %get3A_86 = arith.index_cast %mul3A_85 : i32 to index
      %get3A_87 = tpu.vector_load %arg16[%get3A_86] {strides = array<i32>} : memref<640xf32, #tpu.memory_space<vmem>>, vector<16xf32>,
      %mul3A_88 = arith.mulf %get3A_87, %get3A_87 : vector<16xf32>
      %mul3A_89 = arith.constant 16 : i32
      %mul3A_90 = arith.muli %add3A_83, %mul3A_89 : i32
      %add3A_91 = arith.addi %mul3A_4, %mul3A_90 : i32
      %iota3A = tpu.iota {dimensions = array<i32: 0>} : vector<16xi32>
      %add3A_92 = vector.broadcast %add3A_91 : i32 to vector<16xi32>
      %add3A_93 = arith.addi %add3A_92, %iota3A : vector<16xi32>
      %lt3A = arith.constant 10000 : i32
      %lt3A_94 = vector.broadcast %lt3A : i32 to vector<16xi32>
      %lt3A_95 = arith.cmpi slt, %add3A_93, %lt3A_94 : vector<16xi32>
      %mul3A_96 = arith.constant 16 : i32
      %mul3A_97 = arith.muli %add3A_83, %mul3A_96 : i32
      %get3A_98 = arith.index_cast %mul3A_97 : i32 to index
      %get3A_99 = tpu.vector_load %arg15[%get3A_98] {strides = array<i32>} : memref<640xf32, #tpu.memory_space<vmem>>, vector<16xf32>,
      %mul3A_100 = arith.mulf %get3A_87, %get3A_99 : vector<16xf32>
      %add3A_101 = arith.addf %mul3A_100, %mul3A_88 : vector<16xf32>
      %jit3A = arith.constant 0.000000e+00 : f32
      %broadcast_in_dim3A_102 = vector.broadcast %jit3A : f32 to vector<16xf32>
      %select_n3A = arith.select %lt3A_95, %add3A_101, %broadcast_in_dim3A_102 : vector<16xi1>, vector<16xf32>
      %slice3A = vector.extract_strided_slice %get3A_87 {offsets = [0], sizes = [1], strides = [1]} : vector<16xf32> to vector<1xf32>
      %squeeze3A = vector.extract %slice3A[0] : f32 from vector<1xf32>
      %mul3A_103 = arith.constant 16 : i32
      %mul3A_104 = arith.muli %add3A_83, %mul3A_103 : i32
      %add3A_105 = arith.constant 0 : i32
      %add3A_106 = arith.addi %mul3A_104, %add3A_105 : i32
      %get3A_107 = arith.index_cast %add3A_106 : i32 to index
      %get3A_108 = arith.constant 0 : index
      %get3A_109 = tpu.vector_load %arg12[%get3A_107, %get3A_108] {strides = array<i32>} : memref<640x16xf32, #tpu.memory_space<vmem>>, vector<16xf32>,
      %mul3A_110 = vector.broadcast %squeeze3A : f32 to vector<16xf32>
      %mul3A_111 = arith.mulf %mul3A_110, %get3A_109 : vector<16xf32>
      %slice3A_112 = vector.extract_strided_slice %mul3A_88 {offsets = [0], sizes = [1], strides = [1]} : vector<16xf32> to vector<1xf32>
      %squeeze3A_113 = vector.extract %slice3A_112[0] : f32 from vector<1xf32>
      %mul3A_114 = arith.constant 16 : i32
      %mul3A_115 = arith.muli %add3A_83, %mul3A_114 : i32
      %add3A_116 = arith.constant 0 : i32
      %add3A_117 = arith.addi %mul3A_115, %add3A_116 : i32
      %get3A_118 = arith.index_cast %add3A_117 : i32 to index
      %get3A_119 = arith.constant 0 : index
      %get3A_120 = tpu.vector_load %arg13[%get3A_118, %get3A_119] {strides = array<i32>} : memref<640x16xf32, #tpu.memory_space<vmem>>, vector<16xf32>,
      %mul3A_121 = vector.broadcast %squeeze3A_113 : f32 to vector<16xf32>
      %mul3A_122 = arith.mulf %mul3A_121, %get3A_120 : vector<16xf32>
      %add3A_123 = arith.addf %mul3A_111, %mul3A_122 : vector<16xf32>
      %add3A_124 = arith.addf %add3A_123, %get3A_63 : vector<16xf32>
      %max3A = arith.constant 0.000000e+00 : f32
      %max3A_125 = vector.broadcast %max3A : f32 to vector<16xf32>
      %max3A_126 = arith.maximumf %add3A_124, %max3A_125 : vector<16xf32>
      %slice3A_127 = vector.extract_strided_slice %select_n3A {offsets = [0], sizes = [1], strides = [1]} : vector<16xf32> to vector<1xf32>
      %squeeze3A_128 = vector.extract %slice3A_127[0] : f32 from vector<1xf32>
      %mul3A_129 = vector.broadcast %squeeze3A_128 : f32 to vector<16xf32>
      %mul3A_130 = arith.mulf %mul3A_129, %max3A_126 : vector<16xf32>
      %add3A_131 = arith.addf %scan3A_79, %mul3A_130 : vector<16xf32>
      %slice3A_132 = vector.extract_strided_slice %get3A_87 {offsets = [1], sizes = [1], strides = [1]} : vector<16xf32> to vector<1xf32>
      %squeeze3A_133 = vector.extract %slice3A_132[0] : f32 from vector<1xf32>
      %mul3A_134 = arith.constant 16 : i32
      %mul3A_135 = arith.muli %add3A_83, %mul3A_134 : i32
      %add3A_136 = arith.constant 1 : i32
      %add3A_137 = arith.addi %mul3A_135, %add3A_136 : i32
      %get3A_138 = arith.index_cast %add3A_137 : i32 to index
      %get3A_139 = arith.constant 0 : index
      %get3A_140 = tpu.vector_load %arg12[%get3A_138, %get3A_139] {strides = array<i32>} : memref<640x16xf32, #tpu.memory_space<vmem>>, vector<16xf32>,
      %mul3A_141 = vector.broadcast %squeeze3A_133 : f32 to vector<16xf32>
      %mul3A_142 = arith.mulf %mul3A_141, %get3A_140 : vector<16xf32>
      %slice3A_143 = vector.extract_strided_slice %mul3A_88 {offsets = [1], sizes = [1], strides = [1]} : vector<16xf32> to vector<1xf32>
      %squeeze3A_144 = vector.extract %slice3A_143[0] : f32 from vector<1xf32>
      %mul3A_145 = arith.constant 16 : i32
      %mul3A_146 = arith.muli %add3A_83, %mul3A_145 : i32
      %add3A_147 = arith.constant 1 : i32
      %add3A_148 = arith.addi %mul3A_146, %add3A_147 : i32
      %get3A_149 = arith.index_cast %add3A_148 : i32 to index
      %get3A_150 = arith.constant 0 : index
      %get3A_151 = tpu.vector_load %arg13[%get3A_149, %get3A_150] {strides = array<i32>} : memref<640x16xf32, #tpu.memory_space<vmem>>, vector<16xf32>,
      %mul3A_152 = vector.broadcast %squeeze3A_144 : f32 to vector<16xf32>
      %mul3A_153 = arith.mulf %mul3A_152, %get3A_151 : vector<16xf32>
      %add3A_154 = arith.addf %mul3A_142, %mul3A_153 : vector<16xf32>
      %add3A_155 = arith.addf %add3A_154, %get3A_63 : vector<16xf32>
      %max3A_156 = arith.constant 0.000000e+00 : f32
      %max3A_157 = vector.broadcast %max3A_156 : f32 to vector<16xf32>
      %max3A_158 = arith.maximumf %add3A_155, %max3A_157 : vector<16xf32>
      %slice3A_159 = vector.extract_strided_slice %select_n3A {offsets = [1], sizes = [1], strides = [1]} : vector<16xf32> to vector<1xf32>
      %squeeze3A_160 = vector.extract %slice3A_159[0] : f32 from vector<1xf32>
      %mul3A_161 = vector.broadcast %squeeze3A_160 : f32 to vector<16xf32>
      %mul3A_162 = arith.mulf %mul3A_161, %max3A_158 : vector<16xf32>
      %add3A_163 = arith.addf %add3A_131, %mul3A_162 : vector<16xf32>
      %slice3A_164 = vector.extract_strided_slice %get3A_87 {offsets = [2], sizes = [1], strides = [1]} : vector<16xf32> to vector<1xf32>
      %squeeze3A_165 = vector.extract %slice3A_164[0] : f32 from vector<1xf32>
      %mul3A_166 = arith.constant 16 : i32
      %mul3A_167 = arith.muli %add3A_83, %mul3A_166 : i32
      %add3A_168 = arith.constant 2 : i32
      %add3A_169 = arith.addi %mul3A_167, %add3A_168 : i32
      %get3A_170 = arith.index_cast %add3A_169 : i32 to index
      %get3A_171 = arith.constant 0 : index
      %get3A_172 = tpu.vector_load %arg12[%get3A_170, %get3A_171] {strides = array<i32>} : memref<640x16xf32, #tpu.memory_space<vmem>>, vector<16xf32>,
      %mul3A_173 = vector.broadcast %squeeze3A_165 : f32 to vector<16xf32>
      %mul3A_174 = arith.mulf %mul3A_173, %get3A_172 : vector<16xf32>
      %slice3A_175 = vector.extract_strided_slice %mul3A_88 {offsets = [2], sizes = [1], strides = [1]} : vector<16xf32> to vector<1xf32>
      %squeeze3A_176 = vector.extract %slice3A_175[0] : f32 from vector<1xf32>
      %mul3A_177 = arith.constant 16 : i32
      %mul3A_178 = arith.muli %add3A_83, %mul3A_177 : i32
      %add3A_179 = arith.constant 2 : i32
      %add3A_180 = arith.addi %mul3A_178, %add3A_179 : i32
      %get3A_181 = arith.index_cast %add3A_180 : i32 to index
      %get3A_182 = arith.constant 0 : index
      %get3A_183 = tpu.vector_load %arg13[%get3A_181, %get3A_182] {strides = array<i32>} : memref<640x16xf32, #tpu.memory_space<vmem>>, vector<16xf32>,
      %mul3A_184 = vector.broadcast %squeeze3A_176 : f32 to vector<16xf32>
      %mul3A_185 = arith.mulf %mul3A_184, %get3A_183 : vector<16xf32>
      %add3A_186 = arith.addf %mul3A_174, %mul3A_185 : vector<16xf32>
      %add3A_187 = arith.addf %add3A_186, %get3A_63 : vector<16xf32>
      %max3A_188 = arith.constant 0.000000e+00 : f32
      %max3A_189 = vector.broadcast %max3A_188 : f32 to vector<16xf32>
      %max3A_190 = arith.maximumf %add3A_187, %max3A_189 : vector<16xf32>
      %slice3A_191 = vector.extract_strided_slice %select_n3A {offsets = [2], sizes = [1], strides = [1]} : vector<16xf32> to vector<1xf32>
      %squeeze3A_192 = vector.extract %slice3A_191[0] : f32 from vector<1xf32>
      %mul3A_193 = vector.broadcast %squeeze3A_192 : f32 to vector<16xf32>
      %mul3A_194 = arith.mulf %mul3A_193, %max3A_190 : vector<16xf32>
      %add3A_195 = arith.addf %add3A_163, %mul3A_194 : vector<16xf32>
      %slice3A_196 = vector.extract_strided_slice %get3A_87 {offsets = [3], sizes = [1], strides = [1]} : vector<16xf32> to vector<1xf32>
      %squeeze3A_197 = vector.extract %slice3A_196[0] : f32 from vector<1xf32>
      %mul3A_198 = arith.constant 16 : i32
      %mul3A_199 = arith.muli %add3A_83, %mul3A_198 : i32
      %add3A_200 = arith.constant 3 : i32
      %add3A_201 = arith.addi %mul3A_199, %add3A_200 : i32
      %get3A_202 = arith.index_cast %add3A_201 : i32 to index
      %get3A_203 = arith.constant 0 : index
      %get3A_204 = tpu.vector_load %arg12[%get3A_202, %get3A_203] {strides = array<i32>} : memref<640x16xf32, #tpu.memory_space<vmem>>, vector<16xf32>,
      %mul3A_205 = vector.broadcast %squeeze3A_197 : f32 to vector<16xf32>
      %mul3A_206 = arith.mulf %mul3A_205, %get3A_204 : vector<16xf32>
      %slice3A_207 = vector.extract_strided_slice %mul3A_88 {offsets = [3], sizes = [1], strides = [1]} : vector<16xf32> to vector<1xf32>
      %squeeze3A_208 = vector.extract %slice3A_207[0] : f32 from vector<1xf32>
      %mul3A_209 = arith.constant 16 : i32
      %mul3A_210 = arith.muli %add3A_83, %mul3A_209 : i32
      %add3A_211 = arith.constant 3 : i32
      %add3A_212 = arith.addi %mul3A_210, %add3A_211 : i32
      %get3A_213 = arith.index_cast %add3A_212 : i32 to index
      %get3A_214 = arith.constant 0 : index
      %get3A_215 = tpu.vector_load %arg13[%get3A_213, %get3A_214] {strides = array<i32>} : memref<640x16xf32, #tpu.memory_space<vmem>>, vector<16xf32>,
      %mul3A_216 = vector.broadcast %squeeze3A_208 : f32 to vector<16xf32>
      %mul3A_217 = arith.mulf %mul3A_216, %get3A_215 : vector<16xf32>
      %add3A_218 = arith.addf %mul3A_206, %mul3A_217 : vector<16xf32>
      %add3A_219 = arith.addf %add3A_218, %get3A_63 : vector<16xf32>
      %max3A_220 = arith.constant 0.000000e+00 : f32
      %max3A_221 = vector.broadcast %max3A_220 : f32 to vector<16xf32>
      %max3A_222 = arith.maximumf %add3A_219, %max3A_221 : vector<16xf32>
      %slice3A_223 = vector.extract_strided_slice %select_n3A {offsets = [3], sizes = [1], strides = [1]} : vector<16xf32> to vector<1xf32>
      %squeeze3A_224 = vector.extract %slice3A_223[0] : f32 from vector<1xf32>
      %mul3A_225 = vector.broadcast %squeeze3A_224 : f32 to vector<16xf32>
      %mul3A_226 = arith.mulf %mul3A_225, %max3A_222 : vector<16xf32>
      %add3A_227 = arith.addf %add3A_195, %mul3A_226 : vector<16xf32>
      %slice3A_228 = vector.extract_strided_slice %get3A_87 {offsets = [4], sizes = [1], strides = [1]} : vector<16xf32> to vector<1xf32>
      %squeeze3A_229 = vector.extract %slice3A_228[0] : f32 from vector<1xf32>
      %mul3A_230 = arith.constant 16 : i32
      %mul3A_231 = arith.muli %add3A_83, %mul3A_230 : i32
      %add3A_232 = arith.constant 4 : i32
      %add3A_233 = arith.addi %mul3A_231, %add3A_232 : i32
      %get3A_234 = arith.index_cast %add3A_233 : i32 to index
      %get3A_235 = arith.constant 0 : index
      %get3A_236 = tpu.vector_load %arg12[%get3A_234, %get3A_235] {strides = array<i32>} : memref<640x16xf32, #tpu.memory_space<vmem>>, vector<16xf32>,
      %mul3A_237 = vector.broadcast %squeeze3A_229 : f32 to vector<16xf32>
      %mul3A_238 = arith.mulf %mul3A_237, %get3A_236 : vector<16xf32>
      %slice3A_239 = vector.extract_strided_slice %mul3A_88 {offsets = [4], sizes = [1], strides = [1]} : vector<16xf32> to vector<1xf32>
      %squeeze3A_240 = vector.extract %slice3A_239[0] : f32 from vector<1xf32>
      %mul3A_241 = arith.constant 16 : i32
      %mul3A_242 = arith.muli %add3A_83, %mul3A_241 : i32
      %add3A_243 = arith.constant 4 : i32
      %add3A_244 = arith.addi %mul3A_242, %add3A_243 : i32
      %get3A_245 = arith.index_cast %add3A_244 : i32 to index
      %get3A_246 = arith.constant 0 : index
      %get3A_247 = tpu.vector_load %arg13[%get3A_245, %get3A_246] {strides = array<i32>} : memref<640x16xf32, #tpu.memory_space<vmem>>, vector<16xf32>,
      %mul3A_248 = vector.broadcast %squeeze3A_240 : f32 to vector<16xf32>
      %mul3A_249 = arith.mulf %mul3A_248, %get3A_247 : vector<16xf32>
      %add3A_250 = arith.addf %mul3A_238, %mul3A_249 : vector<16xf32>
      %add3A_251 = arith.addf %add3A_250, %get3A_63 : vector<16xf32>
      %max3A_252 = arith.constant 0.000000e+00 : f32
      %max3A_253 = vector.broadcast %max3A_252 : f32 to vector<16xf32>
      %max3A_254 = arith.maximumf %add3A_251, %max3A_253 : vector<16xf32>
      %slice3A_255 = vector.extract_strided_slice %select_n3A {offsets = [4], sizes = [1], strides = [1]} : vector<16xf32> to vector<1xf32>
      %squeeze3A_256 = vector.extract %slice3A_255[0] : f32 from vector<1xf32>
      %mul3A_257 = vector.broadcast %squeeze3A_256 : f32 to vector<16xf32>
      %mul3A_258 = arith.mulf %mul3A_257, %max3A_254 : vector<16xf32>
      %add3A_259 = arith.addf %add3A_227, %mul3A_258 : vector<16xf32>
      %slice3A_260 = vector.extract_strided_slice %get3A_87 {offsets = [5], sizes = [1], strides = [1]} : vector<16xf32> to vector<1xf32>
      %squeeze3A_261 = vector.extract %slice3A_260[0] : f32 from vector<1xf32>
      %mul3A_262 = arith.constant 16 : i32
      %mul3A_263 = arith.muli %add3A_83, %mul3A_262 : i32
      %add3A_264 = arith.constant 5 : i32
      %add3A_265 = arith.addi %mul3A_263, %add3A_264 : i32
      %get3A_266 = arith.index_cast %add3A_265 : i32 to index
      %get3A_267 = arith.constant 0 : index
      %get3A_268 = tpu.vector_load %arg12[%get3A_266, %get3A_267] {strides = array<i32>} : memref<640x16xf32, #tpu.memory_space<vmem>>, vector<16xf32>,
      %mul3A_269 = vector.broadcast %squeeze3A_261 : f32 to vector<16xf32>
      %mul3A_270 = arith.mulf %mul3A_269, %get3A_268 : vector<16xf32>
      %slice3A_271 = vector.extract_strided_slice %mul3A_88 {offsets = [5], sizes = [1], strides = [1]} : vector<16xf32> to vector<1xf32>
      %squeeze3A_272 = vector.extract %slice3A_271[0] : f32 from vector<1xf32>
      %mul3A_273 = arith.constant 16 : i32
      %mul3A_274 = arith.muli %add3A_83, %mul3A_273 : i32
      %add3A_275 = arith.constant 5 : i32
      %add3A_276 = arith.addi %mul3A_274, %add3A_275 : i32
      %get3A_277 = arith.index_cast %add3A_276 : i32 to index
      %get3A_278 = arith.constant 0 : index
      %get3A_279 = tpu.vector_load %arg13[%get3A_277, %get3A_278] {strides = array<i32>} : memref<640x16xf32, #tpu.memory_space<vmem>>, vector<16xf32>,
      %mul3A_280 = vector.broadcast %squeeze3A_272 : f32 to vector<16xf32>
      %mul3A_281 = arith.mulf %mul3A_280, %get3A_279 : vector<16xf32>
      %add3A_282 = arith.addf %mul3A_270, %mul3A_281 : vector<16xf32>
      %add3A_283 = arith.addf %add3A_282, %get3A_63 : vector<16xf32>
      %max3A_284 = arith.constant 0.000000e+00 : f32
      %max3A_285 = vector.broadcast %max3A_284 : f32 to vector<16xf32>
      %max3A_286 = arith.maximumf %add3A_283, %max3A_285 : vector<16xf32>
      %slice3A_287 = vector.extract_strided_slice %select_n3A {offsets = [5], sizes = [1], strides = [1]} : vector<16xf32> to vector<1xf32>
      %squeeze3A_288 = vector.extract %slice3A_287[0] : f32 from vector<1xf32>
      %mul3A_289 = vector.broadcast %squeeze3A_288 : f32 to vector<16xf32>
      %mul3A_290 = arith.mulf %mul3A_289, %max3A_286 : vector<16xf32>
      %add3A_291 = arith.addf %add3A_259, %mul3A_290 : vector<16xf32>
      %slice3A_292 = vector.extract_strided_slice %get3A_87 {offsets = [6], sizes = [1], strides = [1]} : vector<16xf32> to vector<1xf32>
      %squeeze3A_293 = vector.extract %slice3A_292[0] : f32 from vector<1xf32>
      %mul3A_294 = arith.constant 16 : i32
      %mul3A_295 = arith.muli %add3A_83, %mul3A_294 : i32
      %add3A_296 = arith.constant 6 : i32
      %add3A_297 = arith.addi %mul3A_295, %add3A_296 : i32
      %get3A_298 = arith.index_cast %add3A_297 : i32 to index
      %get3A_299 = arith.constant 0 : index
      %get3A_300 = tpu.vector_load %arg12[%get3A_298, %get3A_299] {strides = array<i32>} : memref<640x16xf32, #tpu.memory_space<vmem>>, vector<16xf32>,
      %mul3A_301 = vector.broadcast %squeeze3A_293 : f32 to vector<16xf32>
      %mul3A_302 = arith.mulf %mul3A_301, %get3A_300 : vector<16xf32>
      %slice3A_303 = vector.extract_strided_slice %mul3A_88 {offsets = [6], sizes = [1], strides = [1]} : vector<16xf32> to vector<1xf32>
      %squeeze3A_304 = vector.extract %slice3A_303[0] : f32 from vector<1xf32>
      %mul3A_305 = arith.constant 16 : i32
      %mul3A_306 = arith.muli %add3A_83, %mul3A_305 : i32
      %add3A_307 = arith.constant 6 : i32
      %add3A_308 = arith.addi %mul3A_306, %add3A_307 : i32
      %get3A_309 = arith.index_cast %add3A_308 : i32 to index
      %get3A_310 = arith.constant 0 : index
      %get3A_311 = tpu.vector_load %arg13[%get3A_309, %get3A_310] {strides = array<i32>} : memref<640x16xf32, #tpu.memory_space<vmem>>, vector<16xf32>,
      %mul3A_312 = vector.broadcast %squeeze3A_304 : f32 to vector<16xf32>
      %mul3A_313 = arith.mulf %mul3A_312, %get3A_311 : vector<16xf32>
      %add3A_314 = arith.addf %mul3A_302, %mul3A_313 : vector<16xf32>
      %add3A_315 = arith.addf %add3A_314, %get3A_63 : vector<16xf32>
      %max3A_316 = arith.constant 0.000000e+00 : f32
      %max3A_317 = vector.broadcast %max3A_316 : f32 to vector<16xf32>
      %max3A_318 = arith.maximumf %add3A_315, %max3A_317 : vector<16xf32>
      %slice3A_319 = vector.extract_strided_slice %select_n3A {offsets = [6], sizes = [1], strides = [1]} : vector<16xf32> to vector<1xf32>
      %squeeze3A_320 = vector.extract %slice3A_319[0] : f32 from vector<1xf32>
      %mul3A_321 = vector.broadcast %squeeze3A_320 : f32 to vector<16xf32>
      %mul3A_322 = arith.mulf %mul3A_321, %max3A_318 : vector<16xf32>
      %add3A_323 = arith.addf %add3A_291, %mul3A_322 : vector<16xf32>
      %slice3A_324 = vector.extract_strided_slice %get3A_87 {offsets = [7], sizes = [1], strides = [1]} : vector<16xf32> to vector<1xf32>
      %squeeze3A_325 = vector.extract %slice3A_324[0] : f32 from vector<1xf32>
      %mul3A_326 = arith.constant 16 : i32
      %mul3A_327 = arith.muli %add3A_83, %mul3A_326 : i32
      %add3A_328 = arith.constant 7 : i32
      %add3A_329 = arith.addi %mul3A_327, %add3A_328 : i32
      %get3A_330 = arith.index_cast %add3A_329 : i32 to index
      %get3A_331 = arith.constant 0 : index
      %get3A_332 = tpu.vector_load %arg12[%get3A_330, %get3A_331] {strides = array<i32>} : memref<640x16xf32, #tpu.memory_space<vmem>>, vector<16xf32>,
      %mul3A_333 = vector.broadcast %squeeze3A_325 : f32 to vector<16xf32>
      %mul3A_334 = arith.mulf %mul3A_333, %get3A_332 : vector<16xf32>
      %slice3A_335 = vector.extract_strided_slice %mul3A_88 {offsets = [7], sizes = [1], strides = [1]} : vector<16xf32> to vector<1xf32>
      %squeeze3A_336 = vector.extract %slice3A_335[0] : f32 from vector<1xf32>
      %mul3A_337 = arith.constant 16 : i32
      %mul3A_338 = arith.muli %add3A_83, %mul3A_337 : i32
      %add3A_339 = arith.constant 7 : i32
      %add3A_340 = arith.addi %mul3A_338, %add3A_339 : i32
      %get3A_341 = arith.index_cast %add3A_340 : i32 to index
      %get3A_342 = arith.constant 0 : index
      %get3A_343 = tpu.vector_load %arg13[%get3A_341, %get3A_342] {strides = array<i32>} : memref<640x16xf32, #tpu.memory_space<vmem>>, vector<16xf32>,
      %mul3A_344 = vector.broadcast %squeeze3A_336 : f32 to vector<16xf32>
      %mul3A_345 = arith.mulf %mul3A_344, %get3A_343 : vector<16xf32>
      %add3A_346 = arith.addf %mul3A_334, %mul3A_345 : vector<16xf32>
      %add3A_347 = arith.addf %add3A_346, %get3A_63 : vector<16xf32>
      %max3A_348 = arith.constant 0.000000e+00 : f32
      %max3A_349 = vector.broadcast %max3A_348 : f32 to vector<16xf32>
      %max3A_350 = arith.maximumf %add3A_347, %max3A_349 : vector<16xf32>
      %slice3A_351 = vector.extract_strided_slice %select_n3A {offsets = [7], sizes = [1], strides = [1]} : vector<16xf32> to vector<1xf32>
      %squeeze3A_352 = vector.extract %slice3A_351[0] : f32 from vector<1xf32>
      %mul3A_353 = vector.broadcast %squeeze3A_352 : f32 to vector<16xf32>
      %mul3A_354 = arith.mulf %mul3A_353, %max3A_350 : vector<16xf32>
      %add3A_355 = arith.addf %add3A_323, %mul3A_354 : vector<16xf32>
      %slice3A_356 = vector.extract_strided_slice %get3A_87 {offsets = [8], sizes = [1], strides = [1]} : vector<16xf32> to vector<1xf32>
      %squeeze3A_357 = vector.extract %slice3A_356[0] : f32 from vector<1xf32>
      %mul3A_358 = arith.constant 16 : i32
      %mul3A_359 = arith.muli %add3A_83, %mul3A_358 : i32
      %add3A_360 = arith.constant 8 : i32
      %add3A_361 = arith.addi %mul3A_359, %add3A_360 : i32
      %get3A_362 = arith.index_cast %add3A_361 : i32 to index
      %get3A_363 = arith.constant 0 : index
      %get3A_364 = tpu.vector_load %arg12[%get3A_362, %get3A_363] {strides = array<i32>} : memref<640x16xf32, #tpu.memory_space<vmem>>, vector<16xf32>,
      %mul3A_365 = vector.broadcast %squeeze3A_357 : f32 to vector<16xf32>
      %mul3A_366 = arith.mulf %mul3A_365, %get3A_364 : vector<16xf32>
      %slice3A_367 = vector.extract_strided_slice %mul3A_88 {offsets = [8], sizes = [1], strides = [1]} : vector<16xf32> to vector<1xf32>
      %squeeze3A_368 = vector.extract %slice3A_367[0] : f32 from vector<1xf32>
      %mul3A_369 = arith.constant 16 : i32
      %mul3A_370 = arith.muli %add3A_83, %mul3A_369 : i32
      %add3A_371 = arith.constant 8 : i32
      %add3A_372 = arith.addi %mul3A_370, %add3A_371 : i32
      %get3A_373 = arith.index_cast %add3A_372 : i32 to index
      %get3A_374 = arith.constant 0 : index
      %get3A_375 = tpu.vector_load %arg13[%get3A_373, %get3A_374] {strides = array<i32>} : memref<640x16xf32, #tpu.memory_space<vmem>>, vector<16xf32>,
      %mul3A_376 = vector.broadcast %squeeze3A_368 : f32 to vector<16xf32>
      %mul3A_377 = arith.mulf %mul3A_376, %get3A_375 : vector<16xf32>
      %add3A_378 = arith.addf %mul3A_366, %mul3A_377 : vector<16xf32>
      %add3A_379 = arith.addf %add3A_378, %get3A_63 : vector<16xf32>
      %max3A_380 = arith.constant 0.000000e+00 : f32
      %max3A_381 = vector.broadcast %max3A_380 : f32 to vector<16xf32>
      %max3A_382 = arith.maximumf %add3A_379, %max3A_381 : vector<16xf32>
      %slice3A_383 = vector.extract_strided_slice %select_n3A {offsets = [8], sizes = [1], strides = [1]} : vector<16xf32> to vector<1xf32>
      %squeeze3A_384 = vector.extract %slice3A_383[0] : f32 from vector<1xf32>
      %mul3A_385 = vector.broadcast %squeeze3A_384 : f32 to vector<16xf32>
      %mul3A_386 = arith.mulf %mul3A_385, %max3A_382 : vector<16xf32>
      %add3A_387 = arith.addf %add3A_355, %mul3A_386 : vector<16xf32>
      %slice3A_388 = vector.extract_strided_slice %get3A_87 {offsets = [9], sizes = [1], strides = [1]} : vector<16xf32> to vector<1xf32>
      %squeeze3A_389 = vector.extract %slice3A_388[0] : f32 from vector<1xf32>
      %mul3A_390 = arith.constant 16 : i32
      %mul3A_391 = arith.muli %add3A_83, %mul3A_390 : i32
      %add3A_392 = arith.constant 9 : i32
      %add3A_393 = arith.addi %mul3A_391, %add3A_392 : i32
      %get3A_394 = arith.index_cast %add3A_393 : i32 to index
      %get3A_395 = arith.constant 0 : index
      %get3A_396 = tpu.vector_load %arg12[%get3A_394, %get3A_395] {strides = array<i32>} : memref<640x16xf32, #tpu.memory_space<vmem>>, vector<16xf32>,
      %mul3A_397 = vector.broadcast %squeeze3A_389 : f32 to vector<16xf32>
      %mul3A_398 = arith.mulf %mul3A_397, %get3A_396 : vector<16xf32>
      %slice3A_399 = vector.extract_strided_slice %mul3A_88 {offsets = [9], sizes = [1], strides = [1]} : vector<16xf32> to vector<1xf32>
      %squeeze3A_400 = vector.extract %slice3A_399[0] : f32 from vector<1xf32>
      %mul3A_401 = arith.constant 16 : i32
      %mul3A_402 = arith.muli %add3A_83, %mul3A_401 : i32
      %add3A_403 = arith.constant 9 : i32
      %add3A_404 = arith.addi %mul3A_402, %add3A_403 : i32
      %get3A_405 = arith.index_cast %add3A_404 : i32 to index
      %get3A_406 = arith.constant 0 : index
      %get3A_407 = tpu.vector_load %arg13[%get3A_405, %get3A_406] {strides = array<i32>} : memref<640x16xf32, #tpu.memory_space<vmem>>, vector<16xf32>,
      %mul3A_408 = vector.broadcast %squeeze3A_400 : f32 to vector<16xf32>
      %mul3A_409 = arith.mulf %mul3A_408, %get3A_407 : vector<16xf32>
      %add3A_410 = arith.addf %mul3A_398, %mul3A_409 : vector<16xf32>
      %add3A_411 = arith.addf %add3A_410, %get3A_63 : vector<16xf32>
      %max3A_412 = arith.constant 0.000000e+00 : f32
      %max3A_413 = vector.broadcast %max3A_412 : f32 to vector<16xf32>
      %max3A_414 = arith.maximumf %add3A_411, %max3A_413 : vector<16xf32>
      %slice3A_415 = vector.extract_strided_slice %select_n3A {offsets = [9], sizes = [1], strides = [1]} : vector<16xf32> to vector<1xf32>
      %squeeze3A_416 = vector.extract %slice3A_415[0] : f32 from vector<1xf32>
      %mul3A_417 = vector.broadcast %squeeze3A_416 : f32 to vector<16xf32>
      %mul3A_418 = arith.mulf %mul3A_417, %max3A_414 : vector<16xf32>
      %add3A_419 = arith.addf %add3A_387, %mul3A_418 : vector<16xf32>
      %slice3A_420 = vector.extract_strided_slice %get3A_87 {offsets = [10], sizes = [1], strides = [1]} : vector<16xf32> to vector<1xf32>
      %squeeze3A_421 = vector.extract %slice3A_420[0] : f32 from vector<1xf32>
      %mul3A_422 = arith.constant 16 : i32
      %mul3A_423 = arith.muli %add3A_83, %mul3A_422 : i32
      %add3A_424 = arith.constant 10 : i32
      %add3A_425 = arith.addi %mul3A_423, %add3A_424 : i32
      %get3A_426 = arith.index_cast %add3A_425 : i32 to index
      %get3A_427 = arith.constant 0 : index
      %get3A_428 = tpu.vector_load %arg12[%get3A_426, %get3A_427] {strides = array<i32>} : memref<640x16xf32, #tpu.memory_space<vmem>>, vector<16xf32>,
      %mul3A_429 = vector.broadcast %squeeze3A_421 : f32 to vector<16xf32>
      %mul3A_430 = arith.mulf %mul3A_429, %get3A_428 : vector<16xf32>
      %slice3A_431 = vector.extract_strided_slice %mul3A_88 {offsets = [10], sizes = [1], strides = [1]} : vector<16xf32> to vector<1xf32>
      %squeeze3A_432 = vector.extract %slice3A_431[0] : f32 from vector<1xf32>
      %mul3A_433 = arith.constant 16 : i32
      %mul3A_434 = arith.muli %add3A_83, %mul3A_433 : i32
      %add3A_435 = arith.constant 10 : i32
      %add3A_436 = arith.addi %mul3A_434, %add3A_435 : i32
      %get3A_437 = arith.index_cast %add3A_436 : i32 to index
      %get3A_438 = arith.constant 0 : index
      %get3A_439 = tpu.vector_load %arg13[%get3A_437, %get3A_438] {strides = array<i32>} : memref<640x16xf32, #tpu.memory_space<vmem>>, vector<16xf32>,
      %mul3A_440 = vector.broadcast %squeeze3A_432 : f32 to vector<16xf32>
      %mul3A_441 = arith.mulf %mul3A_440, %get3A_439 : vector<16xf32>
      %add3A_442 = arith.addf %mul3A_430, %mul3A_441 : vector<16xf32>
      %add3A_443 = arith.addf %add3A_442, %get3A_63 : vector<16xf32>
      %max3A_444 = arith.constant 0.000000e+00 : f32
      %max3A_445 = vector.broadcast %max3A_444 : f32 to vector<16xf32>
      %max3A_446 = arith.maximumf %add3A_443, %max3A_445 : vector<16xf32>
      %slice3A_447 = vector.extract_strided_slice %select_n3A {offsets = [10], sizes = [1], strides = [1]} : vector<16xf32> to vector<1xf32>
      %squeeze3A_448 = vector.extract %slice3A_447[0] : f32 from vector<1xf32>
      %mul3A_449 = vector.broadcast %squeeze3A_448 : f32 to vector<16xf32>
      %mul3A_450 = arith.mulf %mul3A_449, %max3A_446 : vector<16xf32>
      %add3A_451 = arith.addf %add3A_419, %mul3A_450 : vector<16xf32>
      %slice3A_452 = vector.extract_strided_slice %get3A_87 {offsets = [11], sizes = [1], strides = [1]} : vector<16xf32> to vector<1xf32>
      %squeeze3A_453 = vector.extract %slice3A_452[0] : f32 from vector<1xf32>
      %mul3A_454 = arith.constant 16 : i32
      %mul3A_455 = arith.muli %add3A_83, %mul3A_454 : i32
      %add3A_456 = arith.constant 11 : i32
      %add3A_457 = arith.addi %mul3A_455, %add3A_456 : i32
      %get3A_458 = arith.index_cast %add3A_457 : i32 to index
      %get3A_459 = arith.constant 0 : index
      %get3A_460 = tpu.vector_load %arg12[%get3A_458, %get3A_459] {strides = array<i32>} : memref<640x16xf32, #tpu.memory_space<vmem>>, vector<16xf32>,
      %mul3A_461 = vector.broadcast %squeeze3A_453 : f32 to vector<16xf32>
      %mul3A_462 = arith.mulf %mul3A_461, %get3A_460 : vector<16xf32>
      %slice3A_463 = vector.extract_strided_slice %mul3A_88 {offsets = [11], sizes = [1], strides = [1]} : vector<16xf32> to vector<1xf32>
      %squeeze3A_464 = vector.extract %slice3A_463[0] : f32 from vector<1xf32>
      %mul3A_465 = arith.constant 16 : i32
      %mul3A_466 = arith.muli %add3A_83, %mul3A_465 : i32
      %add3A_467 = arith.constant 11 : i32
      %add3A_468 = arith.addi %mul3A_466, %add3A_467 : i32
      %get3A_469 = arith.index_cast %add3A_468 : i32 to index
      %get3A_470 = arith.constant 0 : index
      %get3A_471 = tpu.vector_load %arg13[%get3A_469, %get3A_470] {strides = array<i32>} : memref<640x16xf32, #tpu.memory_space<vmem>>, vector<16xf32>,
      %mul3A_472 = vector.broadcast %squeeze3A_464 : f32 to vector<16xf32>
      %mul3A_473 = arith.mulf %mul3A_472, %get3A_471 : vector<16xf32>
      %add3A_474 = arith.addf %mul3A_462, %mul3A_473 : vector<16xf32>
      %add3A_475 = arith.addf %add3A_474, %get3A_63 : vector<16xf32>
      %max3A_476 = arith.constant 0.000000e+00 : f32
      %max3A_477 = vector.broadcast %max3A_476 : f32 to vector<16xf32>
      %max3A_478 = arith.maximumf %add3A_475, %max3A_477 : vector<16xf32>
      %slice3A_479 = vector.extract_strided_slice %select_n3A {offsets = [11], sizes = [1], strides = [1]} : vector<16xf32> to vector<1xf32>
      %squeeze3A_480 = vector.extract %slice3A_479[0] : f32 from vector<1xf32>
      %mul3A_481 = vector.broadcast %squeeze3A_480 : f32 to vector<16xf32>
      %mul3A_482 = arith.mulf %mul3A_481, %max3A_478 : vector<16xf32>
      %add3A_483 = arith.addf %add3A_451, %mul3A_482 : vector<16xf32>
      %slice3A_484 = vector.extract_strided_slice %get3A_87 {offsets = [12], sizes = [1], strides = [1]} : vector<16xf32> to vector<1xf32>
      %squeeze3A_485 = vector.extract %slice3A_484[0] : f32 from vector<1xf32>
      %mul3A_486 = arith.constant 16 : i32
      %mul3A_487 = arith.muli %add3A_83, %mul3A_486 : i32
      %add3A_488 = arith.constant 12 : i32
      %add3A_489 = arith.addi %mul3A_487, %add3A_488 : i32
      %get3A_490 = arith.index_cast %add3A_489 : i32 to index
      %get3A_491 = arith.constant 0 : index
      %get3A_492 = tpu.vector_load %arg12[%get3A_490, %get3A_491] {strides = array<i32>} : memref<640x16xf32, #tpu.memory_space<vmem>>, vector<16xf32>,
      %mul3A_493 = vector.broadcast %squeeze3A_485 : f32 to vector<16xf32>
      %mul3A_494 = arith.mulf %mul3A_493, %get3A_492 : vector<16xf32>
      %slice3A_495 = vector.extract_strided_slice %mul3A_88 {offsets = [12], sizes = [1], strides = [1]} : vector<16xf32> to vector<1xf32>
      %squeeze3A_496 = vector.extract %slice3A_495[0] : f32 from vector<1xf32>
      %mul3A_497 = arith.constant 16 : i32
      %mul3A_498 = arith.muli %add3A_83, %mul3A_497 : i32
      %add3A_499 = arith.constant 12 : i32
      %add3A_500 = arith.addi %mul3A_498, %add3A_499 : i32
      %get3A_501 = arith.index_cast %add3A_500 : i32 to index
      %get3A_502 = arith.constant 0 : index
      %get3A_503 = tpu.vector_load %arg13[%get3A_501, %get3A_502] {strides = array<i32>} : memref<640x16xf32, #tpu.memory_space<vmem>>, vector<16xf32>,
      %mul3A_504 = vector.broadcast %squeeze3A_496 : f32 to vector<16xf32>
      %mul3A_505 = arith.mulf %mul3A_504, %get3A_503 : vector<16xf32>
      %add3A_506 = arith.addf %mul3A_494, %mul3A_505 : vector<16xf32>
      %add3A_507 = arith.addf %add3A_506, %get3A_63 : vector<16xf32>
      %max3A_508 = arith.constant 0.000000e+00 : f32
      %max3A_509 = vector.broadcast %max3A_508 : f32 to vector<16xf32>
      %max3A_510 = arith.maximumf %add3A_507, %max3A_509 : vector<16xf32>
      %slice3A_511 = vector.extract_strided_slice %select_n3A {offsets = [12], sizes = [1], strides = [1]} : vector<16xf32> to vector<1xf32>
      %squeeze3A_512 = vector.extract %slice3A_511[0] : f32 from vector<1xf32>
      %mul3A_513 = vector.broadcast %squeeze3A_512 : f32 to vector<16xf32>
      %mul3A_514 = arith.mulf %mul3A_513, %max3A_510 : vector<16xf32>
      %add3A_515 = arith.addf %add3A_483, %mul3A_514 : vector<16xf32>
      %slice3A_516 = vector.extract_strided_slice %get3A_87 {offsets = [13], sizes = [1], strides = [1]} : vector<16xf32> to vector<1xf32>
      %squeeze3A_517 = vector.extract %slice3A_516[0] : f32 from vector<1xf32>
      %mul3A_518 = arith.constant 16 : i32
      %mul3A_519 = arith.muli %add3A_83, %mul3A_518 : i32
      %add3A_520 = arith.constant 13 : i32
      %add3A_521 = arith.addi %mul3A_519, %add3A_520 : i32
      %get3A_522 = arith.index_cast %add3A_521 : i32 to index
      %get3A_523 = arith.constant 0 : index
      %get3A_524 = tpu.vector_load %arg12[%get3A_522, %get3A_523] {strides = array<i32>} : memref<640x16xf32, #tpu.memory_space<vmem>>, vector<16xf32>,
      %mul3A_525 = vector.broadcast %squeeze3A_517 : f32 to vector<16xf32>
      %mul3A_526 = arith.mulf %mul3A_525, %get3A_524 : vector<16xf32>
      %slice3A_527 = vector.extract_strided_slice %mul3A_88 {offsets = [13], sizes = [1], strides = [1]} : vector<16xf32> to vector<1xf32>
      %squeeze3A_528 = vector.extract %slice3A_527[0] : f32 from vector<1xf32>
      %mul3A_529 = arith.constant 16 : i32
      %mul3A_530 = arith.muli %add3A_83, %mul3A_529 : i32
      %add3A_531 = arith.constant 13 : i32
      %add3A_532 = arith.addi %mul3A_530, %add3A_531 : i32
      %get3A_533 = arith.index_cast %add3A_532 : i32 to index
      %get3A_534 = arith.constant 0 : index
      %get3A_535 = tpu.vector_load %arg13[%get3A_533, %get3A_534] {strides = array<i32>} : memref<640x16xf32, #tpu.memory_space<vmem>>, vector<16xf32>,
      %mul3A_536 = vector.broadcast %squeeze3A_528 : f32 to vector<16xf32>
      %mul3A_537 = arith.mulf %mul3A_536, %get3A_535 : vector<16xf32>
      %add3A_538 = arith.addf %mul3A_526, %mul3A_537 : vector<16xf32>
      %add3A_539 = arith.addf %add3A_538, %get3A_63 : vector<16xf32>
      %max3A_540 = arith.constant 0.000000e+00 : f32
      %max3A_541 = vector.broadcast %max3A_540 : f32 to vector<16xf32>
      %max3A_542 = arith.maximumf %add3A_539, %max3A_541 : vector<16xf32>
      %slice3A_543 = vector.extract_strided_slice %select_n3A {offsets = [13], sizes = [1], strides = [1]} : vector<16xf32> to vector<1xf32>
      %squeeze3A_544 = vector.extract %slice3A_543[0] : f32 from vector<1xf32>
      %mul3A_545 = vector.broadcast %squeeze3A_544 : f32 to vector<16xf32>
      %mul3A_546 = arith.mulf %mul3A_545, %max3A_542 : vector<16xf32>
      %add3A_547 = arith.addf %add3A_515, %mul3A_546 : vector<16xf32>
      %slice3A_548 = vector.extract_strided_slice %get3A_87 {offsets = [14], sizes = [1], strides = [1]} : vector<16xf32> to vector<1xf32>
      %squeeze3A_549 = vector.extract %slice3A_548[0] : f32 from vector<1xf32>
      %mul3A_550 = arith.constant 16 : i32
      %mul3A_551 = arith.muli %add3A_83, %mul3A_550 : i32
      %add3A_552 = arith.constant 14 : i32
      %add3A_553 = arith.addi %mul3A_551, %add3A_552 : i32
      %get3A_554 = arith.index_cast %add3A_553 : i32 to index
      %get3A_555 = arith.constant 0 : index
      %get3A_556 = tpu.vector_load %arg12[%get3A_554, %get3A_555] {strides = array<i32>} : memref<640x16xf32, #tpu.memory_space<vmem>>, vector<16xf32>,
      %mul3A_557 = vector.broadcast %squeeze3A_549 : f32 to vector<16xf32>
      %mul3A_558 = arith.mulf %mul3A_557, %get3A_556 : vector<16xf32>
      %slice3A_559 = vector.extract_strided_slice %mul3A_88 {offsets = [14], sizes = [1], strides = [1]} : vector<16xf32> to vector<1xf32>
      %squeeze3A_560 = vector.extract %slice3A_559[0] : f32 from vector<1xf32>
      %mul3A_561 = arith.constant 16 : i32
      %mul3A_562 = arith.muli %add3A_83, %mul3A_561 : i32
      %add3A_563 = arith.constant 14 : i32
      %add3A_564 = arith.addi %mul3A_562, %add3A_563 : i32
      %get3A_565 = arith.index_cast %add3A_564 : i32 to index
      %get3A_566 = arith.constant 0 : index
      %get3A_567 = tpu.vector_load %arg13[%get3A_565, %get3A_566] {strides = array<i32>} : memref<640x16xf32, #tpu.memory_space<vmem>>, vector<16xf32>,
      %mul3A_568 = vector.broadcast %squeeze3A_560 : f32 to vector<16xf32>
      %mul3A_569 = arith.mulf %mul3A_568, %get3A_567 : vector<16xf32>
      %add3A_570 = arith.addf %mul3A_558, %mul3A_569 : vector<16xf32>
      %add3A_571 = arith.addf %add3A_570, %get3A_63 : vector<16xf32>
      %max3A_572 = arith.constant 0.000000e+00 : f32
      %max3A_573 = vector.broadcast %max3A_572 : f32 to vector<16xf32>
      %max3A_574 = arith.maximumf %add3A_571, %max3A_573 : vector<16xf32>
      %slice3A_575 = vector.extract_strided_slice %select_n3A {offsets = [14], sizes = [1], strides = [1]} : vector<16xf32> to vector<1xf32>
      %squeeze3A_576 = vector.extract %slice3A_575[0] : f32 from vector<1xf32>
      %mul3A_577 = vector.broadcast %squeeze3A_576 : f32 to vector<16xf32>
      %mul3A_578 = arith.mulf %mul3A_577, %max3A_574 : vector<16xf32>
      %add3A_579 = arith.addf %add3A_547, %mul3A_578 : vector<16xf32>
      %slice3A_580 = vector.extract_strided_slice %get3A_87 {offsets = [15], sizes = [1], strides = [1]} : vector<16xf32> to vector<1xf32>
      %squeeze3A_581 = vector.extract %slice3A_580[0] : f32 from vector<1xf32>
      %mul3A_582 = arith.constant 16 : i32
      %mul3A_583 = arith.muli %add3A_83, %mul3A_582 : i32
      %add3A_584 = arith.constant 15 : i32
      %add3A_585 = arith.addi %mul3A_583, %add3A_584 : i32
      %get3A_586 = arith.index_cast %add3A_585 : i32 to index
      %get3A_587 = arith.constant 0 : index
      %get3A_588 = tpu.vector_load %arg12[%get3A_586, %get3A_587] {strides = array<i32>} : memref<640x16xf32, #tpu.memory_space<vmem>>, vector<16xf32>,
      %mul3A_589 = vector.broadcast %squeeze3A_581 : f32 to vector<16xf32>
      %mul3A_590 = arith.mulf %mul3A_589, %get3A_588 : vector<16xf32>
      %slice3A_591 = vector.extract_strided_slice %mul3A_88 {offsets = [15], sizes = [1], strides = [1]} : vector<16xf32> to vector<1xf32>
      %squeeze3A_592 = vector.extract %slice3A_591[0] : f32 from vector<1xf32>
      %mul3A_593 = arith.constant 16 : i32
      %mul3A_594 = arith.muli %add3A_83, %mul3A_593 : i32
      %add3A_595 = arith.constant 15 : i32
      %add3A_596 = arith.addi %mul3A_594, %add3A_595 : i32
      %get3A_597 = arith.index_cast %add3A_596 : i32 to index
      %get3A_598 = arith.constant 0 : index
      %get3A_599 = tpu.vector_load %arg13[%get3A_597, %get3A_598] {strides = array<i32>} : memref<640x16xf32, #tpu.memory_space<vmem>>, vector<16xf32>,
      %mul3A_600 = vector.broadcast %squeeze3A_592 : f32 to vector<16xf32>
      %mul3A_601 = arith.mulf %mul3A_600, %get3A_599 : vector<16xf32>
      %add3A_602 = arith.addf %mul3A_590, %mul3A_601 : vector<16xf32>
      %add3A_603 = arith.addf %add3A_602, %get3A_63 : vector<16xf32>
      %max3A_604 = arith.constant 0.000000e+00 : f32
      %max3A_605 = vector.broadcast %max3A_604 : f32 to vector<16xf32>
      %max3A_606 = arith.maximumf %add3A_603, %max3A_605 : vector<16xf32>
      %slice3A_607 = vector.extract_strided_slice %select_n3A {offsets = [15], sizes = [1], strides = [1]} : vector<16xf32> to vector<1xf32>
      %squeeze3A_608 = vector.extract %slice3A_607[0] : f32 from vector<1xf32>
      %mul3A_609 = vector.broadcast %squeeze3A_608 : f32 to vector<16xf32>
      %mul3A_610 = arith.mulf %mul3A_609, %max3A_606 : vector<16xf32>
      %add3A_611 = arith.addf %add3A_579, %mul3A_610 : vector<16xf32>
      scf.yield %add3A_611 : vector<16xf32>
    }
    %scan3A_70 = arith.constant 40 : i32
    %swap3A = arith.constant 1 : i32
    %swap3A_71 = arith.index_cast %swap3A : i32 to index
    %swap3A_72 = arith.constant 0 : index
    %swap3A_73 = tpu.vector_load %arg18[%swap3A_71, %swap3A_72] {strides = array<i32>} : memref<16x16xf32, #tpu.memory_space<vmem>>, vector<16xf32>,
    tpu.vector_store %arg18[%swap3A_71, %swap3A_72], %scan3A_69 {strides = array<i32>} : memref<16x16xf32, #tpu.memory_space<vmem>>, vector<16xf32>,
    %run_scoped3A_74 = arith.constant 1 : i32
    "tpu.region"() ({
      %run_scoped3A_78 = tpu.sem_alloc : memref<!tpu.dma_semaphore, #tpu.memory_space<semaphore_mem>>
      %dma_start3A_79 = arith.constant 0 : i32
      %dma_start3A_80 = tpu.memref_slice %arg18[%run_scoped3A_74, %dma_start3A_79] : memref<16x16xf32, #tpu.memory_space<vmem>> -> memref<1x16xf32, #tpu.memory_space<vmem>>
      %dma_start3A_81 = tpu.memref_squeeze %dma_start3A_80 : memref<1x16xf32, #tpu.memory_space<vmem>> -> memref<16xf32, #tpu.memory_space<vmem>>
      %dma_start3A_82 = arith.constant 0 : i32
      %dma_start3A_83 = tpu.memref_slice %arg23[%arg1, %dma_start3A_82] : memref<16x16xf32, #tpu.memory_space<vmem_shared>> -> memref<1x16xf32, #tpu.memory_space<vmem_shared>>
      %dma_start3A_84 = tpu.memref_squeeze %dma_start3A_83 : memref<1x16xf32, #tpu.memory_space<vmem_shared>> -> memref<16xf32, #tpu.memory_space<vmem_shared>>
      %dma_start3A_85 = arith.constant 0 : i32
      %dma_start3A_86 = tpu.memref_slice %arg23[%arg1, %dma_start3A_85] : memref<16x16xf32, #tpu.memory_space<vmem_shared>> -> memref<1x16xf32, #tpu.memory_space<vmem_shared>>
      %dma_start3A_87 = tpu.memref_squeeze %dma_start3A_86 : memref<1x16xf32, #tpu.memory_space<vmem_shared>> -> memref<16xf32, #tpu.memory_space<vmem_shared>>
      %dma_start3A_88 = arith.constant 0 : i32
      %dma_start3A_89 = tpu.memref_slice %arg18[%run_scoped3A_74, %dma_start3A_88] : memref<16x16xf32, #tpu.memory_space<vmem>> -> memref<1x16xf32, #tpu.memory_space<vmem>>
      %dma_start3A_90 = tpu.memref_squeeze %dma_start3A_89 : memref<1x16xf32, #tpu.memory_space<vmem>> -> memref<16xf32, #tpu.memory_space<vmem>>
      tpu.enqueue_dma source(%dma_start3A_90 : memref<16xf32, #tpu.memory_space<vmem>>) target(%dma_start3A_87 : memref<16xf32, #tpu.memory_space<vmem_shared>>) target_semaphore(%run_scoped3A_78 : memref<!tpu.dma_semaphore, #tpu.memory_space<semaphore_mem>>)
      %dma_wait3A = arith.constant 0 : i32
      %dma_wait3A_91 = tpu.memref_slice %arg18[%run_scoped3A_74, %dma_wait3A] : memref<16x16xf32, #tpu.memory_space<vmem>> -> memref<1x16xf32, #tpu.memory_space<vmem>>
      %dma_wait3A_92 = tpu.memref_squeeze %dma_wait3A_91 : memref<1x16xf32, #tpu.memory_space<vmem>> -> memref<16xf32, #tpu.memory_space<vmem>>
      %dma_wait3A_93 = arith.constant 0 : i32
      %dma_wait3A_94 = tpu.memref_slice %arg23[%arg1, %dma_wait3A_93] : memref<16x16xf32, #tpu.memory_space<vmem_shared>> -> memref<1x16xf32, #tpu.memory_space<vmem_shared>>
      %dma_wait3A_95 = tpu.memref_squeeze %dma_wait3A_94 : memref<1x16xf32, #tpu.memory_space<vmem_shared>> -> memref<16xf32, #tpu.memory_space<vmem_shared>>
      %dma_wait3A_96 = arith.constant 0 : i32
      %dma_wait3A_97 = tpu.memref_slice %arg23[%arg1, %dma_wait3A_96] : memref<16x16xf32, #tpu.memory_space<vmem_shared>> -> memref<1x16xf32, #tpu.memory_space<vmem_shared>>
      %dma_wait3A_98 = tpu.memref_squeeze %dma_wait3A_97 : memref<1x16xf32, #tpu.memory_space<vmem_shared>> -> memref<16xf32, #tpu.memory_space<vmem_shared>>
      %dma_wait3A_99 = arith.constant 0 : i32
      %dma_wait3A_100 = tpu.memref_slice %arg18[%run_scoped3A_74, %dma_wait3A_99] : memref<16x16xf32, #tpu.memory_space<vmem>> -> memref<1x16xf32, #tpu.memory_space<vmem>>
      %dma_wait3A_101 = tpu.memref_squeeze %dma_wait3A_100 : memref<1x16xf32, #tpu.memory_space<vmem>> -> memref<16xf32, #tpu.memory_space<vmem>>
      tpu.wait_dma2 semaphore(%run_scoped3A_78 : memref<!tpu.dma_semaphore, #tpu.memory_space<semaphore_mem>>) src(%dma_wait3A_101 : memref<16xf32, #tpu.memory_space<vmem>>) dst(%dma_wait3A_98 : memref<16xf32, #tpu.memory_space<vmem_shared>>)
      tpu.yield
    }) : () -> ()
    %barrier3A_75 = arith.constant 0 : index
    tpu.barrier barrier_id(%barrier3A_75)
    %eq3A = arith.constant 0 : i32
    %eq3A_76 = arith.cmpi eq, %arg1, %eq3A : i32
    %convert_element_type3A = arith.extui %eq3A_76 : i1 to i32
    %cond3A = arith.constant 0 : i32
    %cond3A_77 = arith.cmpi ne, %convert_element_type3A, %cond3A : i32
    scf.if %cond3A_77 {
      "tpu.region"() ({
        %run_scoped3A_162 = tpu.sem_alloc : memref<!tpu.dma_semaphore, #tpu.memory_space<semaphore_mem>>
        tpu.enqueue_dma source(%arg23 : memref<16x16xf32, #tpu.memory_space<vmem_shared>>) target(%arg18 : memref<16x16xf32, #tpu.memory_space<vmem>>) target_semaphore(%run_scoped3A_162 : memref<!tpu.dma_semaphore, #tpu.memory_space<semaphore_mem>>)
        tpu.wait_dma2 semaphore(%run_scoped3A_162 : memref<!tpu.dma_semaphore, #tpu.memory_space<semaphore_mem>>) src(%arg23 : memref<16x16xf32, #tpu.memory_space<vmem_shared>>) dst(%arg18 : memref<16x16xf32, #tpu.memory_space<vmem>>)
        tpu.yield
      }) : () -> ()
      %get3A_78 = arith.constant 0 : i32
      %get3A_79 = arith.index_cast %get3A_78 : i32 to index
      %get3A_80 = arith.constant 0 : index
      %get3A_81 = tpu.vector_load %arg18[%get3A_79, %get3A_80] {strides = array<i32>} : memref<16x16xf32, #tpu.memory_space<vmem>>, vector<16xf32>,
      %get3A_82 = arith.constant 1 : i32
      %get3A_83 = arith.index_cast %get3A_82 : i32 to index
      %get3A_84 = arith.constant 0 : index
      %get3A_85 = tpu.vector_load %arg18[%get3A_83, %get3A_84] {strides = array<i32>} : memref<16x16xf32, #tpu.memory_space<vmem>>, vector<16xf32>,
      %add3A_86 = arith.addf %get3A_81, %get3A_85 : vector<16xf32>
      %get3A_87 = arith.constant 2 : i32
      %get3A_88 = arith.index_cast %get3A_87 : i32 to index
      %get3A_89 = arith.constant 0 : index
      %get3A_90 = tpu.vector_load %arg18[%get3A_88, %get3A_89] {strides = array<i32>} : memref<16x16xf32, #tpu.memory_space<vmem>>, vector<16xf32>,
      %add3A_91 = arith.addf %add3A_86, %get3A_90 : vector<16xf32>
      %get3A_92 = arith.constant 3 : i32
      %get3A_93 = arith.index_cast %get3A_92 : i32 to index
      %get3A_94 = arith.constant 0 : index
      %get3A_95 = tpu.vector_load %arg18[%get3A_93, %get3A_94] {strides = array<i32>} : memref<16x16xf32, #tpu.memory_space<vmem>>, vector<16xf32>,
      %add3A_96 = arith.addf %add3A_91, %get3A_95 : vector<16xf32>
      %get3A_97 = arith.constant 4 : i32
      %get3A_98 = arith.index_cast %get3A_97 : i32 to index
      %get3A_99 = arith.constant 0 : index
      %get3A_100 = tpu.vector_load %arg18[%get3A_98, %get3A_99] {strides = array<i32>} : memref<16x16xf32, #tpu.memory_space<vmem>>, vector<16xf32>,
      %add3A_101 = arith.addf %add3A_96, %get3A_100 : vector<16xf32>
      %get3A_102 = arith.constant 5 : i32
      %get3A_103 = arith.index_cast %get3A_102 : i32 to index
      %get3A_104 = arith.constant 0 : index
      %get3A_105 = tpu.vector_load %arg18[%get3A_103, %get3A_104] {strides = array<i32>} : memref<16x16xf32, #tpu.memory_space<vmem>>, vector<16xf32>,
      %add3A_106 = arith.addf %add3A_101, %get3A_105 : vector<16xf32>
      %get3A_107 = arith.constant 6 : i32
      %get3A_108 = arith.index_cast %get3A_107 : i32 to index
      %get3A_109 = arith.constant 0 : index
      %get3A_110 = tpu.vector_load %arg18[%get3A_108, %get3A_109] {strides = array<i32>} : memref<16x16xf32, #tpu.memory_space<vmem>>, vector<16xf32>,
      %add3A_111 = arith.addf %add3A_106, %get3A_110 : vector<16xf32>
      %get3A_112 = arith.constant 7 : i32
      %get3A_113 = arith.index_cast %get3A_112 : i32 to index
      %get3A_114 = arith.constant 0 : index
      %get3A_115 = tpu.vector_load %arg18[%get3A_113, %get3A_114] {strides = array<i32>} : memref<16x16xf32, #tpu.memory_space<vmem>>, vector<16xf32>,
      %add3A_116 = arith.addf %add3A_111, %get3A_115 : vector<16xf32>
      %get3A_117 = arith.constant 8 : i32
      %get3A_118 = arith.index_cast %get3A_117 : i32 to index
      %get3A_119 = arith.constant 0 : index
      %get3A_120 = tpu.vector_load %arg18[%get3A_118, %get3A_119] {strides = array<i32>} : memref<16x16xf32, #tpu.memory_space<vmem>>, vector<16xf32>,
      %add3A_121 = arith.addf %add3A_116, %get3A_120 : vector<16xf32>
      %get3A_122 = arith.constant 9 : i32
      %get3A_123 = arith.index_cast %get3A_122 : i32 to index
      %get3A_124 = arith.constant 0 : index
      %get3A_125 = tpu.vector_load %arg18[%get3A_123, %get3A_124] {strides = array<i32>} : memref<16x16xf32, #tpu.memory_space<vmem>>, vector<16xf32>,
      %add3A_126 = arith.addf %add3A_121, %get3A_125 : vector<16xf32>
      %get3A_127 = arith.constant 10 : i32
      %get3A_128 = arith.index_cast %get3A_127 : i32 to index
      %get3A_129 = arith.constant 0 : index
      %get3A_130 = tpu.vector_load %arg18[%get3A_128, %get3A_129] {strides = array<i32>} : memref<16x16xf32, #tpu.memory_space<vmem>>, vector<16xf32>,
      %add3A_131 = arith.addf %add3A_126, %get3A_130 : vector<16xf32>
      %get3A_132 = arith.constant 11 : i32
      %get3A_133 = arith.index_cast %get3A_132 : i32 to index
      %get3A_134 = arith.constant 0 : index
      %get3A_135 = tpu.vector_load %arg18[%get3A_133, %get3A_134] {strides = array<i32>} : memref<16x16xf32, #tpu.memory_space<vmem>>, vector<16xf32>,
      %add3A_136 = arith.addf %add3A_131, %get3A_135 : vector<16xf32>
      %get3A_137 = arith.constant 12 : i32
      %get3A_138 = arith.index_cast %get3A_137 : i32 to index
      %get3A_139 = arith.constant 0 : index
      %get3A_140 = tpu.vector_load %arg18[%get3A_138, %get3A_139] {strides = array<i32>} : memref<16x16xf32, #tpu.memory_space<vmem>>, vector<16xf32>,
      %add3A_141 = arith.addf %add3A_136, %get3A_140 : vector<16xf32>
      %get3A_142 = arith.constant 13 : i32
      %get3A_143 = arith.index_cast %get3A_142 : i32 to index
      %get3A_144 = arith.constant 0 : index
      %get3A_145 = tpu.vector_load %arg18[%get3A_143, %get3A_144] {strides = array<i32>} : memref<16x16xf32, #tpu.memory_space<vmem>>, vector<16xf32>,
      %add3A_146 = arith.addf %add3A_141, %get3A_145 : vector<16xf32>
      %get3A_147 = arith.constant 14 : i32
      %get3A_148 = arith.index_cast %get3A_147 : i32 to index
      %get3A_149 = arith.constant 0 : index
      %get3A_150 = tpu.vector_load %arg18[%get3A_148, %get3A_149] {strides = array<i32>} : memref<16x16xf32, #tpu.memory_space<vmem>>, vector<16xf32>,
      %add3A_151 = arith.addf %add3A_146, %get3A_150 : vector<16xf32>
      %get3A_152 = arith.constant 15 : i32
      %get3A_153 = arith.index_cast %get3A_152 : i32 to index
      %get3A_154 = arith.constant 0 : index
      %get3A_155 = tpu.vector_load %arg18[%get3A_153, %get3A_154] {strides = array<i32>} : memref<16x16xf32, #tpu.memory_space<vmem>>, vector<16xf32>,
      %add3A_156 = arith.addf %add3A_151, %get3A_155 : vector<16xf32>
      %swap3A_157 = arith.constant 0 : i32
      %swap3A_158 = arith.index_cast %swap3A_157 : i32 to index
      %swap3A_159 = arith.constant 0 : index
      %swap3A_160 = tpu.vector_load %arg18[%swap3A_158, %swap3A_159] {strides = array<i32>} : memref<16x16xf32, #tpu.memory_space<vmem>>, vector<16xf32>,
      tpu.vector_store %arg18[%swap3A_158, %swap3A_159], %add3A_156 {strides = array<i32>} : memref<16x16xf32, #tpu.memory_space<vmem>>, vector<16xf32>,
      %run_scoped3A_161 = arith.constant 0 : i32
      "tpu.region"() ({
        %run_scoped3A_162 = tpu.sem_alloc : memref<!tpu.dma_semaphore, #tpu.memory_space<semaphore_mem>>
        %dma_start3A_163 = arith.constant 0 : i32
        %dma_start3A_164 = tpu.memref_slice %arg18[%run_scoped3A_161, %dma_start3A_163] : memref<16x16xf32, #tpu.memory_space<vmem>> -> memref<1x16xf32, #tpu.memory_space<vmem>>
        %dma_start3A_165 = tpu.memref_squeeze %dma_start3A_164 : memref<1x16xf32, #tpu.memory_space<vmem>> -> memref<16xf32, #tpu.memory_space<vmem>>
        %dma_start3A_166 = arith.constant 0 : i32
        %dma_start3A_167 = tpu.memref_slice %arg5[%arg0, %dma_start3A_166] : memref<2x16xf32, #tpu.memory_space<hbm>> -> memref<1x16xf32, #tpu.memory_space<hbm>>
        %dma_start3A_168 = tpu.memref_squeeze %dma_start3A_167 : memref<1x16xf32, #tpu.memory_space<hbm>> -> memref<16xf32, #tpu.memory_space<hbm>>
        %dma_start3A_169 = arith.constant 0 : i32
        %dma_start3A_170 = tpu.memref_slice %arg5[%arg0, %dma_start3A_169] : memref<2x16xf32, #tpu.memory_space<hbm>> -> memref<1x16xf32, #tpu.memory_space<hbm>>
        %dma_start3A_171 = tpu.memref_squeeze %dma_start3A_170 : memref<1x16xf32, #tpu.memory_space<hbm>> -> memref<16xf32, #tpu.memory_space<hbm>>
        %dma_start3A_172 = arith.constant 0 : i32
        %dma_start3A_173 = tpu.memref_slice %arg18[%run_scoped3A_161, %dma_start3A_172] : memref<16x16xf32, #tpu.memory_space<vmem>> -> memref<1x16xf32, #tpu.memory_space<vmem>>
        %dma_start3A_174 = tpu.memref_squeeze %dma_start3A_173 : memref<1x16xf32, #tpu.memory_space<vmem>> -> memref<16xf32, #tpu.memory_space<vmem>>
        tpu.enqueue_dma source(%dma_start3A_174 : memref<16xf32, #tpu.memory_space<vmem>>) target(%dma_start3A_171 : memref<16xf32, #tpu.memory_space<hbm>>) target_semaphore(%run_scoped3A_162 : memref<!tpu.dma_semaphore, #tpu.memory_space<semaphore_mem>>)
        %dma_wait3A = arith.constant 0 : i32
        %dma_wait3A_175 = tpu.memref_slice %arg18[%run_scoped3A_161, %dma_wait3A] : memref<16x16xf32, #tpu.memory_space<vmem>> -> memref<1x16xf32, #tpu.memory_space<vmem>>
        %dma_wait3A_176 = tpu.memref_squeeze %dma_wait3A_175 : memref<1x16xf32, #tpu.memory_space<vmem>> -> memref<16xf32, #tpu.memory_space<vmem>>
        %dma_wait3A_177 = arith.constant 0 : i32
        %dma_wait3A_178 = tpu.memref_slice %arg5[%arg0, %dma_wait3A_177] : memref<2x16xf32, #tpu.memory_space<hbm>> -> memref<1x16xf32, #tpu.memory_space<hbm>>
        %dma_wait3A_179 = tpu.memref_squeeze %dma_wait3A_178 : memref<1x16xf32, #tpu.memory_space<hbm>> -> memref<16xf32, #tpu.memory_space<hbm>>
        %dma_wait3A_180 = arith.constant 0 : i32
        %dma_wait3A_181 = tpu.memref_slice %arg5[%arg0, %dma_wait3A_180] : memref<2x16xf32, #tpu.memory_space<hbm>> -> memref<1x16xf32, #tpu.memory_space<hbm>>
        %dma_wait3A_182 = tpu.memref_squeeze %dma_wait3A_181 : memref<1x16xf32, #tpu.memory_space<hbm>> -> memref<16xf32, #tpu.memory_space<hbm>>
        %dma_wait3A_183 = arith.constant 0 : i32
        %dma_wait3A_184 = tpu.memref_slice %arg18[%run_scoped3A_161, %dma_wait3A_183] : memref<16x16xf32, #tpu.memory_space<vmem>> -> memref<1x16xf32, #tpu.memory_space<vmem>>
        %dma_wait3A_185 = tpu.memref_squeeze %dma_wait3A_184 : memref<1x16xf32, #tpu.memory_space<vmem>> -> memref<16xf32, #tpu.memory_space<vmem>>
        tpu.wait_dma2 semaphore(%run_scoped3A_162 : memref<!tpu.dma_semaphore, #tpu.memory_space<semaphore_mem>>) src(%dma_wait3A_185 : memref<16xf32, #tpu.memory_space<vmem>>) dst(%dma_wait3A_182 : memref<16xf32, #tpu.memory_space<hbm>>)
        tpu.yield
      }) : () -> ()
    } else {
    }
    return
  }
}

module attributes {stable_mosaic.version = 14 : i64} {
  func.func @_mm_body(%arg0: memref<10000x128xf32, #tpu.memory_space<vmem>>, %arg1: memref<10000x128xf32, #tpu.memory_space<vmem>>, %arg2: memref<128x16xf32, #tpu.memory_space<vmem>>, %arg3: memref<128x16xf32, #tpu.memory_space<vmem>>, %arg4: memref<2x10240x128xf32, #tpu.memory_space<vmem>>) attributes {dimension_semantics = [], scalar_prefetch = 0 : i64, scratch_operands = 0 : i64, tpu.core_type = #tpu.core_type<tc>} {
    %broadcast_in_dim3A = arith.constant 0.000000e+00 : f32
    %broadcast_in_dim3A_0 = vector.broadcast %broadcast_in_dim3A : f32 to vector<240x16xf32>
    %get3A = arith.constant 0 : index
    %get3A_1 = arith.constant 0 : index
    %get3A_2 = vector.load %arg0[%get3A, %get3A_1] : memref<10000x128xf32, #tpu.memory_space<vmem>>, vector<10000x128xf32>
    %get3A_3 = arith.constant 0 : index
    %get3A_4 = arith.constant 0 : index
    %get3A_5 = vector.load %arg2[%get3A_3, %get3A_4] : memref<128x16xf32, #tpu.memory_space<vmem>>, vector<128x16xf32>
    %dot_general3A = arith.constant dense<0.000000e+00> : vector<10000x16xf32>
    %dot_general3A_6 = tpu.matmul %get3A_2, %get3A_5, %dot_general3A {dimension_numbers = #tpu.dot_dimension_numbers<[1], [0], [0], [1], [0, 0, 1, 1], [], []>, transpose_lhs_hint = false} : vector<10000x128xf32>, vector<128x16xf32>, vector<10000x16xf32> -> vector<10000x16xf32>
    %swap3A = arith.constant 0 : index
    %swap3A_7 = arith.constant 0 : index
    %swap3A_8 = arith.constant 0 : index
    %swap3A_9 = vector.load %arg4[%swap3A, %swap3A_7, %swap3A_8] : memref<2x10240x128xf32, #tpu.memory_space<vmem>>, vector<1x10000x16xf32>
    %swap3A_10 = vector.shape_cast %swap3A_9 : vector<1x10000x16xf32> to vector<10000x16xf32>
    %swap3A_11 = vector.shape_cast %dot_general3A_6 : vector<10000x16xf32> to vector<1x10000x16xf32>
    tpu.vector_store %arg4[%swap3A, %swap3A_7, %swap3A_8], %swap3A_11 {strides = array<i32>} : memref<2x10240x128xf32, #tpu.memory_space<vmem>>, vector<1x10000x16xf32>,
    %swap3A_12 = arith.constant 0 : index
    %swap3A_13 = arith.constant 10000 : index
    %swap3A_14 = arith.constant 0 : index
    %swap3A_15 = vector.load %arg4[%swap3A_12, %swap3A_13, %swap3A_14] : memref<2x10240x128xf32, #tpu.memory_space<vmem>>, vector<1x240x16xf32>
    %swap3A_16 = vector.shape_cast %swap3A_15 : vector<1x240x16xf32> to vector<240x16xf32>
    %swap3A_17 = vector.shape_cast %broadcast_in_dim3A_0 : vector<240x16xf32> to vector<1x240x16xf32>
    tpu.vector_store %arg4[%swap3A_12, %swap3A_13, %swap3A_14], %swap3A_17 {strides = array<i32>} : memref<2x10240x128xf32, #tpu.memory_space<vmem>>, vector<1x240x16xf32>,
    %get3A_18 = arith.constant 0 : index
    %get3A_19 = arith.constant 0 : index
    %get3A_20 = vector.load %arg1[%get3A_18, %get3A_19] : memref<10000x128xf32, #tpu.memory_space<vmem>>, vector<10000x128xf32>
    %get3A_21 = arith.constant 0 : index
    %get3A_22 = arith.constant 0 : index
    %get3A_23 = vector.load %arg3[%get3A_21, %get3A_22] : memref<128x16xf32, #tpu.memory_space<vmem>>, vector<128x16xf32>
    %dot_general3A_24 = arith.constant dense<0.000000e+00> : vector<10000x16xf32>
    %dot_general3A_25 = tpu.matmul %get3A_20, %get3A_23, %dot_general3A_24 {dimension_numbers = #tpu.dot_dimension_numbers<[1], [0], [0], [1], [0, 0, 1, 1], [], []>, transpose_lhs_hint = false} : vector<10000x128xf32>, vector<128x16xf32>, vector<10000x16xf32> -> vector<10000x16xf32>
    %swap3A_26 = arith.constant 1 : index
    %swap3A_27 = arith.constant 0 : index
    %swap3A_28 = arith.constant 0 : index
    %swap3A_29 = vector.load %arg4[%swap3A_26, %swap3A_27, %swap3A_28] : memref<2x10240x128xf32, #tpu.memory_space<vmem>>, vector<1x10000x16xf32>
    %swap3A_30 = vector.shape_cast %swap3A_29 : vector<1x10000x16xf32> to vector<10000x16xf32>
    %swap3A_31 = vector.shape_cast %dot_general3A_25 : vector<10000x16xf32> to vector<1x10000x16xf32>
    tpu.vector_store %arg4[%swap3A_26, %swap3A_27, %swap3A_28], %swap3A_31 {strides = array<i32>} : memref<2x10240x128xf32, #tpu.memory_space<vmem>>, vector<1x10000x16xf32>,
    %swap3A_32 = arith.constant 1 : index
    %swap3A_33 = arith.constant 10000 : index
    %swap3A_34 = arith.constant 0 : index
    %swap3A_35 = vector.load %arg4[%swap3A_32, %swap3A_33, %swap3A_34] : memref<2x10240x128xf32, #tpu.memory_space<vmem>>, vector<1x240x16xf32>
    %swap3A_36 = vector.shape_cast %swap3A_35 : vector<1x240x16xf32> to vector<240x16xf32>
    %swap3A_37 = vector.shape_cast %broadcast_in_dim3A_0 : vector<240x16xf32> to vector<1x240x16xf32>
    tpu.vector_store %arg4[%swap3A_32, %swap3A_33, %swap3A_34], %swap3A_37 {strides = array<i32>} : memref<2x10240x128xf32, #tpu.memory_space<vmem>>, vector<1x240x16xf32>,
    return
  }
}

module attributes {stable_mosaic.version = 14 : i64} {
  func.func @_head_body(%arg0: memref<2x16xf32, #tpu.memory_space<vmem>>, %arg1: memref<16x50xf32, #tpu.memory_space<vmem>>, %arg2: memref<1x50xf32, #tpu.memory_space<vmem>>, %arg3: memref<16x50xf32, #tpu.memory_space<vmem>>, %arg4: memref<1x50xf32, #tpu.memory_space<vmem>>, %arg5: memref<100x60xf32, #tpu.memory_space<vmem>>, %arg6: memref<1x60xf32, #tpu.memory_space<vmem>>, %arg7: memref<100x10xf32, #tpu.memory_space<vmem>>, %arg8: memref<1x10xf32, #tpu.memory_space<vmem>>, %arg9: memref<10x1xf32, #tpu.memory_space<vmem>>, %arg10: memref<1x1xf32, #tpu.memory_space<vmem>>, %arg11: memref<1x40xf32, #tpu.memory_space<vmem>>, %arg12: memref<1x1xf32, #tpu.memory_space<vmem>>) attributes {dimension_semantics = [], scalar_prefetch = 0 : i64, scratch_operands = 0 : i64, tpu.core_type = #tpu.core_type<tc>} {
    %get3A = arith.constant 0 : index
    %get3A_0 = arith.constant 0 : index
    %get3A_1 = vector.load %arg0[%get3A, %get3A_0] : memref<2x16xf32, #tpu.memory_space<vmem>>, vector<1x16xf32>
    %div3A = arith.constant 1.000000e+04 : f32
    %div3A_2 = vector.broadcast %div3A : f32 to vector<1x16xf32>
    %div3A_3 = arith.divf %get3A_1, %div3A_2 : vector<1x16xf32>
    %get3A_4 = arith.constant 0 : index
    %get3A_5 = arith.constant 0 : index
    %get3A_6 = vector.load %arg1[%get3A_4, %get3A_5] : memref<16x50xf32, #tpu.memory_space<vmem>>, vector<16x50xf32>
    %dot_general3A = arith.constant dense<0.000000e+00> : vector<1x50xf32>
    %dot_general3A_7 = tpu.matmul %div3A_3, %get3A_6, %dot_general3A {dimension_numbers = #tpu.dot_dimension_numbers<[1], [0], [0], [1], [0, 0, 1, 1], [], []>, transpose_lhs_hint = false} : vector<1x16xf32>, vector<16x50xf32>, vector<1x50xf32> -> vector<1x50xf32>
    %get3A_8 = arith.constant 0 : index
    %get3A_9 = arith.constant 0 : index
    %get3A_10 = vector.load %arg2[%get3A_8, %get3A_9] : memref<1x50xf32, #tpu.memory_space<vmem>>, vector<1x50xf32>
    %add3A = arith.addf %dot_general3A_7, %get3A_10 : vector<1x50xf32>
    %get3A_11 = arith.constant 1 : index
    %get3A_12 = arith.constant 0 : index
    %get3A_13 = vector.load %arg0[%get3A_11, %get3A_12] : memref<2x16xf32, #tpu.memory_space<vmem>>, vector<1x16xf32>
    %div3A_14 = arith.constant 1.000000e+04 : f32
    %div3A_15 = vector.broadcast %div3A_14 : f32 to vector<1x16xf32>
    %div3A_16 = arith.divf %get3A_13, %div3A_15 : vector<1x16xf32>
    %get3A_17 = arith.constant 0 : index
    %get3A_18 = arith.constant 0 : index
    %get3A_19 = vector.load %arg3[%get3A_17, %get3A_18] : memref<16x50xf32, #tpu.memory_space<vmem>>, vector<16x50xf32>
    %dot_general3A_20 = arith.constant dense<0.000000e+00> : vector<1x50xf32>
    %dot_general3A_21 = tpu.matmul %div3A_16, %get3A_19, %dot_general3A_20 {dimension_numbers = #tpu.dot_dimension_numbers<[1], [0], [0], [1], [0, 0, 1, 1], [], []>, transpose_lhs_hint = false} : vector<1x16xf32>, vector<16x50xf32>, vector<1x50xf32> -> vector<1x50xf32>
    %get3A_22 = arith.constant 0 : index
    %get3A_23 = arith.constant 0 : index
    %get3A_24 = vector.load %arg4[%get3A_22, %get3A_23] : memref<1x50xf32, #tpu.memory_space<vmem>>, vector<1x50xf32>
    %add3A_25 = arith.addf %dot_general3A_21, %get3A_24 : vector<1x50xf32>
    %get3A_26 = arith.constant 0 : index
    %get3A_27 = arith.constant 0 : index
    %get3A_28 = vector.load %arg5[%get3A_26, %get3A_27] : memref<100x60xf32, #tpu.memory_space<vmem>>, vector<50x60xf32>
    %dot_general3A_29 = arith.constant dense<0.000000e+00> : vector<1x60xf32>
    %dot_general3A_30 = tpu.matmul %add3A, %get3A_28, %dot_general3A_29 {dimension_numbers = #tpu.dot_dimension_numbers<[1], [0], [0], [1], [0, 0, 1, 1], [], []>, transpose_lhs_hint = false} : vector<1x50xf32>, vector<50x60xf32>, vector<1x60xf32> -> vector<1x60xf32>
    %get3A_31 = arith.constant 50 : index
    %get3A_32 = arith.constant 0 : index
    %get3A_33 = vector.load %arg5[%get3A_31, %get3A_32] : memref<100x60xf32, #tpu.memory_space<vmem>>, vector<50x60xf32>
    %dot_general3A_34 = arith.constant dense<0.000000e+00> : vector<1x60xf32>
    %dot_general3A_35 = tpu.matmul %add3A_25, %get3A_33, %dot_general3A_34 {dimension_numbers = #tpu.dot_dimension_numbers<[1], [0], [0], [1], [0, 0, 1, 1], [], []>, transpose_lhs_hint = false} : vector<1x50xf32>, vector<50x60xf32>, vector<1x60xf32> -> vector<1x60xf32>
    %add3A_36 = arith.addf %dot_general3A_30, %dot_general3A_35 : vector<1x60xf32>
    %get3A_37 = arith.constant 0 : index
    %get3A_38 = arith.constant 0 : index
    %get3A_39 = vector.load %arg6[%get3A_37, %get3A_38] : memref<1x60xf32, #tpu.memory_space<vmem>>, vector<1x60xf32>
    %add3A_40 = arith.addf %add3A_36, %get3A_39 : vector<1x60xf32>
    %max3A = arith.constant 0.000000e+00 : f32
    %max3A_41 = vector.broadcast %max3A : f32 to vector<1x60xf32>
    %max3A_42 = arith.maximumf %add3A_40, %max3A_41 : vector<1x60xf32>
    %get3A_43 = arith.constant 0 : index
    %get3A_44 = arith.constant 0 : index
    %get3A_45 = vector.load %arg7[%get3A_43, %get3A_44] : memref<100x10xf32, #tpu.memory_space<vmem>>, vector<60x10xf32>
    %dot_general3A_46 = arith.constant dense<0.000000e+00> : vector<1x10xf32>
    %dot_general3A_47 = tpu.matmul %max3A_42, %get3A_45, %dot_general3A_46 {dimension_numbers = #tpu.dot_dimension_numbers<[1], [0], [0], [1], [0, 0, 1, 1], [], []>, transpose_lhs_hint = false} : vector<1x60xf32>, vector<60x10xf32>, vector<1x10xf32> -> vector<1x10xf32>
    %get3A_48 = arith.constant 0 : index
    %get3A_49 = arith.constant 0 : index
    %get3A_50 = vector.load %arg11[%get3A_48, %get3A_49] : memref<1x40xf32, #tpu.memory_space<vmem>>, vector<1x40xf32>
    %get3A_51 = arith.constant 60 : index
    %get3A_52 = arith.constant 0 : index
    %get3A_53 = vector.load %arg7[%get3A_51, %get3A_52] : memref<100x10xf32, #tpu.memory_space<vmem>>, vector<40x10xf32>
    %dot_general3A_54 = arith.constant dense<0.000000e+00> : vector<1x10xf32>
    %dot_general3A_55 = tpu.matmul %get3A_50, %get3A_53, %dot_general3A_54 {dimension_numbers = #tpu.dot_dimension_numbers<[1], [0], [0], [1], [0, 0, 1, 1], [], []>, transpose_lhs_hint = false} : vector<1x40xf32>, vector<40x10xf32>, vector<1x10xf32> -> vector<1x10xf32>
    %add3A_56 = arith.addf %dot_general3A_47, %dot_general3A_55 : vector<1x10xf32>
    %get3A_57 = arith.constant 0 : index
    %get3A_58 = arith.constant 0 : index
    %get3A_59 = vector.load %arg8[%get3A_57, %get3A_58] : memref<1x10xf32, #tpu.memory_space<vmem>>, vector<1x10xf32>
    %add3A_60 = arith.addf %add3A_56, %get3A_59 : vector<1x10xf32>
    %max3A_61 = arith.constant 0.000000e+00 : f32
    %max3A_62 = vector.broadcast %max3A_61 : f32 to vector<1x10xf32>
    %max3A_63 = arith.maximumf %add3A_60, %max3A_62 : vector<1x10xf32>
    %get3A_64 = arith.constant 0 : index
    %get3A_65 = arith.constant 0 : index
    %get3A_66 = vector.load %arg9[%get3A_64, %get3A_65] : memref<10x1xf32, #tpu.memory_space<vmem>>, vector<10x1xf32>
    %dot_general3A_67 = arith.constant dense<0.000000e+00> : vector<1x1xf32>
    %dot_general3A_68 = tpu.matmul %max3A_63, %get3A_66, %dot_general3A_67 {dimension_numbers = #tpu.dot_dimension_numbers<[1], [0], [0], [1], [0, 0, 1, 1], [], []>, transpose_lhs_hint = false} : vector<1x10xf32>, vector<10x1xf32>, vector<1x1xf32> -> vector<1x1xf32>
    %get3A_69 = arith.constant 0 : index
    %get3A_70 = arith.constant 0 : index
    %get3A_71 = vector.load %arg10[%get3A_69, %get3A_70] : memref<1x1xf32, #tpu.memory_space<vmem>>, vector<1x1xf32>
    %add3A_72 = arith.addf %dot_general3A_68, %get3A_71 : vector<1x1xf32>
    %swap3A = arith.constant 0 : index
    %swap3A_73 = arith.constant 0 : index
    %swap3A_74 = vector.load %arg12[%swap3A, %swap3A_73] : memref<1x1xf32, #tpu.memory_space<vmem>>, vector<1x1xf32>
    tpu.vector_store %arg12[%swap3A, %swap3A_73], %add3A_72 {strides = array<i32>} : memref<1x1xf32, #tpu.memory_space<vmem>>, vector<1x1xf32>,
    return
  }
}

</mosaic_0001>

<sc_bundles>
// kernel: kernel.5.cloned.1.call-start
scs
__scs_entry_jumppad:
0x0: {  	(pc) =	sbr.rel $0x88, $3  }
0x1: {  	(tag) =	ssettag $0x0;
	lr =	simm.s32 $0x1  }
0x2: {  	[smem:$0x3F8E] =	sst lr;
	_ =	strace $0xD0000000  }
0x3: {  	_ = 	snop  }
0x4: {  	_ = 	snop  }
0x5: {  	_ = 	snop  }
0x6: {  	_ = 	snop  }
0x7: {  	_ = 	snop  }
__scs_overlays_trampoline_lowered:
0x8: {  	[smem:$0x3F9D] =	sst s0  }
0x9: {  	[smem:$0x3F9E] =	sst s1  }
0xa: {  	[smem:$0x3F9F] =	sst s2  }
0xb: {  	[smem:$0x3FA0] =	sst s3  }
0xc: {  	[smem:$0x3FA1] =	sst s4  }
0xd: {  	[smem:$0x3FA2] =	sst s5  }
0xe: {  	[smem:$0x3FA3] =	sst s6  }
0xf: {  	[smem:$0x3FA4] =	sst s7  }
0x10: {  	[smem:$0x3FA5] =	sst s8  }
0x11: {  	[smem:$0x3FA6] =	sst s9;
	s0 =	simm.s32 @!p0 $0x0  }
0x12: {  	s1 =	sld [smem:$0x3F8C];
	s0 =	simm.s32 @p0 $0x1  }
0x13: {  	[smem:$0x3FA7] =	sst s0;
	s0 =	simm.s32 @!p1 $0x0  }
0x14: {  	s2 =	sld [smem:$0x3F8B];
	s0 =	simm.s32 @p1 $0x1  }
0x15: {  	[smem:$0x3FA8] =	sst s0;
	s0 =	simm.s32 @!p2 $0x0  }
0x16: {  	s3 =	sld [smem:$0x3FDB];
	s0 =	simm.s32 @p2 $0x1  }
0x17: {  	s4 =	simm.s32 $0x1BF5;
	[smem:$0x3FAA] =	sst s0  }
0x18: {  	s0 =	sld [smem:$0x3F8D];
	_ =	swait.ge [sflag:s4], $0x0  }
0x19: {  	s7 =	sld [smem:$0x3F8E]  }
0x1a: {  	s8 =	sadd.s32 $0xFFFFE003, lr  }
0x1b: {  	s9 =	sadd.s32 $0xFFFFFEF7, lr;
	s5 =	simm.s32 $0xFFFFFFFF;
	p2 =	slt.u32 s8, $0xFFFFF086  }
0x1c: {  	p1 =	slt.u32 s9, $0xF7A;
	s5 =	simm.s32 @!p2 $0x0  }
0x1d: {  	s5 =	simm.s32 @p1 $0x1;
	p0 =	seq.s32 s7, s2  }
0x1e: {  	s7 =	smul.u32 @!p0 $0xF7A, s2;
	p2 =	seq.s32 @!p0 s5, $0x0  }
0x1f: {  	s9 =	smul.u32 $0xF7A, s1;
	s8 =	simm.s32 @!p0 $0x1BF5;
	p2 =	por !p2, p0  }
0x20: {  	[sflag:s8] =	ssyncset.s32 @!p0 $0xFFFFF086;
	s6 =	sadd.s32 @!p0 s3, s7;
	s7 =	simm.s32 @!p0 $0x108  }
0x21: {  	s3 =	sadd.s32 s3, s9;
	s6 =	sadd.s32 @!p0 $0x88, s6;
	s7 =	simm.s32 @p2 $0x1082  }
0x22: {  	[simem:s7], [sflag:s8] =	dma.local @!p0 [hbm:s6], $0xF7A  }
0x23: {  	s9 =	sor.u32 $0xD0000000, s2;
	s6 =	simm.s32 $0x108;
	_ =	swait.ge @!p0 [sflag:s8], $0x0  }
0x24: {  	s3 =	sadd.s32 $0x88, s3;
	s6 =	simm.s32 @!p1 $0x1082;
	[sflag:s4] =	ssyncset.s32 $0xFFFFF086  }
0x25: {  	[simem:s6], [sflag:s4] =	dma.local [hbm:s3], $0xF7A  }
0x26: {  	[smem:$0x3F8E] =	sst s1;
	(tag) =	ssettag s2;
	_ =	strace s9  }
0x27: {  	s1 =	sld [smem:$0x3F9E]  }
0x28: {  	s2 =	sld [smem:$0x3F9F]  }
0x29: {  	s4 =	sld [smem:$0x3FA1]  }
0x2a: {  	p0 =	seq.s32 s5, $0x0;
	s5 =	sld [smem:$0x3FA2]  }
0x2b: {  	s6 =	sld [smem:$0x3FA3]  }
0x2c: {  	s7 =	sld [smem:$0x3FA4]  }
0x2d: {  	s3 =	simm.s32 $0x108;
	s8 =	sld [smem:$0x3FA5]  }
0x2e: {  	s3 =	simm.s32 @!p0 $0x1082;
	s9 =	sld [smem:$0x3FA6]  }
0x2f: {  	lr =	sadd.s32 s0, s3;
	s0 =	sld [smem:$0x3F9D]  }
0x30: {  	s3 =	sld [smem:$0x3FA0]  }
0x31: {  	[smem:$0x3FA9] =	sst s10  }
0x32: {  	s10 =	sld [smem:$0x3FA7];
	_ =	sdelay $0x3  }
0x33: {  	p0 =	seq.s32 s10, $0x1;
	s10 =	sld [smem:$0x3FA9];
	_ =	sdelay $0x3  }
0x34: {  	[smem:$0x3FA9] =	sst s10  }
0x35: {  	s10 =	sld [smem:$0x3FA8];
	_ =	sdelay $0x3  }
0x36: {  	p1 =	seq.s32 s10, $0x1;
	s10 =	sld [smem:$0x3FA9];
	_ =	sdelay $0x3  }
0x37: {  	[smem:$0x3FA9] =	sst s10  }
0x38: {  	s10 =	sld [smem:$0x3FAA]  }
0x39: {  	_ = 	snop;
	(pc) =	sbr.ind lr, $3  }
0x3a: {  	_ = 	snop  }
0x3b: {  	_ = 	snop  }
0x3c: {  	p2 =	seq.s32 s10, $0x1;
	s10 =	sld [smem:$0x3FA9]  }
0x3d: {  	_ =	shalt  }
0x3e: {  	_ =	shalt  }
0x3f: {  	_ =	shalt  }
0x40: {  	_ =	shalt  }
0x41: {  	_ =	shalt  }
0x42: {  	_ =	shalt  }
0x43: {  	_ =	shalt  }
0x44: {  	_ =	shalt  }
0x45: {  	_ =	shalt  }
0x46: {  	_ =	shalt  }
0x47: {  	_ =	shalt  }
0x48: {  	_ =	shalt  }
0x49: {  	_ =	shalt  }
0x4a: {  	_ =	shalt  }
0x4b: {  	_ =	shalt  }
0x4c: {  	_ =	shalt  }
0x4d: {  	_ =	shalt  }
0x4e: {  	_ =	shalt  }
0x4f: {  	_ =	shalt  }
0x50: {  	_ =	shalt  }
0x51: {  	_ =	shalt  }
0x52: {  	_ =	shalt  }
0x53: {  	_ =	shalt  }
0x54: {  	_ =	shalt  }
0x55: {  	_ =	shalt  }
0x56: {  	_ =	shalt  }
0x57: {  	_ =	shalt  }
0x58: {  	_ =	shalt  }
0x59: {  	_ =	shalt  }
0x5a: {  	_ =	shalt  }
0x5b: {  	_ =	shalt  }
0x5c: {  	_ =	shalt  }
0x5d: {  	_ =	shalt  }
0x5e: {  	_ =	shalt  }
0x5f: {  	_ =	shalt  }
0x60: {  	_ =	shalt  }
0x61: {  	_ =	shalt  }
0x62: {  	_ =	shalt  }
0x63: {  	_ =	shalt  }
0x64: {  	_ =	shalt  }
0x65: {  	_ =	shalt  }
0x66: {  	_ =	shalt  }
0x67: {  	_ =	shalt  }
0x68: {  	_ =	shalt  }
0x69: {  	_ =	shalt  }
0x6a: {  	_ =	shalt  }
0x6b: {  	_ =	shalt  }
0x6c: {  	_ =	shalt  }
0x6d: {  	_ =	shalt  }
0x6e: {  	_ =	shalt  }
0x6f: {  	_ =	shalt  }
0x70: {  	_ =	shalt  }
0x71: {  	_ =	shalt  }
0x72: {  	_ =	shalt  }
0x73: {  	_ =	shalt  }
0x74: {  	_ =	shalt  }
0x75: {  	_ =	shalt  }
0x76: {  	_ =	shalt  }
0x77: {  	_ =	shalt  }
0x78: {  	_ =	shalt  }
0x79: {  	_ =	shalt  }
0x7a: {  	_ =	shalt  }
0x7b: {  	_ =	shalt  }
0x7c: {  	_ =	shalt  }
0x7d: {  	_ =	shalt  }
0x7e: {  	_ =	shalt  }
0x7f: {  	_ =	shalt  }
0x80: {  	_ =	shalt  }
0x81: {  	_ =	shalt  }
0x82: {  	_ =	shalt  }
0x83: {  	_ =	shalt  }
0x84: {  	_ =	shalt  }
0x85: {  	_ =	shalt  }
0x86: {  	_ =	shalt  }
0x87: {  	_ =	shalt  }
.Lfunc_end0:
.L_simem_size_0:
called_computation_lowered:
.L_overlay_start_0:
0x88: {  	s2 =	sld [smem:$0x3FD9]  }
0x89: {  	s3 =	sld [smem:$0x3FFE];
	_ =	sdelay $0x1  }
0x8a: {  	s1 =	srdreg.scid  }
0x8b: {  	s0 =	sand.u32 $0x1, s1  }
0x8c: {  	s17 =	sshll.u32 s0, $0xA;
	s2 =	sadd.s32 s3, s2  }
0x8d: {  	s2 =	sadd.s32 s2, s17  }
0x8e: {  	[smem:$0x3FB5] =	sst s2  }
0x8f: {  	_ = 	snop  }
0x90: {  	s2 =	sld [smem:$0x3FD0];
	(tm) =	ssettm $0x1  }
0x91: {  	s18 =	sld [smem:$0x3FFB];
	_ =	sdelay $0x3  }
0x92: {  	_ =	strace s18  }
0x93: {  	s3 =	sld [smem:$0x3FFC];
	_ =	sdelay $0x3  }
0x94: {  	_ =	strace s3  }
0x95: {  	s3 =	sld [smem:$0x3FFD];
	_ =	sdelay $0x3  }
0x96: {  	_ =	strace s3  }
0x97: {  	_ =	strace $0x8FFFFFFF  }
0x98: {  	s19 =	sld [smem:$0x3FDB];
	_ =	sdelay $0x1  }
0x99: {  	s4 =	simm.s32 $_scs_section_size  }
0x9a: {  	s5 =	simm.s32 $_size__tile_overlayer_lowered;
	s6 =	simm.s32 $_tile_overlayer_lowered  }
0x9b: {  	s22 =	simm.s32 $0x1BFF;
	s21 =	sshll.u32 s6, $0x1;
	s3 =	sadd.s32 s4, s19  }
0x9c: {  	s7 =	simm.s32 $0x0;
	s20 =	sshll.u32 s5, $0x1;
	s5 =	sadd.s32 s21, s3  }
0x9d: {  	[timem:s7], [sflag:s22] =	dma.local [hbm:s5], s20  }
0x9e: {  	_ =	swait.ge [sflag:s22], s20  }
0x9f: {  	s4 =	ssub.s32 $0x0, s20;
	[sflag:s22] =	ssyncset.done $0x0  }
0xa0: {  	[sflag:s22] =	ssyncadd.s32 s4;
	_ =	sdelay $0x1  }
0xa1: {  	s23 =	simm.s32 $0x1B8B  }
0xa2: {  	_ =	swait.ge [sflag:s23], $0x1  }
0xa3: {  	[sflag:s23] =	ssyncset.done $0x0  }
0xa4: {  	s25 =	simm.s32 $0x1B8E;
	s24 =	sld [smem:$0x3FFE];
	[sflag:s23] =	ssyncadd.s32 $0xFFFFFFFF  }
0xa5: {  	s26 =	simm.s32 $execute0_lowered;
	[smem:$0x3FD2] =	sst s25  }
0xa6: {  	s5 =	sshll.u32 s26, $0x1;
	_ =	strace $0x80000046;
	[dreg:$0x1] =	wrdreg $0xFFFFFFFF  }
0xa7: {  	s28 =	simm.s32 $_size_execute0_lowered;
	s3 =	sadd.s32 s3, s5;
	[dreg:$0x0] =	wrdreg $0x0  }
0xa8: {  	s5 =	sshll.u32 s28, $0x1;
	[dreg:$0x2] =	wrdreg s3  }
0xa9: {  	[dreg:$0x3] =	wrdreg s5  }
0xaa: {  	[dreg:$0x4] =	wrdreg $0xC0  }
0xab: {  	_ =	task [dreg:s7], $0x5FFFF  }
0xac: {  	[dreg:$0x1] =	wrdreg $0xFFFFFFFF  }
0xad: {  	[dreg:$0x0] =	wrdreg $0x60  }
0xae: {  	[dreg:$0x2] =	wrdreg s24  }
0xaf: {  	[dreg:$0x3] =	wrdreg s2  }
0xb0: {  	[dreg:$0x4] =	wrdreg $0x1AA000  }
0xb1: {  	[dreg:$0x5] =	wrdreg $0x1AF000  }
0xb2: {  	[dreg:$0x6] =	wrdreg $0x1AC800  }
0xb3: {  	[dreg:$0x7] =	wrdreg $0x1D7000  }
0xb4: {  	[dreg:$0x8] =	wrdreg $0x1FF000  }
0xb5: {  	[dreg:$0x9] =	wrdreg $0x9  }
0xb6: {  	_ =	task.clear_ibuf [dreg:s7], $0xAFFFF;
	_ =	strace $0x90000046  }
0xb7: {  	s29 =	simm.s32 $0x9;
	_ =	strace $0x80000048  }
0xb8: {  	_ =	swait.ge [sflag:s29], $0x1  }
0xb9: {  	[sflag:s29] =	ssyncadd.s32 $0xFFFFFFFF  }
0xba: {  	_ =	strace $0x90000048  }
0xbb: {  	_ =	sfence  }
0xbc: {  	s30 =	sld [smem:$0x0];
	_ =	sdelay $0x2  }
0xbd: {  	s31 =	sshll.u32 s1, $0xD;
	s1 =	sshrl.u32 s1, $0x2  }
0xbe: {  	s3 =	sand.u32 $0x4000, s31;
	s1 =	sadd.s32 s1, s30  }
0xbf: {  	s0 =	sor.u32 s3, s0;
	s1 =	sshll.u32 s1, $0x11  }
0xc0: {  	s0 =	sor.u32 s1, s0  }
0xc1: {  	s0 =	sadd.s32 $0x8F2B, s0  }
0xc2: {  	[sflag:s0] =	ssyncadd.remote.s32 $0x1  }
0xc3: {  	_ =	sfence.sel $0xFFFF  }
0xc4: {  	[dreg:$0x0] =	wrdreg $0xFFFFFFFF;
	(pc) =	sbr.abs _section_cstart, $3  }
0xc5: {  	[dreg:$0x1] =	wrdreg $0xFFFFFFFF  }
0xc6: {  	_ =	task.clear_ibuf [dreg:s7], $0x2FFFF;
	_ =	strace $0x9FFFFFFF  }
0xc7: {  	(tm) =	ssettm $0x7FFFFFFF  }
tec
execute0_lowered:
.L_overlay_start_1:
0x0: {  	(tag) =	ssettag $0x1  }
0x1: {  	s4 =	rddreg [dreg:$0x0]  }
0x2: {  	s5 =	rddreg [dreg:$0x1]  }
0x3: {  	s0 =	rddreg [dreg:$0x2]  }
0x4: {  	s1 =	rddreg [dreg:$0x3]  }
0x5: {  	s2 =	rddreg [dreg:$0x4];
	s6 =	srdreg.scid  }
0x6: {  	s3 =	rddreg [dreg:$0x5];
	s10 =	stileid.u32  }
0x7: {  	s20 =	rddreg [dreg:$0x6];
	s11 =	simm.s32 $0x0;
	s28 =	simm.s32 $0x17800  }
0x8: {  	s29 =	simm.s32 $0xA800;
	s30 =	simm.s32 $0xA000;
	s31 =	simm.s32 $0x1  }
0x9: {  	s9 =	sand.u32 $0x1, s6;
	s8 =	smul.u32 $0x5000, s10;
	[smem:$0x7FF] =	sst s11  }
0xa: {  	s15 =	smul.u32 $0x2800, s10;
	s25 =	sshll.u32 s10, $0x4;
	p0 =	sne.s32 s10, $0x0  }
0xb: {  	s6 =	simm.s32 $0x0;
	s7 =	smul.u32 $0xA0000, s9;
	s12 =	ssub.s32 $0x2, s9  }
0xc: {  	_ =	strace $0x80000047;
	s13 =	sshll.u32 s9, $0x1;
	s14 =	sshrl.u32 s12, $0x1  }
0xd: {  	s19 =	sadd.s32 s15, s1;
	s24 =	sadd.s32 s15, s3;
	s5 =	sadd.s32 s5, s13  }
0xe: {  	s7 =	sadd.s32 s8, s7;
	s8 =	sadd.s32 $0x2B400, s4;
	[dreg:$0xd] =	wrdreg s24  }
0xf: {  	s12 =	ssub.s32 s12, s14;
	s14 =	smul.u32 $0x140000, s9;
	[dreg:$0xe] =	wrdreg s5  }
0x10: {  	s5 =	sadd.s32 s25, s20;
	s20 =	simm.s32 $0x1A000;
	s24 =	simm.s32 $0x400  }
0x11: {  	s25 =	simm.s32 $0x9C00;
	[dreg:$0x9] =	wrdreg s19;
	s7 =	sshrl.u32 s7, $0x3  }
0x12: {  	[dreg:$0xf] =	wrdreg s5;
	s26 =	smax.u32 s12, $0x1;
	s12 =	simm.s32 $0xE800  }
0x13: {  	s21 =	sadd.s32 s7, s4;
	s7 =	smul.u32 $0x280, s10;
	s4 =	sadd.s32 s13, s4  }
0x14: {  	[dreg:$0x11] =	wrdreg s26;
	s10 =	simm.s32 $0x9800;
	s22 =	sadd.s32 $0x3400, s21  }
0x15: {  	s26 =	simm.s32 $0x2;
	s11 =	sadd.s32 $0xD400, s21;
	[dreg:$0xa] =	wrdreg s22  }
0x16: {  	s13 =	simm.s32 $0xA400;
	s4 =	sadd.s32 $0x7B400, s4;
	[dreg:$0xb] =	wrdreg s11  }
0x17: {  	s21 =	simm.s32 $0x4;
	s23 =	sadd.s32 s7, s2;
	[dreg:$0x10] =	wrdreg s4  }
0x18: {  	s16 =	sadd.s32 s7, s0;
	s22 =	simm.s32 $0x12800;
	[dreg:$0xc] =	wrdreg s23  }
0x19: {  	v0 =	vimm.f32 $1.000000000e+00;
	v1 =	vimm.f32 $0.0e+00;
	s11 =	simm.s32 $0x3;
	s23 =	simm.s32 $0x5000;
	[dreg:$0x8] =	wrdreg s16  }
.LBB2_1:
0x1a: {  	s4 =	simm.s32 $0x0  }
.LBB2_2:
0x1b: {  	p1 =	sne.s32 s4, $0xFC0  }
.Ltmp0:
0x1c: {  	_ = 	snop;
	(pc) =	sbr.rel @p1 .LBB2_2-.Ltmp0, $3  }
0x1d: {  	_ =	sdelay $0x1  }
0x1e: {  	s5 =	sshra.s32 s4, $0x2  }
0x1f: {  	s4 =	sadd.s32 $0x40, s4;
	[tilespmem:s5+$0x1A500] =	vst v0  }
0x20: {  	[dreg:$0x12] =	wrdreg s6;
	s4 =	simm.s32 $0x40;
	s5 =	simm.s32 $0x0  }
.LBB2_4:
0x21: {  	p1 =	sne.s32 s4, $0x9FC0;
	[tilespmem:s5+$0x12800] =	vst v1;
	s5 =	smov.u32 s4;
	s4 =	sadd.s32 $0x40, s4  }
.Ltmp1:
0x22: {  	(pc) =	sbr.rel @p1 .LBB2_4-.Ltmp1, $2  }
0x23: {  	_ =	sdelay $0x2  }
0x24: {  	s5 =	sshra.s32 s5, $0x2  }
0x25: {  	[tilespmem:s5+$0x12800] =	vst v1  }
0x26: {  	[tilespmem:$0x1A000] =	vst v1  }
0x27: {  	[tilespmem:$0x1A010] =	vst v1  }
0x28: {  	[tilespmem:$0x1A020] =	vst v1  }
0x29: {  	[tilespmem:$0x1A030] =	vst v1  }
0x2a: {  	[tilespmem:$0x1A040] =	vst v1  }
0x2b: {  	[tilespmem:$0x1A050] =	vst v1  }
0x2c: {  	[tilespmem:$0x1A060] =	vst v1  }
0x2d: {  	[tilespmem:$0x1A070] =	vst v1  }
0x2e: {  	[tilespmem:$0x1A080] =	vst v1  }
0x2f: {  	[tilespmem:$0x1A090] =	vst v1  }
0x30: {  	[tilespmem:$0x1A0A0] =	vst v1  }
0x31: {  	[tilespmem:$0x1A0B0] =	vst v1  }
0x32: {  	[tilespmem:$0x1A0C0] =	vst v1  }
0x33: {  	[tilespmem:$0x1A0D0] =	vst v1  }
0x34: {  	[tilespmem:$0x1A0E0] =	vst v1  }
0x35: {  	[tilespmem:$0x1A0F0] =	vst v1  }
0x36: {  	[tilespmem:$0x1A100] =	vst v1  }
0x37: {  	[tilespmem:$0x1A110] =	vst v1  }
0x38: {  	[tilespmem:$0x1A120] =	vst v1  }
0x39: {  	[tilespmem:$0x1A130] =	vst v1  }
0x3a: {  	[tilespmem:$0x1A140] =	vst v1  }
0x3b: {  	[tilespmem:$0x1A150] =	vst v1  }
0x3c: {  	[tilespmem:$0x1A160] =	vst v1  }
0x3d: {  	[tilespmem:$0x1A170] =	vst v1  }
0x3e: {  	[tilespmem:$0x1A180] =	vst v1  }
0x3f: {  	[tilespmem:$0x1A190] =	vst v1  }
0x40: {  	[tilespmem:$0x1A1A0] =	vst v1  }
0x41: {  	[tilespmem:$0x1A1B0] =	vst v1  }
0x42: {  	[tilespmem:$0x1A1C0] =	vst v1  }
0x43: {  	[tilespmem:$0x1A1D0] =	vst v1  }
0x44: {  	[tilespmem:$0x1A1E0] =	vst v1  }
0x45: {  	[tilespmem:$0x1A1F0] =	vst v1  }
0x46: {  	[tilespmem:$0x1A200] =	vst v1  }
0x47: {  	[tilespmem:$0x1A210] =	vst v1  }
0x48: {  	[tilespmem:$0x1A220] =	vst v1  }
0x49: {  	[tilespmem:$0x1A230] =	vst v1  }
0x4a: {  	[tilespmem:$0x1A240] =	vst v1  }
0x4b: {  	[tilespmem:$0x1A250] =	vst v1  }
0x4c: {  	[tilespmem:$0x1A260] =	vst v1  }
0x4d: {  	[tilespmem:$0x1A270] =	vst v1  }
0x4e: {  	[spmem:s16] =	stream.linear.scatter [tilespmem:s20], [sflag:$0x4], $0x280, $0x38;
	[tilespmem:$0x1FF10] =	vst v63  }
0x4f: {  	_ =	swait.ge [sflag:s21], $0x280  }
0x50: {  	[sflag:s21] =	ssyncset.done $0x0  }
0x51: {  	[sflag:s21] =	ssyncadd.s32 $0xFFFFFD80  }
0x52: {  	[spmem:s19] =	stream.linear.scatter [tilespmem:s22], [sflag:$0x4], $0x2800, $0x38;
	[tilespmem:$0x1FF10] =	vst v63  }
0x53: {  	_ =	swait.ge [sflag:s21], $0x2800  }
0x54: {  	[sflag:s21] =	ssyncset.done $0x0  }
0x55: {  	s4 =	simm.s32 $0x0;
	s19 =	rddreg [dreg:$0xa];
	[sflag:s21] =	ssyncadd.s32 $0xFFFFD800  }
0x56: {  	[tilespmem:s4], [sflag:$0x4] =	stream.linear.gather [hbm4b:s19+s4], $0x5000, $0x38;
	[tilespmem:$0x1FF10] =	vst v63  }
0x57: {  	_ =	swait.ge [sflag:s21], $0x5000  }
0x58: {  	[sflag:s21] =	ssyncset.done $0x0  }
0x59: {  	s22 =	rddreg [dreg:$0xb];
	[sflag:s21] =	ssyncadd.s32 $0xFFFFB000  }
0x5a: {  	[tilespmem:s23], [sflag:$0x4] =	stream.linear.gather [hbm4b:s22+s4], $0x5000, $0x38;
	[tilespmem:$0x1FF10] =	vst v63  }
0x5b: {  	_ =	swait.ge [sflag:s21], $0x5000  }
0x5c: {  	[sflag:s21] =	ssyncset.done $0x0  }
0x5d: {  	[sflag:s21] =	ssyncadd.s32 $0xFFFFB000  }
0x5e: {  	s4 =	simm.s32 $0x1A500;
	[bflag:$0x0] =	sbarrier.arrive $0xFFFF  }
0x5f: {  	[spmem:s0] =	stream.indirect.scatter.add.f32 [tilespmem:s4], [sflag:$0x2], $0x1, s23, s24, $0xb8;
	[tilespmem:$0x1FF10] =	vst v63  }
0x60: {  	s23 =	simm.s32 $0x5400  }
0x61: {  	[spmem:s0] =	stream.indirect.scatter.add.f32 [tilespmem:s4], [sflag:$0x2], $0x1, s23, s24, $0xb8;
	[tilespmem:$0x1FF10] =	vst v63  }
0x62: {  	s6 =	simm.s32 $0x5800  }
0x63: {  	[spmem:s0] =	stream.indirect.scatter.add.f32 [tilespmem:s4], [sflag:$0x2], $0x1, s6, s24, $0xb8;
	[tilespmem:$0x1FF10] =	vst v63  }
0x64: {  	s9 =	simm.s32 $0x5C00  }
0x65: {  	[spmem:s0] =	stream.indirect.scatter.add.f32 [tilespmem:s4], [sflag:$0x2], $0x1, s9, s24, $0xb8;
	[tilespmem:$0x1FF10] =	vst v63  }
0x66: {  	s15 =	simm.s32 $0x6000  }
0x67: {  	[spmem:s0] =	stream.indirect.scatter.add.f32 [tilespmem:s4], [sflag:$0x2], $0x1, s15, s24, $0xb8;
	[tilespmem:$0x1FF10] =	vst v63  }
0x68: {  	s17 =	simm.s32 $0x6400  }
0x69: {  	[spmem:s0] =	stream.indirect.scatter.add.f32 [tilespmem:s4], [sflag:$0x2], $0x1, s17, s24, $0xb8;
	[tilespmem:$0x1FF10] =	vst v63  }
0x6a: {  	s18 =	simm.s32 $0x6800  }
0x6b: {  	[spmem:s0] =	stream.indirect.scatter.add.f32 [tilespmem:s4], [sflag:$0x2], $0x1, s18, s24, $0xb8;
	[tilespmem:$0x1FF10] =	vst v63  }
0x6c: {  	s19 =	simm.s32 $0x6C00  }
0x6d: {  	[spmem:s0] =	stream.indirect.scatter.add.f32 [tilespmem:s4], [sflag:$0x2], $0x1, s19, s24, $0xb8;
	[tilespmem:$0x1FF10] =	vst v63  }
0x6e: {  	s22 =	simm.s32 $0x7000  }
0x6f: {  	[spmem:s0] =	stream.indirect.scatter.add.f32 [tilespmem:s4], [sflag:$0x2], $0x1, s22, s24, $0xb8;
	[tilespmem:$0x1FF10] =	vst v63  }
0x70: {  	s23 =	simm.s32 $0x7400  }
0x71: {  	[spmem:s0] =	stream.indirect.scatter.add.f32 [tilespmem:s4], [sflag:$0x2], $0x1, s23, s24, $0xb8;
	[tilespmem:$0x1FF10] =	vst v63  }
0x72: {  	s6 =	simm.s32 $0x7800  }
0x73: {  	[spmem:s0] =	stream.indirect.scatter.add.f32 [tilespmem:s4], [sflag:$0x2], $0x1, s6, s24, $0xb8;
	[tilespmem:$0x1FF10] =	vst v63  }
0x74: {  	s9 =	simm.s32 $0x7C00  }
0x75: {  	[spmem:s0] =	stream.indirect.scatter.add.f32 [tilespmem:s4], [sflag:$0x2], $0x1, s9, s24, $0xb8;
	[tilespmem:$0x1FF10] =	vst v63  }
0x76: {  	s15 =	simm.s32 $0x8000  }
0x77: {  	[spmem:s0] =	stream.indirect.scatter.add.f32 [tilespmem:s4], [sflag:$0x2], $0x1, s15, s24, $0xb8;
	[tilespmem:$0x1FF10] =	vst v63  }
0x78: {  	s17 =	simm.s32 $0x8400  }
0x79: {  	[spmem:s0] =	stream.indirect.scatter.add.f32 [tilespmem:s4], [sflag:$0x2], $0x1, s17, s24, $0xb8;
	[tilespmem:$0x1FF10] =	vst v63  }
0x7a: {  	s18 =	simm.s32 $0x8800  }
0x7b: {  	[spmem:s0] =	stream.indirect.scatter.add.f32 [tilespmem:s4], [sflag:$0x2], $0x1, s18, s24, $0xb8;
	[tilespmem:$0x1FF10] =	vst v63  }
0x7c: {  	s19 =	simm.s32 $0x8C00  }
0x7d: {  	[spmem:s0] =	stream.indirect.scatter.add.f32 [tilespmem:s4], [sflag:$0x2], $0x1, s19, s24, $0xb8;
	[tilespmem:$0x1FF10] =	vst v63  }
0x7e: {  	s22 =	simm.s32 $0x9000  }
0x7f: {  	[spmem:s0] =	stream.indirect.scatter.add.f32 [tilespmem:s4], [sflag:$0x2], $0x1, s22, s24, $0xb8;
	[tilespmem:$0x1FF10] =	vst v63  }
0x80: {  	s23 =	simm.s32 $0x9400  }
0x81: {  	[spmem:s0] =	stream.indirect.scatter.add.f32 [tilespmem:s4], [sflag:$0x2], $0x1, s23, s24, $0xb8;
	[tilespmem:$0x1FF10] =	vst v63  }
0x82: {  	_ = 	snop  }
0x83: {  	[spmem:s0] =	stream.indirect.scatter.add.f32 [tilespmem:s4], [sflag:$0x2], $0x1, s10, s24, $0xb8;
	[tilespmem:$0x1FF10] =	vst v63  }
0x84: {  	_ = 	snop  }
0x85: {  	[spmem:s0] =	stream.indirect.scatter.add.f32 [tilespmem:s4], [sflag:$0x2], $0x1, s25, s24, $0xb8;
	[tilespmem:$0x1FF10] =	vst v63  }
0x86: {  	_ =	swait.ge [sflag:s26], $0x400  }
0x87: {  	[sflag:s26] =	ssyncset.done $0x0  }
0x88: {  	[sflag:s26] =	ssyncadd.s32 $0xFFFFFC00  }
0x89: {  	_ =	swait.ge [sflag:s26], $0x400  }
0x8a: {  	[sflag:s26] =	ssyncset.done $0x0  }
0x8b: {  	[sflag:s26] =	ssyncadd.s32 $0xFFFFFC00  }
0x8c: {  	_ =	swait.ge [sflag:s26], $0x400  }
0x8d: {  	[sflag:s26] =	ssyncset.done $0x0  }
0x8e: {  	[sflag:s26] =	ssyncadd.s32 $0xFFFFFC00  }
0x8f: {  	_ =	swait.ge [sflag:s26], $0x400  }
0x90: {  	[sflag:s26] =	ssyncset.done $0x0  }
0x91: {  	[sflag:s26] =	ssyncadd.s32 $0xFFFFFC00  }
0x92: {  	_ =	swait.ge [sflag:s26], $0x400  }
0x93: {  	[sflag:s26] =	ssyncset.done $0x0  }
0x94: {  	[sflag:s26] =	ssyncadd.s32 $0xFFFFFC00  }
0x95: {  	_ =	swait.ge [sflag:s26], $0x400  }
0x96: {  	[sflag:s26] =	ssyncset.done $0x0  }
0x97: {  	[sflag:s26] =	ssyncadd.s32 $0xFFFFFC00  }
0x98: {  	_ =	swait.ge [sflag:s26], $0x400  }
0x99: {  	[sflag:s26] =	ssyncset.done $0x0  }
0x9a: {  	[sflag:s26] =	ssyncadd.s32 $0xFFFFFC00  }
0x9b: {  	_ =	swait.ge [sflag:s26], $0x400  }
0x9c: {  	[sflag:s26] =	ssyncset.done $0x0  }
0x9d: {  	[sflag:s26] =	ssyncadd.s32 $0xFFFFFC00  }
0x9e: {  	_ =	swait.ge [sflag:s26], $0x400  }
0x9f: {  	[sflag:s26] =	ssyncset.done $0x0  }
0xa0: {  	[sflag:s26] =	ssyncadd.s32 $0xFFFFFC00  }
0xa1: {  	_ =	swait.ge [sflag:s26], $0x400  }
0xa2: {  	[sflag:s26] =	ssyncset.done $0x0  }
0xa3: {  	[sflag:s26] =	ssyncadd.s32 $0xFFFFFC00  }
0xa4: {  	_ =	swait.ge [sflag:s26], $0x400  }
0xa5: {  	[sflag:s26] =	ssyncset.done $0x0  }
0xa6: {  	[sflag:s26] =	ssyncadd.s32 $0xFFFFFC00  }
0xa7: {  	_ =	swait.ge [sflag:s26], $0x400  }
0xa8: {  	[sflag:s26] =	ssyncset.done $0x0  }
0xa9: {  	[sflag:s26] =	ssyncadd.s32 $0xFFFFFC00  }
0xaa: {  	_ =	swait.ge [sflag:s26], $0x400  }
0xab: {  	[sflag:s26] =	ssyncset.done $0x0  }
0xac: {  	[sflag:s26] =	ssyncadd.s32 $0xFFFFFC00  }
0xad: {  	_ =	swait.ge [sflag:s26], $0x400  }
0xae: {  	[sflag:s26] =	ssyncset.done $0x0  }
0xaf: {  	[sflag:s26] =	ssyncadd.s32 $0xFFFFFC00  }
0xb0: {  	_ =	swait.ge [sflag:s26], $0x400  }
0xb1: {  	[sflag:s26] =	ssyncset.done $0x0  }
0xb2: {  	[sflag:s26] =	ssyncadd.s32 $0xFFFFFC00  }
0xb3: {  	_ =	swait.ge [sflag:s26], $0x400  }
0xb4: {  	[sflag:s26] =	ssyncset.done $0x0  }
0xb5: {  	[sflag:s26] =	ssyncadd.s32 $0xFFFFFC00  }
0xb6: {  	_ =	swait.ge [sflag:s26], $0x400  }
0xb7: {  	[sflag:s26] =	ssyncset.done $0x0  }
0xb8: {  	[sflag:s26] =	ssyncadd.s32 $0xFFFFFC00  }
0xb9: {  	_ =	swait.ge [sflag:s26], $0x400  }
0xba: {  	[sflag:s26] =	ssyncset.done $0x0  }
0xbb: {  	[sflag:s26] =	ssyncadd.s32 $0xFFFFFC00  }
0xbc: {  	_ =	swait.ge [sflag:s26], $0x400  }
0xbd: {  	[sflag:s26] =	ssyncset.done $0x0  }
0xbe: {  	[sflag:s26] =	ssyncadd.s32 $0xFFFFFC00  }
0xbf: {  	_ =	swait.ge [sflag:s26], $0x400  }
0xc0: {  	[sflag:s26] =	ssyncset.done $0x0  }
0xc1: {  	[sflag:s26] =	ssyncadd.s32 $0xFFFFFC00  }
0xc2: {  	[bflag:$0x0] =	sbarrier.arrive $0xFFFF  }
0xc3: {  	[tilespmem:s20], [sflag:$0x4] =	stream.linear.gather [spmem:s16], $0x280, $0x38;
	[tilespmem:$0x1FF10] =	vst v63  }
0xc4: {  	_ =	swait.ge [sflag:s21], $0x280  }
0xc5: {  	[sflag:s21] =	ssyncset.done $0x0  }
0xc6: {  	s19 =	simm.s32 $0x0;
	[sflag:s21] =	ssyncadd.s32 $0xFFFFFD80  }
0xc7: {  	v2 =	vld [tilespmem:s19+$0x1A000];
	_ =	sdelay $0x3  }
0xc8: {  	s18 =	simm.s32 $0x10;
	[tilespmem:s19+$0x1A000] =	vst v1  }
0xc9: {  	v3 =	vld [tilespmem:s18+$0x1A000];
	v2 =	vadd.f32 $1.000000000e+00, v2;
	_ =	sdelay $0x1  }
0xca: {  	v4 =	vshra.s32 v2, $0x1;
	v5 =	vmul.f32 $5.000000000e-01, v2  }
0xcb: {  	v2 =	vsub.s32 $0x5F3759DF, v4  }
0xcc: {  	v4 =	vmul.f32 v2, v5  }
0xcd: {  	s17 =	simm.s32 $0x20;
	[tilespmem:s18+$0x1A000] =	vst v1;
	v3 =	vadd.f32 $1.000000000e+00, v3  }
0xce: {  	v6 =	vld [tilespmem:s17+$0x1A000];
	v4 =	vmul.f32 v2, v4  }
0xcf: {  	v7 =	vshra.s32 v3, $0x1;
	v3 =	vmul.f32 $5.000000000e-01, v3  }
0xd0: {  	v7 =	vsub.s32 $0x5F3759DF, v7;
	v4 =	vsub.f32 $1.500000000e+00, v4  }
0xd1: {  	v8 =	vmul.f32 v7, v3  }
0xd2: {  	s15 =	simm.s32 $0x30;
	[tilespmem:s17+$0x1A000] =	vst v1;
	v4 =	vmul.f32 v2, v4  }
0xd3: {  	v9 =	vld [tilespmem:s15+$0x1A000];
	v2 =	vadd.f32 $1.000000000e+00, v6;
	v6 =	vmul.f32 v7, v8  }
0xd4: {  	v8 =	vmul.f32 v4, v5  }
0xd5: {  	v10 =	vshra.s32 v2, $0x1;
	v2 =	vmul.f32 $5.000000000e-01, v2;
	v6 =	vsub.f32 $1.500000000e+00, v6  }
0xd6: {  	v10 =	vsub.s32 $0x5F3759DF, v10;
	v8 =	vmul.f32 v8, v4  }
0xd7: {  	s4 =	simm.s32 $0x40;
	[tilespmem:s15+$0x1A000] =	vst v1;
	v11 =	vmul.f32 v10, v2;
	v13 =	vmul.f32 v7, v6  }
0xd8: {  	v12 =	vld [tilespmem:s4+$0x1A000];
	v7 =	vadd.f32 $1.000000000e+00, v9;
	v6 =	vsub.f32 $1.500000000e+00, v8  }
0xd9: {  	v8 =	vmul.f32 v10, v11;
	v11 =	vmul.f32 v13, v3  }
0xda: {  	v9 =	vshra.s32 v7, $0x1;
	v6 =	vmul.f32 v6, v4;
	v4 =	vmul.f32 $5.000000000e-01, v7  }
0xdb: {  	v9 =	vsub.s32 $0x5F3759DF, v9;
	v7 =	vsub.f32 $1.500000000e+00, v8;
	v8 =	vmul.f32 v11, v13  }
0xdc: {  	v5 =	vmul.f32 v6, v5;
	v11 =	vmul.f32 v9, v4  }
0xdd: {  	v15 =	vadd.f32 $1.000000000e+00, v12;
	v7 =	vmul.f32 v10, v7;
	v8 =	vsub.f32 $1.500000000e+00, v8  }
0xde: {  	s5 =	simm.s32 $0x50;
	[tilespmem:s4+$0x1A000] =	vst v1;
	v5 =	vmul.f32 v5, v6;
	v16 =	vmul.f32 v9, v11  }
0xdf: {  	s9 =	simm.s32 $0x1C0;
	s22 =	simm.s32 $0x180;
	s23 =	simm.s32 $0x280;
	v14 =	vshra.s32 v15, $0x1;
	v10 =	vld [tilespmem:s5+$0x1A000];
	v12 =	vmul.f32 v7, v2;
	v8 =	vmul.f32 v8, v13  }
0xe0: {  	s10 =	simm.s32 $0x200;
	s20 =	simm.s32 $0x240;
	s16 =	simm.s32 $0x2C0;
	[tilespmem:s5+$0x1A000] =	vst v1;
	v11 =	vsub.f32 $1.500000000e+00, v5;
	v5 =	vmul.f32 $5.000000000e-01, v15;
	v13 =	vsub.f32 $1.500000000e+00, v16  }
.LBB2_6:
0xe1: {  	p1 =	sne.s32 s16, $0x9C0;
	v14 =	vsub.s32 $0x5F3759DF, v14;
	v12 =	vmul.f32 v12, v7;
	v15 =	vmul.f32 v8, v3;
	v3 =	vmovc v2;
	v2 =	vmovc v4;
	s25 =	smov.u32 s16;
	s16 =	sadd.s32 $0x40, s16  }
.Ltmp2:
0xe2: {  	s6 =	smov.u32 s15;
	s15 =	smov.u32 s4;
	v16 =	vmul.f32 v14, v5;
	v13 =	vmul.f32 v9, v13;
	v9 =	vmovc v14;
	v4 =	vmov v5;
	(pc) =	sbr.rel @p1 .LBB2_6-.Ltmp2, $4  }
0xe3: {  	s4 =	smov.u32 s5;
	v5 =	vsub.f32 $1.500000000e+00, v12;
	v14 =	vmul.f32 v15, v8;
	v15 =	vmul.f32 v11, v6;
	v6 =	vmovc v8  }
0xe4: {  	s5 =	sshra.s32 s22, $0x2;
	s22 =	smov.u32 s9;
	s9 =	smov.u32 s10;
	v17 =	vadd.f32 $1.000000000e+00, v10;
	v16 =	vmul.f32 v9, v16;
	v12 =	vmul.f32 v13, v2  }
0xe5: {  	s10 =	smov.u32 s20;
	s20 =	smov.u32 s23;
	s23 =	smov.u32 s25;
	v10 =	vld [tilespmem:s5+$0x1A000];
	[tilespmem:s5+$0x1A000] =	vst v1;
	v8 =	vmul.f32 v5, v7;
	v11 =	vsub.f32 $1.500000000e+00, v14;
	v7 =	vmov v13  }
0xe6: {  	v14 =	vshra.s32 v17, $0x1;
	v5 =	vmul.f32 $5.000000000e-01, v17;
	v13 =	vsub.f32 $1.500000000e+00, v16;
	[tilespmem:s19+$0x1A280] =	vst v15;
	s19 =	smov.u32 s18;
	s18 =	smov.u32 s17;
	s17 =	smov.u32 s6  }
0xe7: {  	_ = 	snop  }
0xe8: {  	v9 =	vmul.f32 v9, v13  }
0xe9: {  	v12 =	vmul.f32 v12, v7  }
0xea: {  	v3 =	vmul.f32 v8, v3;
	v63 =	vsub.s32 $0x5F3759DF, v14;
	v20 =	vmul.f32 v9, v4  }
0xeb: {  	s22 =	sshra.s32 s22, $0x2;
	v15 =	vmul.f32 v63, v5  }
0xec: {  	v23 =	vld [tilespmem:s22+$0x1A000];
	v12 =	vsub.f32 $1.500000000e+00, v12;
	v3 =	vmul.f32 v3, v8;
	v21 =	vmul.f32 v20, v9  }
0xed: {  	v6 =	vmul.f32 v11, v6;
	v10 =	vadd.f32 $1.000000000e+00, v10;
	v22 =	vmul.f32 v63, v15  }
0xee: {  	v24 =	vmul.f32 v12, v7;
	v3 =	vsub.f32 $1.500000000e+00, v3;
	v11 =	vsub.f32 $1.500000000e+00, v21  }
0xef: {  	v25 =	vshra.s32 v10, $0x1;
	v10 =	vmul.f32 $5.000000000e-01, v10;
	v14 =	vsub.f32 $1.500000000e+00, v22  }
0xf0: {  	v12 =	vsub.s32 $0x5F3759DF, v25;
	v2 =	vmul.f32 v24, v2;
	v9 =	vmul.f32 v11, v9  }
0xf1: {  	[tilespmem:s22+$0x1A000] =	vst v1;
	v3 =	vmul.f32 v3, v8;
	v27 =	vadd.f32 $1.000000000e+00, v23;
	v16 =	vmul.f32 v12, v10  }
0xf2: {  	s9 =	sshra.s32 s9, $0x2;
	[tilespmem:s19+$0x1A280] =	vst v6;
	v2 =	vmul.f32 v2, v24;
	v29 =	vmul.f32 v9, v4  }
0xf3: {  	v28 =	vld [tilespmem:s9+$0x1A000];
	[tilespmem:s9+$0x1A000] =	vst v1;
	v26 =	vmul.f32 v63, v14;
	v15 =	vshra.s32 v27, $0x1  }
0xf4: {  	[tilespmem:s18+$0x1A280] =	vst v3;
	v30 =	vmul.f32 v12, v16;
	v2 =	vsub.f32 $1.500000000e+00, v2;
	v3 =	vmul.f32 v29, v9  }
0xf5: {  	s16 =	sshra.s32 s10, $0x2;
	v31 =	vmul.f32 $5.000000000e-01, v27;
	v14 =	vmul.f32 v26, v5;
	v34 =	vsub.s32 $0x5F3759DF, v15  }
0xf6: {  	v33 =	vld [tilespmem:s16+$0x1A000];
	v32 =	vsub.f32 $1.500000000e+00, v30;
	v2 =	vmul.f32 v2, v24;
	v3 =	vsub.f32 $1.500000000e+00, v3  }
0xf7: {  	[tilespmem:s16+$0x1A000] =	vst v1;
	v15 =	vmul.f32 v34, v31;
	v14 =	vmul.f32 v14, v26  }
0xf8: {  	s20 =	sshra.s32 s20, $0x2;
	v8 =	vmul.f32 v12, v32;
	[tilespmem:s17+$0x1A280] =	vst v2;
	v3 =	vmul.f32 v3, v9  }
0xf9: {  	v11 =	vadd.f32 $1.000000000e+00, v28;
	v2 =	vsub.f32 $1.500000000e+00, v14;
	v35 =	vld [tilespmem:s20+$0x1A000];
	[tilespmem:s20+$0x1A000] =	vst v1  }
0xfa: {  	s23 =	sshra.s32 s23, $0x2;
	v36 =	vmul.f32 v34, v15;
	v37 =	vmul.f32 v8, v10;
	[tilespmem:s15+$0x1A280] =	vst v3  }
0xfb: {  	v38 =	vshra.s32 v11, $0x1;
	v7 =	vadd.f32 $1.000000000e+00, v33;
	v2 =	vmul.f32 v2, v26;
	v40 =	vld [tilespmem:s23+$0x1A000]  }
0xfc: {  	v6 =	vsub.s32 $0x5F3759DF, v38;
	v39 =	vsub.f32 $1.500000000e+00, v36;
	v14 =	vmul.f32 v37, v8  }
0xfd: {  	v44 =	vshra.s32 v7, $0x1;
	v7 =	vmul.f32 $5.000000000e-01, v7;
	v41 =	vmul.f32 v2, v5  }
0xfe: {  	v3 =	vmul.f32 $5.000000000e-01, v11;
	v43 =	vsub.f32 $1.500000000e+00, v14;
	v14 =	vsub.s32 $0x5F3759DF, v44  }
0xff: {  	v11 =	vmul.f32 v34, v39;
	v9 =	vadd.f32 $1.000000000e+00, v35;
	v46 =	vmul.f32 v14, v7  }
0x100: {  	v5 =	vmul.f32 v41, v2;
	v42 =	vmul.f32 v6, v3;
	v12 =	vadd.f32 $1.000000000e+00, v40  }
0x101: {  	v45 =	vshra.s32 v9, $0x1;
	v9 =	vmul.f32 $5.000000000e-01, v9;
	v13 =	vmul.f32 v14, v46  }
0x102: {  	v16 =	vsub.s32 $0x5F3759DF, v45;
	v18 =	vshra.s32 v12, $0x1;
	v12 =	vmul.f32 $5.000000000e-01, v12  }
0x103: {  	v15 =	vmul.f32 v6, v42;
	v17 =	vmul.f32 v16, v9;
	v18 =	vsub.s32 $0x5F3759DF, v18  }
0x104: {  	v8 =	vmul.f32 v43, v8;
	v13 =	vsub.f32 $1.500000000e+00, v13;
	v19 =	vmul.f32 v18, v12  }
0x105: {  	v47 =	vmul.f32 v11, v31;
	v15 =	vsub.f32 $1.500000000e+00, v15;
	v17 =	vmul.f32 v16, v17  }
0x106: {  	v13 =	vmul.f32 v14, v13;
	v19 =	vmul.f32 v18, v19  }
0x107: {  	v10 =	vmul.f32 v8, v10;
	v6 =	vmul.f32 v6, v15;
	v17 =	vsub.f32 $1.500000000e+00, v17  }
0x108: {  	v15 =	vmul.f32 v47, v11;
	v50 =	vmul.f32 v13, v7;
	v49 =	vsub.f32 $1.500000000e+00, v19  }
0x109: {  	v48 =	vmul.f32 v6, v3;
	v16 =	vmul.f32 v16, v17  }
0x10a: {  	v15 =	vsub.f32 $1.500000000e+00, v15;
	v53 =	vmul.f32 v50, v13;
	v17 =	vmul.f32 v18, v49  }
0x10b: {  	v5 =	vsub.f32 $1.500000000e+00, v5;
	v14 =	vmul.f32 v48, v6;
	v51 =	vmul.f32 v16, v9  }
0x10c: {  	v11 =	vmul.f32 v15, v11;
	v54 =	vmul.f32 v17, v12  }
0x10d: {  	v2 =	vmul.f32 v5, v2;
	v52 =	vsub.f32 $1.500000000e+00, v14;
	v18 =	vmul.f32 v51, v16  }
0x10e: {  	v55 =	vsub.f32 $1.500000000e+00, v53;
	v4 =	vmul.f32 v11, v31;
	v57 =	vmul.f32 v54, v17  }
0x10f: {  	v10 =	vmul.f32 v10, v8;
	v5 =	vmul.f32 v52, v6;
	v56 =	vsub.f32 $1.500000000e+00, v18  }
0x110: {  	v6 =	vmul.f32 v55, v13;
	v4 =	vmul.f32 v4, v11;
	v59 =	vsub.f32 $1.500000000e+00, v57  }
0x111: {  	v3 =	vmul.f32 v5, v3;
	v58 =	vmul.f32 v56, v16  }
0x112: {  	v7 =	vmul.f32 v6, v7;
	v14 =	vmul.f32 v59, v17  }
0x113: {  	v10 =	vsub.f32 $1.500000000e+00, v10;
	v3 =	vmul.f32 v3, v5;
	v9 =	vmul.f32 v58, v9  }
0x114: {  	v4 =	vsub.f32 $1.500000000e+00, v4;
	v7 =	vmul.f32 v7, v6;
	v12 =	vmul.f32 v14, v12  }
0x115: {  	[tilespmem:s23+$0x1A000] =	vst v1;
	v8 =	vmul.f32 v10, v8;
	v3 =	vsub.f32 $1.500000000e+00, v3;
	v9 =	vmul.f32 v9, v58  }
0x116: {  	[tilespmem:s4+$0x1A280] =	vst v2;
	v2 =	vmul.f32 v4, v11;
	v60 =	vsub.f32 $1.500000000e+00, v7;
	v61 =	vmul.f32 v12, v14  }
0x117: {  	[tilespmem:s5+$0x1A280] =	vst v8;
	v3 =	vmul.f32 v3, v5;
	v62 =	vsub.f32 $1.500000000e+00, v9  }
0x118: {  	[tilespmem:s22+$0x1A280] =	vst v2;
	v2 =	vmul.f32 v60, v6;
	v63 =	vsub.f32 $1.500000000e+00, v61  }
0x119: {  	[tilespmem:s9+$0x1A280] =	vst v3;
	v3 =	vmul.f32 v62, v58  }
0x11a: {  	[tilespmem:s16+$0x1A280] =	vst v2;
	v2 =	vmul.f32 v63, v14  }
0x11b: {  	[tilespmem:s20+$0x1A280] =	vst v3  }
0x11c: {  	s25 =	rddreg [dreg:$0xc];
	s4 =	simm.s32 $0x1A280;
	[tilespmem:s23+$0x1A280] =	vst v2  }
0x11d: {  	[spmem:s25] =	stream.linear.scatter [tilespmem:s4], [sflag:$0x4], $0x280, $0x38;
	[tilespmem:$0x1FF10] =	vst v63  }
0x11e: {  	_ =	swait.ge [sflag:s21], $0x280  }
0x11f: {  	[sflag:s21] =	ssyncset.done $0x0  }
0x120: {  	s20 =	simm.s32 $0x1A000;
	s16 =	rddreg [dreg:$0x8];
	[sflag:s21] =	ssyncadd.s32 $0xFFFFFD80  }
0x121: {  	[spmem:s16] =	stream.linear.scatter [tilespmem:s20], [sflag:$0x4], $0x280, $0x38;
	[tilespmem:$0x1FF10] =	vst v63  }
0x122: {  	_ =	swait.ge [sflag:s21], $0x280  }
0x123: {  	s19 =	simm.s32 $0x15000;
	s18 =	simm.s32 $0x0;
	[sflag:s21] =	ssyncset.done $0x0  }
0x124: {  	s5 =	simm.s32 $0x12800;
	s9 =	simm.s32 $0x0;
	[sflag:s21] =	ssyncadd.s32 $0xFFFFFD80  }
.LBB2_8:
0x125: {  	s6 =	smul.u32 $0x50, s18;
	_ =	sdelay $0x1  }
0x126: {  	s6 =	sadd.s32 s7, s6  }
0x127: {  	s6 =	sshll.u32 s6, $0x7  }
0x128: {  	s6 =	sadd.s32 s14, s6  }
0x129: {  	s6 =	sshrl.u32 s6, $0x3  }
0x12a: {  	s6 =	sadd.s32 s8, s6  }
0x12b: {  	[tilespmem:s28], [sflag:$0x4] =	stream.linear.gather [hbm4b:s6+s9], $0x2800, $0x38;
	[tilespmem:$0x1FF10] =	vst v63  }
0x12c: {  	_ =	swait.ge [sflag:s21], $0x2800  }
0x12d: {  	[sflag:s21] =	ssyncset.done $0x0  }
0x12e: {  	[sflag:s21] =	ssyncadd.s32 $0xFFFFD800  }
0x12f: {  	v4 =	vld [tilespmem:s4+$0x0]  }
0x130: {  	s15 =	simm.s32 $0x17C00  }
0x131: {  	v5 =	vld [tilespmem:s15+$0xFFFFFC00]  }
0x132: {  	v3 =	vmov s19  }
0x133: {  	v2 =	vmov s5  }
0x134: {  	v6 =	vbroadcast v4, $0x0;
	_ =	sdelay $0x1  }
0x135: {  	s22 =	simm.s32 $0xF0;
	v6 =	vmul.f32 v6, v5  }
0x136: {  	[tilespmem:v3+s22+$0xFFFFFF10 ss:$0x1] =	vst.idx.msk $0xffff, v5  }
0x137: {  	[tilespmem:v2+s22+$0xFFFFFF10 ss:$0x1] =	vst.idx.msk $0xffff, v6  }
0x138: {  	v5 =	vld [tilespmem:s15+$0xFFFFFC80];
	_ =	sdelay $0x2  }
0x139: {  	v6 =	vbroadcast v4, $0x1;
	_ =	sdelay $0x1  }
0x13a: {  	v6 =	vmul.f32 v5, v6  }
0x13b: {  	[tilespmem:v3+s22+$0xFFFFFF20 ss:$0x1] =	vst.idx.msk $0xffff, v5  }
0x13c: {  	[tilespmem:v2+s22+$0xFFFFFF20 ss:$0x1] =	vst.idx.msk $0xffff, v6  }
0x13d: {  	v5 =	vld [tilespmem:s15+$0xFFFFFD00];
	_ =	sdelay $0x2  }
0x13e: {  	v6 =	vbroadcast v4, $0x2;
	_ =	sdelay $0x1  }
0x13f: {  	v6 =	vmul.f32 v5, v6  }
0x140: {  	[tilespmem:v3+s22+$0xFFFFFF30 ss:$0x1] =	vst.idx.msk $0xffff, v5  }
0x141: {  	[tilespmem:v2+s22+$0xFFFFFF30 ss:$0x1] =	vst.idx.msk $0xffff, v6  }
0x142: {  	v5 =	vld [tilespmem:s15+$0xFFFFFD80];
	_ =	sdelay $0x2  }
0x143: {  	v6 =	vbroadcast v4, $0x3;
	_ =	sdelay $0x1  }
0x144: {  	v6 =	vmul.f32 v5, v6  }
0x145: {  	[tilespmem:v3+s22+$0xFFFFFF40 ss:$0x1] =	vst.idx.msk $0xffff, v5  }
0x146: {  	[tilespmem:v2+s22+$0xFFFFFF40 ss:$0x1] =	vst.idx.msk $0xffff, v6  }
0x147: {  	v5 =	vld [tilespmem:s15+$0xFFFFFE00];
	_ =	sdelay $0x2  }
0x148: {  	v6 =	vbroadcast v4, $0x4;
	_ =	sdelay $0x1  }
0x149: {  	v6 =	vmul.f32 v5, v6  }
0x14a: {  	[tilespmem:v3+s22+$0xFFFFFF50 ss:$0x1] =	vst.idx.msk $0xffff, v5  }
0x14b: {  	[tilespmem:v2+s22+$0xFFFFFF50 ss:$0x1] =	vst.idx.msk $0xffff, v6  }
0x14c: {  	v5 =	vld [tilespmem:s15+$0xFFFFFE80];
	_ =	sdelay $0x2  }
0x14d: {  	v6 =	vbroadcast v4, $0x5;
	_ =	sdelay $0x1  }
0x14e: {  	v6 =	vmul.f32 v5, v6  }
0x14f: {  	[tilespmem:v3+s22+$0xFFFFFF60 ss:$0x1] =	vst.idx.msk $0xffff, v5  }
0x150: {  	[tilespmem:v2+s22+$0xFFFFFF60 ss:$0x1] =	vst.idx.msk $0xffff, v6  }
0x151: {  	v5 =	vld [tilespmem:s15+$0xFFFFFF00];
	_ =	sdelay $0x2  }
0x152: {  	v6 =	vbroadcast v4, $0x6;
	_ =	sdelay $0x1  }
0x153: {  	v6 =	vmul.f32 v5, v6  }
0x154: {  	[tilespmem:v3+s22+$0xFFFFFF70 ss:$0x1] =	vst.idx.msk $0xffff, v5  }
0x155: {  	[tilespmem:v2+s22+$0xFFFFFF70 ss:$0x1] =	vst.idx.msk $0xffff, v6  }
0x156: {  	v5 =	vld [tilespmem:s15+$0xFFFFFF80];
	_ =	sdelay $0x2  }
0x157: {  	v6 =	vbroadcast v4, $0x7;
	_ =	sdelay $0x1  }
0x158: {  	v6 =	vmul.f32 v5, v6  }
0x159: {  	[tilespmem:v3+s22+$0xFFFFFF80 ss:$0x1] =	vst.idx.msk $0xffff, v5  }
0x15a: {  	[tilespmem:v2+s22+$0xFFFFFF80 ss:$0x1] =	vst.idx.msk $0xffff, v6  }
0x15b: {  	v5 =	vld [tilespmem:s15+$0x0];
	_ =	sdelay $0x2  }
0x15c: {  	v6 =	vbroadcast v4, $0x8;
	_ =	sdelay $0x1  }
0x15d: {  	v6 =	vmul.f32 v5, v6  }
0x15e: {  	[tilespmem:v3+s22+$0xFFFFFF90 ss:$0x1] =	vst.idx.msk $0xffff, v5  }
0x15f: {  	[tilespmem:v2+s22+$0xFFFFFF90 ss:$0x1] =	vst.idx.msk $0xffff, v6  }
0x160: {  	v5 =	vld [tilespmem:s15+$0x80];
	_ =	sdelay $0x2  }
0x161: {  	v6 =	vbroadcast v4, $0x9;
	_ =	sdelay $0x1  }
0x162: {  	v6 =	vmul.f32 v5, v6  }
0x163: {  	[tilespmem:v3+s22+$0xFFFFFFA0 ss:$0x1] =	vst.idx.msk $0xffff, v5  }
0x164: {  	[tilespmem:v2+s22+$0xFFFFFFA0 ss:$0x1] =	vst.idx.msk $0xffff, v6  }
0x165: {  	v5 =	vld [tilespmem:s15+$0x100];
	_ =	sdelay $0x2  }
0x166: {  	v6 =	vbroadcast v4, $0xA;
	_ =	sdelay $0x1  }
0x167: {  	v6 =	vmul.f32 v5, v6  }
0x168: {  	[tilespmem:v3+s22+$0xFFFFFFB0 ss:$0x1] =	vst.idx.msk $0xffff, v5  }
0x169: {  	[tilespmem:v2+s22+$0xFFFFFFB0 ss:$0x1] =	vst.idx.msk $0xffff, v6  }
0x16a: {  	v5 =	vld [tilespmem:s15+$0x180];
	_ =	sdelay $0x2  }
0x16b: {  	v6 =	vbroadcast v4, $0xB;
	_ =	sdelay $0x1  }
0x16c: {  	v6 =	vmul.f32 v5, v6  }
0x16d: {  	[tilespmem:v3+s22+$0xFFFFFFC0 ss:$0x1] =	vst.idx.msk $0xffff, v5  }
0x16e: {  	[tilespmem:v2+s22+$0xFFFFFFC0 ss:$0x1] =	vst.idx.msk $0xffff, v6  }
0x16f: {  	v5 =	vld [tilespmem:s15+$0x200];
	_ =	sdelay $0x2  }
0x170: {  	v6 =	vbroadcast v4, $0xC;
	_ =	sdelay $0x1  }
0x171: {  	v6 =	vmul.f32 v5, v6  }
0x172: {  	[tilespmem:v3+s22+$0xFFFFFFD0 ss:$0x1] =	vst.idx.msk $0xffff, v5  }
0x173: {  	[tilespmem:v2+s22+$0xFFFFFFD0 ss:$0x1] =	vst.idx.msk $0xffff, v6  }
0x174: {  	v5 =	vld [tilespmem:s15+$0x280];
	_ =	sdelay $0x2  }
0x175: {  	v6 =	vbroadcast v4, $0xD;
	_ =	sdelay $0x1  }
0x176: {  	v6 =	vmul.f32 v5, v6  }
0x177: {  	[tilespmem:v3+s22+$0xFFFFFFE0 ss:$0x1] =	vst.idx.msk $0xffff, v5  }
0x178: {  	[tilespmem:v2+s22+$0xFFFFFFE0 ss:$0x1] =	vst.idx.msk $0xffff, v6  }
0x179: {  	v5 =	vld [tilespmem:s15+$0x300];
	_ =	sdelay $0x2  }
0x17a: {  	v6 =	vbroadcast v4, $0xE;
	_ =	sdelay $0x1  }
0x17b: {  	v6 =	vmul.f32 v5, v6  }
0x17c: {  	[tilespmem:v3+s22+$0xFFFFFFF0 ss:$0x1] =	vst.idx.msk $0xffff, v5  }
0x17d: {  	[tilespmem:v2+s22+$0xFFFFFFF0 ss:$0x1] =	vst.idx.msk $0xffff, v6  }
0x17e: {  	v5 =	vld [tilespmem:s15+$0x380];
	_ =	sdelay $0x2  }
0x17f: {  	v4 =	vbroadcast v4, $0xF;
	_ =	sdelay $0x1  }
0x180: {  	s23 =	simm.s32 $0x7C0;
	s17 =	smov.u32 s4;
	[tilespmem:v3+s22+$0x0 ss:$0x1] =	vst.idx.msk $0xffff, v5;
	v4 =	vmul.f32 v5, v4  }
.LBB2_9:
0x181: {  	_ = 	snop  }
0x182: {  	p1 =	sne.s32 s23, $0x13C0;
	s17 =	sadd.s32 $0x10, s17;
	s15 =	sadd.s32 $0x800, s15;
	[tilespmem:v2+s22+$0x0 ss:$0x1] =	vst.idx.msk $0xffff, v4  }
0x183: {  	s6 =	smov.u32 s23;
	s23 =	sadd.s32 $0x400, s23;
	v4 =	vld [tilespmem:s17+$0x0];
	_ =	sdelay $0x1  }
0x184: {  	v5 =	vld [tilespmem:s15+$0xFFFFFC00];
	_ =	sdelay $0x2  }
0x185: {  	v6 =	vbroadcast v4, $0x0;
	_ =	sdelay $0x1  }
0x186: {  	s22 =	sshra.s32 s6, $0x2;
	v6 =	vmul.f32 v6, v5  }
0x187: {  	[tilespmem:v3+s22+$0xFFFFFF10 ss:$0x1] =	vst.idx.msk $0xffff, v5  }
0x188: {  	[tilespmem:v2+s22+$0xFFFFFF10 ss:$0x1] =	vst.idx.msk $0xffff, v6  }
0x189: {  	v5 =	vld [tilespmem:s15+$0xFFFFFC80];
	_ =	sdelay $0x2  }
0x18a: {  	v6 =	vbroadcast v4, $0x1;
	_ =	sdelay $0x1  }
0x18b: {  	v6 =	vmul.f32 v5, v6  }
0x18c: {  	[tilespmem:v3+s22+$0xFFFFFF20 ss:$0x1] =	vst.idx.msk $0xffff, v5  }
0x18d: {  	[tilespmem:v2+s22+$0xFFFFFF20 ss:$0x1] =	vst.idx.msk $0xffff, v6  }
0x18e: {  	v5 =	vld [tilespmem:s15+$0xFFFFFD00];
	_ =	sdelay $0x2  }
0x18f: {  	v6 =	vbroadcast v4, $0x2;
	_ =	sdelay $0x1  }
0x190: {  	v6 =	vmul.f32 v5, v6  }
0x191: {  	[tilespmem:v3+s22+$0xFFFFFF30 ss:$0x1] =	vst.idx.msk $0xffff, v5  }
0x192: {  	[tilespmem:v2+s22+$0xFFFFFF30 ss:$0x1] =	vst.idx.msk $0xffff, v6  }
0x193: {  	v5 =	vld [tilespmem:s15+$0xFFFFFD80];
	_ =	sdelay $0x2  }
0x194: {  	v6 =	vbroadcast v4, $0x3;
	_ =	sdelay $0x1  }
0x195: {  	v6 =	vmul.f32 v5, v6  }
0x196: {  	[tilespmem:v3+s22+$0xFFFFFF40 ss:$0x1] =	vst.idx.msk $0xffff, v5  }
0x197: {  	[tilespmem:v2+s22+$0xFFFFFF40 ss:$0x1] =	vst.idx.msk $0xffff, v6  }
0x198: {  	v5 =	vld [tilespmem:s15+$0xFFFFFE00];
	_ =	sdelay $0x2  }
0x199: {  	v6 =	vbroadcast v4, $0x4;
	_ =	sdelay $0x1  }
0x19a: {  	v6 =	vmul.f32 v5, v6  }
0x19b: {  	[tilespmem:v3+s22+$0xFFFFFF50 ss:$0x1] =	vst.idx.msk $0xffff, v5  }
0x19c: {  	[tilespmem:v2+s22+$0xFFFFFF50 ss:$0x1] =	vst.idx.msk $0xffff, v6  }
0x19d: {  	v5 =	vld [tilespmem:s15+$0xFFFFFE80];
	_ =	sdelay $0x2  }
0x19e: {  	v6 =	vbroadcast v4, $0x5;
	_ =	sdelay $0x1  }
0x19f: {  	v6 =	vmul.f32 v5, v6  }
0x1a0: {  	[tilespmem:v3+s22+$0xFFFFFF60 ss:$0x1] =	vst.idx.msk $0xffff, v5  }
0x1a1: {  	[tilespmem:v2+s22+$0xFFFFFF60 ss:$0x1] =	vst.idx.msk $0xffff, v6  }
0x1a2: {  	v5 =	vld [tilespmem:s15+$0xFFFFFF00];
	_ =	sdelay $0x2  }
0x1a3: {  	v6 =	vbroadcast v4, $0x6;
	_ =	sdelay $0x1  }
0x1a4: {  	v6 =	vmul.f32 v5, v6  }
0x1a5: {  	[tilespmem:v3+s22+$0xFFFFFF70 ss:$0x1] =	vst.idx.msk $0xffff, v5  }
0x1a6: {  	[tilespmem:v2+s22+$0xFFFFFF70 ss:$0x1] =	vst.idx.msk $0xffff, v6  }
0x1a7: {  	v5 =	vld [tilespmem:s15+$0xFFFFFF80];
	_ =	sdelay $0x2  }
0x1a8: {  	v6 =	vbroadcast v4, $0x7;
	_ =	sdelay $0x1  }
0x1a9: {  	[tilespmem:v3+s22+$0xFFFFFF80 ss:$0x1] =	vst.idx.msk $0xffff, v5;
	v5 =	vmul.f32 v5, v6;
	_ =	sdelay $0x1  }
0x1aa: {  	[tilespmem:v2+s22+$0xFFFFFF80 ss:$0x1] =	vst.idx.msk $0xffff, v5  }
0x1ab: {  	v5 =	vld [tilespmem:s15+$0x0];
	_ =	sdelay $0x2  }
0x1ac: {  	v6 =	vbroadcast v4, $0x8;
	_ =	sdelay $0x1  }
0x1ad: {  	[tilespmem:v3+s22+$0xFFFFFF90 ss:$0x1] =	vst.idx.msk $0xffff, v5;
	v5 =	vmul.f32 v5, v6;
	_ =	sdelay $0x1  }
0x1ae: {  	[tilespmem:v2+s22+$0xFFFFFF90 ss:$0x1] =	vst.idx.msk $0xffff, v5  }
0x1af: {  	v5 =	vld [tilespmem:s15+$0x80];
	_ =	sdelay $0x2  }
0x1b0: {  	v6 =	vbroadcast v4, $0x9;
	_ =	sdelay $0x1  }
0x1b1: {  	[tilespmem:v3+s22+$0xFFFFFFA0 ss:$0x1] =	vst.idx.msk $0xffff, v5;
	v5 =	vmul.f32 v5, v6;
	_ =	sdelay $0x1  }
0x1b2: {  	[tilespmem:v2+s22+$0xFFFFFFA0 ss:$0x1] =	vst.idx.msk $0xffff, v5  }
0x1b3: {  	v5 =	vld [tilespmem:s15+$0x100];
	_ =	sdelay $0x2  }
0x1b4: {  	v6 =	vbroadcast v4, $0xA;
	_ =	sdelay $0x1  }
0x1b5: {  	[tilespmem:v3+s22+$0xFFFFFFB0 ss:$0x1] =	vst.idx.msk $0xffff, v5;
	v5 =	vmul.f32 v5, v6;
	_ =	sdelay $0x1  }
0x1b6: {  	[tilespmem:v2+s22+$0xFFFFFFB0 ss:$0x1] =	vst.idx.msk $0xffff, v5  }
0x1b7: {  	v5 =	vld [tilespmem:s15+$0x180];
	_ =	sdelay $0x2  }
0x1b8: {  	v6 =	vbroadcast v4, $0xB;
	_ =	sdelay $0x1  }
0x1b9: {  	[tilespmem:v3+s22+$0xFFFFFFC0 ss:$0x1] =	vst.idx.msk $0xffff, v5;
	v5 =	vmul.f32 v5, v6;
	_ =	sdelay $0x1  }
0x1ba: {  	[tilespmem:v2+s22+$0xFFFFFFC0 ss:$0x1] =	vst.idx.msk $0xffff, v5  }
0x1bb: {  	v5 =	vld [tilespmem:s15+$0x200];
	_ =	sdelay $0x2  }
0x1bc: {  	v6 =	vbroadcast v4, $0xC;
	_ =	sdelay $0x1  }
0x1bd: {  	[tilespmem:v3+s22+$0xFFFFFFD0 ss:$0x1] =	vst.idx.msk $0xffff, v5;
	v5 =	vmul.f32 v5, v6;
	_ =	sdelay $0x1  }
0x1be: {  	[tilespmem:v2+s22+$0xFFFFFFD0 ss:$0x1] =	vst.idx.msk $0xffff, v5  }
0x1bf: {  	v5 =	vld [tilespmem:s15+$0x280];
	_ =	sdelay $0x2  }
0x1c0: {  	v6 =	vbroadcast v4, $0xD;
	_ =	sdelay $0x1  }
0x1c1: {  	[tilespmem:v3+s22+$0xFFFFFFE0 ss:$0x1] =	vst.idx.msk $0xffff, v5;
	v5 =	vmul.f32 v5, v6;
	_ =	sdelay $0x1  }
0x1c2: {  	[tilespmem:v2+s22+$0xFFFFFFE0 ss:$0x1] =	vst.idx.msk $0xffff, v5  }
0x1c3: {  	v5 =	vld [tilespmem:s15+$0x300];
	_ =	sdelay $0x2  }
0x1c4: {  	v6 =	vbroadcast v4, $0xE;
	_ =	sdelay $0x1  }
0x1c5: {  	[tilespmem:v3+s22+$0xFFFFFFF0 ss:$0x1] =	vst.idx.msk $0xffff, v5;
	v5 =	vmul.f32 v5, v6;
	_ =	sdelay $0x1  }
0x1c6: {  	[tilespmem:v2+s22+$0xFFFFFFF0 ss:$0x1] =	vst.idx.msk $0xffff, v5  }
0x1c7: {  	v5 =	vld [tilespmem:s15+$0x380]  }
.Ltmp3:
0x1c8: {  	(pc) =	sbr.rel @p1 .LBB2_9-.Ltmp3, $3  }
0x1c9: {  	_ = 	snop  }
0x1ca: {  	v4 =	vbroadcast v4, $0xF;
	_ =	sdelay $0x1  }
0x1cb: {  	[tilespmem:v3+s22+$0x0 ss:$0x1] =	vst.idx.msk $0xffff, v5;
	v4 =	vmul.f32 v5, v4  }
0x1cc: {  	s18 =	sadd.s32 $0x1, s18  }
0x1cd: {  	p1 =	sne.s32 s18, $0x8  }
.Ltmp4:
0x1ce: {  	_ = 	snop;
	(pc) =	sbr.rel @p1 .LBB2_8-.Ltmp4, $2  }
0x1cf: {  	_ =	sdelay $0x2  }
0x1d0: {  	s4 =	sadd.s32 $0x50, s4;
	s19 =	sadd.s32 $0x500, s19;
	s5 =	sadd.s32 $0x500, s5;
	[tilespmem:v2+s22+$0x0 ss:$0x1] =	vst.idx.msk $0xffff, v4  }
0x1d1: {  	s4 =	rddreg [dreg:$0xd];
	s22 =	simm.s32 $0x12800  }
0x1d2: {  	[spmem:s4] =	stream.linear.scatter [tilespmem:s22], [sflag:$0x4], $0x2800, $0x38;
	[tilespmem:$0x1FF10] =	vst v63  }
0x1d3: {  	_ =	swait.ge [sflag:s21], $0x2800  }
0x1d4: {  	[sflag:s21] =	ssyncset.done $0x0  }
0x1d5: {  	[sflag:s21] =	ssyncadd.s32 $0xFFFFD800  }
0x1d6: {  	s15 =	simm.s32 $0x0;
	[bflag:$0x0] =	sbarrier.arrive $0xFFFF  }
0x1d7: {  	[tilespmem:s29], [sflag:$0x1] =	stream.indirect.gather [spmem:s3], $0x10, s15, s24, $0xb8;
	[tilespmem:$0x1FF10] =	vst v63  }
0x1d8: {  	s23 =	simm.s32 $0x5000  }
0x1d9: {  	[tilespmem:s30], [sflag:$0x3] =	stream.indirect.gather [spmem:s2], $0x1, s23, s24, $0xb8;
	[tilespmem:$0x1FF10] =	vst v63  }
0x1da: {  	_ =	swait.ge [sflag:s31], $0x4000  }
0x1db: {  	[sflag:s31] =	ssyncset.done $0x0  }
0x1dc: {  	[sflag:s31] =	ssyncadd.s32 $0xFFFFC000  }
0x1dd: {  	_ =	swait.ge [sflag:s11], $0x400  }
0x1de: {  	[sflag:s11] =	ssyncset.done $0x0  }
0x1df: {  	s17 =	simm.s32 $0x400;
	[sflag:s11] =	ssyncadd.s32 $0xFFFFFC00  }
0x1e0: {  	[tilespmem:s12], [sflag:$0x1] =	stream.indirect.gather [spmem:s3], $0x10, s17, s24, $0xb8;
	[tilespmem:$0x1FF10] =	vst v63  }
0x1e1: {  	s5 =	simm.s32 $0x5400  }
0x1e2: {  	[tilespmem:s13], [sflag:$0x3] =	stream.indirect.gather [spmem:s2], $0x1, s5, s24, $0xb8;
	[tilespmem:$0x1FF10] =	vst v63  }
0x1e3: {  	s6 =	simm.s32 $0x5000  }
0x1e4: {  	[spmem:s1] =	stream.indirect.scatter.add.f32 [tilespmem:s29], [sflag:$0x2], $0x10, s6, s24, $0xb8;
	[tilespmem:$0x1FF10] =	vst v63  }
0x1e5: {  	s18 =	simm.s32 $0x0  }
0x1e6: {  	[spmem:s0] =	stream.indirect.scatter.add.f32 [tilespmem:s30], [sflag:$0x4], $0x1, s18, s24, $0xb8;
	[tilespmem:$0x1FF10] =	vst v63  }
0x1e7: {  	_ =	swait.ge [sflag:s21], $0x400  }
0x1e8: {  	[sflag:s21] =	ssyncset.done $0x0  }
0x1e9: {  	[sflag:s21] =	ssyncadd.s32 $0xFFFFFC00  }
0x1ea: {  	_ =	swait.ge [sflag:s26], $0x4000  }
0x1eb: {  	[sflag:s26] =	ssyncset.done $0x0  }
0x1ec: {  	[sflag:s26] =	ssyncadd.s32 $0xFFFFC000  }
0x1ed: {  	_ =	swait.ge [sflag:s31], $0x4000  }
0x1ee: {  	[sflag:s31] =	ssyncset.done $0x0  }
0x1ef: {  	[sflag:s31] =	ssyncadd.s32 $0xFFFFC000  }
0x1f0: {  	_ =	swait.ge [sflag:s11], $0x400  }
0x1f1: {  	[sflag:s11] =	ssyncset.done $0x0  }
0x1f2: {  	s19 =	simm.s32 $0x800;
	[sflag:s11] =	ssyncadd.s32 $0xFFFFFC00  }
0x1f3: {  	[tilespmem:s29], [sflag:$0x1] =	stream.indirect.gather [spmem:s3], $0x10, s19, s24, $0xb8;
	[tilespmem:$0x1FF10] =	vst v63  }
0x1f4: {  	s25 =	simm.s32 $0x5800  }
0x1f5: {  	[tilespmem:s30], [sflag:$0x3] =	stream.indirect.gather [spmem:s2], $0x1, s25, s24, $0xb8;
	[tilespmem:$0x1FF10] =	vst v63  }
0x1f6: {  	_ = 	snop  }
0x1f7: {  	[spmem:s1] =	stream.indirect.scatter.add.f32 [tilespmem:s12], [sflag:$0x2], $0x10, s5, s24, $0xb8;
	[tilespmem:$0x1FF10] =	vst v63  }
0x1f8: {  	_ = 	snop  }
0x1f9: {  	[spmem:s0] =	stream.indirect.scatter.add.f32 [tilespmem:s13], [sflag:$0x4], $0x1, s17, s24, $0xb8;
	[tilespmem:$0x1FF10] =	vst v63  }
0x1fa: {  	_ =	swait.ge [sflag:s21], $0x400  }
0x1fb: {  	[sflag:s21] =	ssyncset.done $0x0  }
0x1fc: {  	[sflag:s21] =	ssyncadd.s32 $0xFFFFFC00  }
0x1fd: {  	_ =	swait.ge [sflag:s26], $0x4000  }
0x1fe: {  	s4 =	simm.s32 $0x2000;
	s25 =	simm.s32 $0x9C00;
	[sflag:s26] =	ssyncset.done $0x0  }
.LBB2_12:
0x1ff: {  	p1 =	sne.s32 s4, $0x10000  }
0x200: {  	[sflag:s26] =	ssyncadd.s32 $0xFFFFC000;
	s5 =	smov.u32 s4;
	s4 =	sadd.s32 $0x2000, s4  }
0x201: {  	_ =	swait.ge [sflag:s31], $0x4000  }
0x202: {  	[sflag:s31] =	ssyncset.done $0x0  }
0x203: {  	[sflag:s31] =	ssyncadd.s32 $0xFFFFC000  }
0x204: {  	_ =	swait.ge [sflag:s11], $0x400  }
0x205: {  	s5 =	sshra.s32 s5, $0x2;
	[sflag:s11] =	ssyncset.done $0x0  }
0x206: {  	s6 =	sadd.s32 $0x400, s5;
	[sflag:s11] =	ssyncadd.s32 $0xFFFFFC00  }
0x207: {  	[tilespmem:s12], [sflag:$0x1] =	stream.indirect.gather [spmem:s3], $0x10, s6, s24, $0xb8;
	[tilespmem:$0x1FF10] =	vst v63  }
0x208: {  	s9 =	sadd.s32 $0x5400, s5  }
0x209: {  	[tilespmem:s13], [sflag:$0x3] =	stream.indirect.gather [spmem:s2], $0x1, s9, s24, $0xb8;
	[tilespmem:$0x1FF10] =	vst v63  }
0x20a: {  	s10 =	sadd.s32 $0x5000, s5  }
0x20b: {  	[spmem:s1] =	stream.indirect.scatter.add.f32 [tilespmem:s29], [sflag:$0x2], $0x10, s10, s24, $0xb8;
	[tilespmem:$0x1FF10] =	vst v63  }
0x20c: {  	_ = 	snop  }
0x20d: {  	[spmem:s0] =	stream.indirect.scatter.add.f32 [tilespmem:s30], [sflag:$0x4], $0x1, s5, s24, $0xb8;
	[tilespmem:$0x1FF10] =	vst v63  }
0x20e: {  	_ =	swait.ge [sflag:s21], $0x400  }
0x20f: {  	[sflag:s21] =	ssyncset.done $0x0  }
0x210: {  	[sflag:s21] =	ssyncadd.s32 $0xFFFFFC00  }
0x211: {  	_ =	swait.ge [sflag:s26], $0x4000  }
0x212: {  	[sflag:s26] =	ssyncset.done $0x0  }
0x213: {  	[sflag:s26] =	ssyncadd.s32 $0xFFFFC000  }
0x214: {  	_ =	swait.ge [sflag:s31], $0x4000  }
0x215: {  	[sflag:s31] =	ssyncset.done $0x0  }
0x216: {  	[sflag:s31] =	ssyncadd.s32 $0xFFFFC000  }
0x217: {  	_ =	swait.ge [sflag:s11], $0x400  }
0x218: {  	[sflag:s11] =	ssyncset.done $0x0  }
0x219: {  	s10 =	sadd.s32 $0x800, s5;
	[sflag:s11] =	ssyncadd.s32 $0xFFFFFC00  }
0x21a: {  	[tilespmem:s29], [sflag:$0x1] =	stream.indirect.gather [spmem:s3], $0x10, s10, s24, $0xb8;
	[tilespmem:$0x1FF10] =	vst v63  }
0x21b: {  	s5 =	sadd.s32 $0x5800, s5  }
0x21c: {  	[tilespmem:s30], [sflag:$0x3] =	stream.indirect.gather [spmem:s2], $0x1, s5, s24, $0xb8;
	[tilespmem:$0x1FF10] =	vst v63  }
0x21d: {  	_ = 	snop  }
0x21e: {  	[spmem:s1] =	stream.indirect.scatter.add.f32 [tilespmem:s12], [sflag:$0x2], $0x10, s9, s24, $0xb8;
	[tilespmem:$0x1FF10] =	vst v63  }
0x21f: {  	_ = 	snop  }
0x220: {  	[spmem:s0] =	stream.indirect.scatter.add.f32 [tilespmem:s13], [sflag:$0x4], $0x1, s6, s24, $0xb8;
	[tilespmem:$0x1FF10] =	vst v63  }
.Ltmp5:
0x221: {  	_ =	swait.ge [sflag:s21], $0x400;
	(pc) =	sbr.rel @p1 .LBB2_12-.Ltmp5, $4  }
0x222: {  	[sflag:s21] =	ssyncset.done $0x0  }
0x223: {  	[sflag:s21] =	ssyncadd.s32 $0xFFFFFC00  }
0x224: {  	_ =	swait.ge [sflag:s26], $0x4000  }
0x225: {  	[sflag:s26] =	ssyncset.done $0x0  }
0x226: {  	[sflag:s26] =	ssyncadd.s32 $0xFFFFC000  }
0x227: {  	_ =	swait.ge [sflag:s31], $0x4000  }
0x228: {  	[sflag:s31] =	ssyncset.done $0x0  }
0x229: {  	[sflag:s31] =	ssyncadd.s32 $0xFFFFC000  }
0x22a: {  	_ =	swait.ge [sflag:s11], $0x400  }
0x22b: {  	[sflag:s11] =	ssyncset.done $0x0  }
0x22c: {  	s4 =	simm.s32 $0x4C00;
	[sflag:s11] =	ssyncadd.s32 $0xFFFFFC00  }
0x22d: {  	[tilespmem:s12], [sflag:$0x1] =	stream.indirect.gather [spmem:s3], $0x10, s4, s24, $0xb8;
	[tilespmem:$0x1FF10] =	vst v63  }
0x22e: {  	_ = 	snop  }
0x22f: {  	[tilespmem:s13], [sflag:$0x3] =	stream.indirect.gather [spmem:s2], $0x1, s25, s24, $0xb8;
	[tilespmem:$0x1FF10] =	vst v63  }
0x230: {  	s10 =	simm.s32 $0x9800  }
0x231: {  	[spmem:s1] =	stream.indirect.scatter.add.f32 [tilespmem:s29], [sflag:$0x2], $0x10, s10, s24, $0xb8;
	[tilespmem:$0x1FF10] =	vst v63  }
0x232: {  	s5 =	simm.s32 $0x4800  }
0x233: {  	[spmem:s0] =	stream.indirect.scatter.add.f32 [tilespmem:s30], [sflag:$0x4], $0x1, s5, s24, $0xb8;
	[tilespmem:$0x1FF10] =	vst v63  }
0x234: {  	_ =	swait.ge [sflag:s21], $0x400  }
0x235: {  	[sflag:s21] =	ssyncset.done $0x0  }
0x236: {  	[sflag:s21] =	ssyncadd.s32 $0xFFFFFC00  }
0x237: {  	_ =	swait.ge [sflag:s26], $0x4000  }
0x238: {  	[sflag:s26] =	ssyncset.done $0x0  }
0x239: {  	[sflag:s26] =	ssyncadd.s32 $0xFFFFC000  }
0x23a: {  	_ =	swait.ge [sflag:s31], $0x4000  }
0x23b: {  	[sflag:s31] =	ssyncset.done $0x0  }
0x23c: {  	[sflag:s31] =	ssyncadd.s32 $0xFFFFC000  }
0x23d: {  	_ =	swait.ge [sflag:s11], $0x400  }
0x23e: {  	[sflag:s11] =	ssyncset.done $0x0  }
0x23f: {  	[sflag:s11] =	ssyncadd.s32 $0xFFFFFC00  }
0x240: {  	[spmem:s1] =	stream.indirect.scatter.add.f32 [tilespmem:s12], [sflag:$0x2], $0x10, s25, s24, $0xb8;
	[tilespmem:$0x1FF10] =	vst v63  }
0x241: {  	_ = 	snop  }
0x242: {  	[spmem:s0] =	stream.indirect.scatter.add.f32 [tilespmem:s13], [sflag:$0x4], $0x1, s4, s24, $0xb8;
	[tilespmem:$0x1FF10] =	vst v63  }
0x243: {  	_ =	swait.ge [sflag:s21], $0x400  }
0x244: {  	[sflag:s21] =	ssyncset.done $0x0  }
0x245: {  	[sflag:s21] =	ssyncadd.s32 $0xFFFFFC00  }
0x246: {  	_ =	swait.ge [sflag:s26], $0x4000  }
0x247: {  	[sflag:s26] =	ssyncset.done $0x0  }
0x248: {  	[sflag:s26] =	ssyncadd.s32 $0xFFFFC000  }
0x249: {  	[bflag:$0x0] =	sbarrier.arrive $0xFFFF  }
0x24a: {  	s19 =	rddreg [dreg:$0x9]  }
0x24b: {  	[tilespmem:s22], [sflag:$0x4] =	stream.linear.gather [spmem:s19], $0x2800, $0x38;
	[tilespmem:$0x1FF10] =	vst v63  }
0x24c: {  	_ =	swait.ge [sflag:s21], $0x2800  }
0x24d: {  	[sflag:s21] =	ssyncset.done $0x0  }
0x24e: {  	[sflag:s21] =	ssyncadd.s32 $0xFFFFD800  }
0x24f: {  	[tilespmem:s20], [sflag:$0x4] =	stream.linear.gather [spmem:s16], $0x280, $0x38;
	[tilespmem:$0x1FF10] =	vst v63  }
0x250: {  	_ =	swait.ge [sflag:s21], $0x280  }
0x251: {  	s6 =	simm.s32 $0x1A900;
	[sflag:s21] =	ssyncset.done $0x0  }
0x252: {  	s5 =	simm.s32 $0x0;
	s9 =	rddreg [dreg:$0xe];
	[sflag:s21] =	ssyncadd.s32 $0xFFFFFD80  }
0x253: {  	[tilespmem:s6], [sflag:$0x4] =	stream.linear.gather [hbm4b:s9+s5], $0x10, $0x38;
	[tilespmem:$0x1FF10] =	vst v63  }
0x254: {  	_ =	swait.ge [sflag:s21], $0x10  }
0x255: {  	[sflag:s21] =	ssyncset.done $0x0  }
0x256: {  	s15 =	simm.s32 $0x0;
	[sflag:s21] =	ssyncadd.s32 $0xFFFFFFF0  }
0x257: {  	v8 =	vld [tilespmem:s15+$0x1A280];
	_ =	sdelay $0x3  }
0x258: {  	v24 =	vld [tilespmem:s15+$0x1A000]  }
0x259: {  	s17 =	simm.s32 $0x12880;
	v4 =	vmul.f32 v8, v8  }
0x25a: {  	s18 =	simm.s32 $0x15080;
	v3 =	vld [tilespmem:s17+$0xFFFFFFA0];
	v2 =	vbroadcast v8, $0xF;
	v7 =	vbroadcast v8, $0x2  }
0x25b: {  	v5 =	vld [tilespmem:s18+$0xFFFFFFA0];
	v10 =	vbroadcast v8, $0xE;
	v11 =	vbroadcast v8, $0xB  }
0x25c: {  	v6 =	vld [tilespmem:s17+$0x60];
	v16 =	vbroadcast v8, $0xD;
	v22 =	vbroadcast v8, $0x6  }
0x25d: {  	v9 =	vld [tilespmem:s17+$0x50];
	v26 =	vbroadcast v8, $0xA;
	v24 =	vmul.f32 v24, v8  }
0x25e: {  	v14 =	vld [tilespmem:s17+$0xFFFFFF80];
	v27 =	vbroadcast v8, $0x8;
	v38 =	vbroadcast v8, $0x1  }
0x25f: {  	v18 =	vld [tilespmem:s17+$0xFFFFFFC0];
	v12 =	vbroadcast v4, $0x2;
	v7 =	vmul.f32 v3, v7  }
0x260: {  	v20 =	vld [tilespmem:s18+$0xFFFFFFD0];
	v15 =	vbroadcast v4, $0x9;
	v17 =	vbroadcast v4, $0x5  }
0x261: {  	v21 =	vld [tilespmem:s18+$0x50];
	v19 =	vbroadcast v4, $0x1;
	v13 =	vmul.f32 v6, v10  }
0x262: {  	v32 =	vld [tilespmem:s17+$0xFFFFFF90];
	v6 =	vbroadcast v8, $0x0;
	v10 =	vbroadcast v8, $0x3  }
0x263: {  	v37 =	vld [tilespmem:s18+$0xFFFFFFC0];
	v23 =	vbroadcast v4, $0x7;
	v9 =	vmul.f32 v9, v16  }
0x264: {  	v3 =	vld [tilespmem:s18+$0xFFFFFF90];
	v16 =	vbroadcast v4, $0xD;
	v29 =	vbroadcast v4, $0x8  }
0x265: {  	v61 =	vld [tilespmem:s17+$0x20];
	v30 =	vbroadcast v4, $0xA;
	v31 =	vbroadcast v4, $0x6  }
0x266: {  	v40 =	vld [tilespmem:s18+$0xFFFFFFB0];
	v33 =	vbroadcast v4, $0x0;
	v35 =	vbroadcast v4, $0x4  }
0x267: {  	v32 =	vmul.f32 v32, v38;
	v5 =	vmul.f32 v5, v12;
	v12 =	vld [tilespmem:s17+$0xFFFFFFB0]  }
0x268: {  	v55 =	vld [tilespmem:s18+$0x10];
	v58 =	vbroadcast v4, $0xE;
	v14 =	vmul.f32 v14, v6  }
0x269: {  	v6 =	vld [tilespmem:s17+$0x10];
	v19 =	vmul.f32 v3, v19;
	v3 =	vbroadcast v8, $0x4  }
0x26a: {  	v26 =	vmul.f32 v61, v26;
	v17 =	vmul.f32 v20, v17;
	v20 =	vld [tilespmem:s17+$0x0]  }
0x26b: {  	v16 =	vmul.f32 v21, v16;
	v18 =	vmul.f32 v18, v3;
	v3 =	vld [tilespmem:$0x1A900]  }
0x26c: {  	v25 =	vmul.f32 v12, v10;
	v12 =	vbroadcast v8, $0x9  }
0x26d: {  	v24 =	vadd.f32 v24, v4;
	v21 =	vbroadcast v4, $0x3;
	v35 =	vmul.f32 v37, v35  }
0x26e: {  	v15 =	vmul.f32 v55, v15;
	v10 =	vld [tilespmem:s18+$0xFFFFFFF0];
	v28 =	vmul.f32 v6, v12;
	v6 =	vadd.f32 v5, v7  }
0x26f: {  	p1 =	slt.u32 s7, $0x2710;
	v21 =	vmul.f32 v40, v21;
	v20 =	vmul.f32 v20, v27;
	v7 =	vld [tilespmem:s17+$0xFFFFFFE0]  }
0x270: {  	v19 =	vadd.f32 v19, v32;
	v5 =	vpsel !p1, $0x0, v24;
	v24 =	vld [tilespmem:s18+$0xFFFFFF80];
	v6 =	vadd.f32 v6, v3  }
0x271: {  	v36 =	vld [tilespmem:s17+$0xFFFFFFF0];
	v18 =	vadd.f32 v35, v18;
	v27 =	vbroadcast v5, $0x0;
	v12 =	vbroadcast v5, $0x2  }
0x272: {  	v34 =	vbroadcast v5, $0x1;
	v56 =	vbroadcast v5, $0x9;
	v6 =	vmax.f32 v6, $0.0e+00  }
0x273: {  	v57 =	vbroadcast v5, $0x3;
	v39 =	vmul.f32 v6, v12;
	v6 =	vadd.f32 v16, v9;
	v16 =	vld [tilespmem:s18+$0x0]  }
0x274: {  	v15 =	vadd.f32 v15, v28;
	v23 =	vmul.f32 v10, v23;
	v10 =	vbroadcast v8, $0x7  }
0x275: {  	v19 =	vadd.f32 v19, v3;
	v9 =	vmul.f32 v7, v22;
	v7 =	vmul.f32 v24, v33  }
0x276: {  	v41 =	vld [tilespmem:s18+$0xFFFFFFE0];
	v28 =	vbroadcast v5, $0x8;
	v15 =	vadd.f32 v15, v3;
	v36 =	vmul.f32 v36, v10  }
0x277: {  	v10 =	vbroadcast v5, $0xB;
	v60 =	vmax.f32 v19, $0.0e+00;
	v14 =	vadd.f32 v7, v14  }
0x278: {  	v12 =	vbroadcast v5, $0x5;
	v22 =	vimm.f32 $0.0e+00;
	v16 =	vmul.f32 v16, v29  }
0x279: {  	v15 =	vmax.f32 v15, $0.0e+00;
	v23 =	vadd.f32 v23, v36;
	v14 =	vadd.f32 v14, v3  }
0x27a: {  	v24 =	vbroadcast v5, $0x7;
	v19 =	vmul.f32 v15, v56;
	v16 =	vadd.f32 v16, v20  }
0x27b: {  	v23 =	vadd.f32 v23, v3;
	v29 =	vmax.f32 v14, $0.0e+00;
	v20 =	vmul.f32 v41, v31  }
0x27c: {  	v27 =	vmul.f32 v29, v27;
	v29 =	vadd.f32 v16, v3;
	v16 =	vadd.f32 v21, v25;
	v25 =	vld [tilespmem:s17+$0xFFFFFFD0]  }
0x27d: {  	v7 =	vbroadcast v5, $0xC;
	v23 =	vmax.f32 v23, $0.0e+00;
	v14 =	vbroadcast v5, $0xE  }
0x27e: {  	v9 =	vadd.f32 v20, v9;
	v59 =	vadd.f32 v16, v3;
	v16 =	vmul.f32 v23, v24  }
0x27f: {  	v23 =	vadd.f32 v18, v3;
	v24 =	vbroadcast v8, $0x5;
	v18 =	vmax.f32 v29, $0.0e+00  }
0x280: {  	v6 =	vadd.f32 v6, v3;
	v21 =	vbroadcast v5, $0x4;
	v18 =	vmul.f32 v18, v28;
	v28 =	vld [tilespmem:s18+$0x60]  }
0x281: {  	v15 =	vadd.f32 v27, v22;
	v29 =	vld [tilespmem:s18+$0x20];
	v9 =	vadd.f32 v9, v3;
	v24 =	vmul.f32 v25, v24  }
0x282: {  	v27 =	vbroadcast v5, $0x6;
	v23 =	vmax.f32 v23, $0.0e+00;
	v25 =	vmul.f32 v60, v34  }
0x283: {  	v9 =	vmax.f32 v9, $0.0e+00;
	v22 =	vmul.f32 v23, v21;
	v23 =	vld [tilespmem:s18+$0x30];
	v17 =	vadd.f32 v17, v24  }
0x284: {  	v62 =	vld [tilespmem:s17+$0x30];
	v20 =	vmax.f32 v59, $0.0e+00;
	v21 =	vmul.f32 v9, v27;
	v15 =	vadd.f32 v25, v15  }
0x285: {  	v25 =	vmul.f32 v20, v57;
	v27 =	vmul.f32 v28, v58;
	v17 =	vadd.f32 v17, v3  }
0x286: {  	v9 =	vld [tilespmem:s17+$0x70];
	v29 =	vmul.f32 v29, v30;
	v28 =	vbroadcast v4, $0xB;
	v15 =	vadd.f32 v39, v15  }
0x287: {  	v20 =	vld [tilespmem:s17+$0x40];
	v63 =	vadd.f32 v27, v13;
	v13 =	vbroadcast v8, $0xC;
	v24 =	vmax.f32 v17, $0.0e+00  }
0x288: {  	s9 =	simm.s32 $0x40;
	v17 =	vbroadcast v5, $0xD;
	v27 =	vadd.f32 v25, v15;
	v25 =	vmul.f32 v23, v28;
	v23 =	vld [tilespmem:s18+$0x40]  }
0x289: {  	s5 =	simm.s32 $0x12980;
	s15 =	simm.s32 $0x15180;
	s17 =	smov.u32 s7;
	v15 =	vadd.f32 v29, v26;
	v26 =	vmul.f32 v62, v11;
	v11 =	vld [tilespmem:s18+$0x70];
	v8 =	vadd.f32 v63, v3  }
.LBB2_14:
0x28a: {  	s4 =	sshra.s32 s9, $0x2  }
0x28b: {  	v28 =	vld [tilespmem:s5+$0xFFFFFFC0];
	v22 =	vadd.f32 v22, v27;
	v12 =	vmul.f32 v24, v12;
	v24 =	vbroadcast v4, $0xC;
	s17 =	sadd.s32 $0x10, s17;
	s6 =	smov.u32 s9;
	s18 =	sadd.s32 $0x40, s9  }
0x28c: {  	p1 =	sne.s32 s9, $0x9C0;
	v4 =	vbroadcast v4, $0xF;
	v27 =	vld [tilespmem:s5+$0x60];
	v25 =	vadd.f32 v25, v26;
	v26 =	vmax.f32 v8, $0.0e+00  }
0x28d: {  	v8 =	vld [tilespmem:s5+$0x30];
	v12 =	vadd.f32 v12, v22;
	v13 =	vmul.f32 v20, v13;
	v22 =	vmul.f32 v26, v14  }
0x28e: {  	v20 =	vbroadcast v5, $0xA;
	v26 =	vld [tilespmem:s15+$0x50];
	v14 =	vadd.f32 v25, v3;
	v23 =	vmul.f32 v23, v24  }
0x28f: {  	v24 =	vld [tilespmem:s5+$0x50];
	v12 =	vadd.f32 v21, v12;
	v4 =	vmul.f32 v11, v4  }
0x290: {  	v15 =	vadd.f32 v15, v3;
	v2 =	vmul.f32 v9, v2;
	v11 =	vld [tilespmem:s4+$0x1A280];
	v14 =	vmax.f32 v14, $0.0e+00  }
0x291: {  	v13 =	vadd.f32 v23, v13;
	v9 =	vld [tilespmem:s5+$0xFFFFFFA0];
	v12 =	vadd.f32 v16, v12;
	v10 =	vmul.f32 v14, v10  }
0x292: {  	v6 =	vmax.f32 v6, $0.0e+00;
	v5 =	vbroadcast v5, $0xF;
	v14 =	vld [tilespmem:s15+$0xFFFFFFC0]  }
0x293: {  	v15 =	vmax.f32 v15, $0.0e+00;
	v16 =	vld [tilespmem:s15+$0xFFFFFFA0];
	v12 =	vadd.f32 v18, v12;
	v18 =	vadd.f32 v4, v2  }
0x294: {  	v6 =	vmul.f32 v6, v17;
	v15 =	vmul.f32 v15, v20;
	v20 =	vadd.f32 v13, v3;
	v21 =	vld [tilespmem:s5+$0xFFFFFF80]  }
0x295: {  	v4 =	vmul.f32 v11, v11;
	v23 =	vld [tilespmem:s5+$0xFFFFFFB0];
	v2 =	vbroadcast v11, $0xF;
	v12 =	vadd.f32 v19, v12  }
0x296: {  	v17 =	vbroadcast v11, $0x2;
	v25 =	vbroadcast v11, $0xE;
	v18 =	vadd.f32 v18, v3;
	v19 =	vld [tilespmem:s5+$0xFFFFFF90]  }
0x297: {  	v20 =	vmax.f32 v20, $0.0e+00;
	v13 =	vbroadcast v11, $0xB;
	v29 =	vbroadcast v4, $0x2;
	v30 =	vld [tilespmem:s15+$0xFFFFFFB0]  }
0x298: {  	v9 =	vmul.f32 v9, v17;
	v12 =	vadd.f32 v15, v12;
	v15 =	vmax.f32 v18, $0.0e+00;
	v31 =	vld [tilespmem:s5+$0xFFFFFFE0]  }
0x299: {  	v7 =	vmul.f32 v20, v7;
	v16 =	vmul.f32 v16, v29;
	v18 =	vld [tilespmem:s15+$0xFFFFFFE0]  }
0x29a: {  	v33 =	vbroadcast v11, $0xD;
	v32 =	vbroadcast v4, $0x9;
	v10 =	vadd.f32 v10, v12;
	v29 =	vld [tilespmem:s15+$0xFFFFFF90]  }
0x29b: {  	v5 =	vmul.f32 v15, v5;
	v12 =	vbroadcast v4, $0x5;
	v9 =	vadd.f32 v16, v9;
	v16 =	vld [tilespmem:s5+$0x10]  }
0x29c: {  	v34 =	vbroadcast v4, $0x1;
	v15 =	vmul.f32 v27, v25;
	v7 =	vadd.f32 v7, v10;
	v17 =	vld [tilespmem:s15+$0x20]  }
0x29d: {  	v25 =	vbroadcast v11, $0x3;
	v10 =	vbroadcast v11, $0x0;
	v9 =	vadd.f32 v9, v3;
	v27 =	vld [tilespmem:s15+$0xFFFFFFD0]  }
0x29e: {  	v35 =	vbroadcast v11, $0x6;
	v36 =	vbroadcast v4, $0x7;
	v6 =	vadd.f32 v6, v7;
	v20 =	vld [tilespmem:s5+$0x20]  }
0x29f: {  	v10 =	vmul.f32 v21, v10;
	v7 =	vld [tilespmem:s4+$0x1A000];
	v21 =	vmul.f32 v29, v34;
	v29 =	vmax.f32 v9, $0.0e+00  }
0x2a0: {  	v24 =	vmul.f32 v24, v33;
	v23 =	vmul.f32 v23, v25;
	v6 =	vadd.f32 v22, v6;
	v9 =	vld [tilespmem:s5+$0x70]  }
0x2a1: {  	v33 =	vbroadcast v11, $0x9;
	v22 =	vbroadcast v11, $0x4;
	v25 =	vld [tilespmem:s15+$0xFFFFFFF0]  }
0x2a2: {  	v34 =	vadd.f32 v5, v6;
	v27 =	vmul.f32 v27, v12;
	v12 =	vbroadcast v4, $0xD  }
0x2a3: {  	v22 =	vmul.f32 v28, v22;
	v28 =	vbroadcast v11, $0xA;
	v6 =	vld [tilespmem:s5+$0x0]  }
0x2a4: {  	v5 =	vmul.f32 v7, v11;
	v7 =	vmul.f32 v26, v12  }
0x2a5: {  	v26 =	vbroadcast v4, $0x3;
	v12 =	vbroadcast v11, $0x8  }
0x2a6: {  	v16 =	vmul.f32 v16, v33;
	v5 =	vadd.f32 v5, v4;
	v25 =	vmul.f32 v25, v36  }
0x2a7: {  	p2 =	slt.u32 s17, $0x2710;
	v33 =	vbroadcast v4, $0x8;
	v36 =	vbroadcast v4, $0xA;
	v7 =	vadd.f32 v7, v24  }
0x2a8: {  	v24 =	vbroadcast v11, $0x7;
	v5 =	vpsel !p2, $0x0, v5;
	v37 =	vmul.f32 v6, v12  }
0x2a9: {  	v40 =	vbroadcast v4, $0x6;
	v6 =	vadd.f32 v7, v3;
	v38 =	vld [tilespmem:s15+$0xFFFFFF80];
	v39 =	vbroadcast v5, $0x0  }
0x2aa: {  	v7 =	vbroadcast v4, $0x0;
	v12 =	vbroadcast v5, $0x2  }
0x2ab: {  	v42 =	vbroadcast v4, $0x4;
	v41 =	vbroadcast v5, $0x1;
	v43 =	vld [tilespmem:s5+$0xFFFFFFF0]  }
0x2ac: {  	v44 =	vbroadcast v11, $0x1;
	v29 =	vmul.f32 v29, v12  }
0x2ad: {  	v31 =	vmul.f32 v31, v35;
	v12 =	vbroadcast v5, $0x5;
	v35 =	vld [tilespmem:s15+$0x0]  }
0x2ae: {  	v7 =	vmul.f32 v38, v7;
	v38 =	vbroadcast v5, $0x7  }
0x2af: {  	v19 =	vmul.f32 v19, v44;
	v45 =	vbroadcast v5, $0x9;
	v44 =	vld [tilespmem:s15+$0x10]  }
0x2b0: {  	v46 =	vadd.f32 v7, v10;
	v24 =	vmul.f32 v43, v24;
	v10 =	vbroadcast v5, $0xB  }
0x2b1: {  	v19 =	vadd.f32 v21, v19;
	v21 =	vbroadcast v5, $0x3;
	v7 =	vbroadcast v5, $0xC  }
0x2b2: {  	v42 =	vmul.f32 v14, v42;
	v43 =	vadd.f32 v46, v3;
	v14 =	vmul.f32 v35, v33  }
0x2b3: {  	v19 =	vadd.f32 v19, v3;
	v26 =	vmul.f32 v30, v26;
	v24 =	vadd.f32 v25, v24  }
0x2b4: {  	v25 =	vmax.f32 v43, $0.0e+00;
	v30 =	vadd.f32 v14, v37;
	v32 =	vmul.f32 v44, v32  }
0x2b5: {  	v18 =	vmul.f32 v18, v40;
	v24 =	vadd.f32 v24, v3;
	v14 =	vbroadcast v5, $0xE  }
0x2b6: {  	v22 =	vadd.f32 v42, v22;
	v25 =	vmul.f32 v25, v39;
	v30 =	vadd.f32 v30, v3  }
0x2b7: {  	v23 =	vadd.f32 v26, v23;
	v26 =	vbroadcast v5, $0x4;
	v32 =	vadd.f32 v32, v16  }
0x2b8: {  	v35 =	vbroadcast v4, $0xE;
	v16 =	vmax.f32 v24, $0.0e+00;
	v24 =	vbroadcast v5, $0x8;
	v33 =	vld [tilespmem:s5+$0xFFFFFFD0]  }
0x2b9: {  	v23 =	vadd.f32 v23, v3;
	v16 =	vmul.f32 v16, v38;
	v32 =	vadd.f32 v32, v3  }
0x2ba: {  	v22 =	vadd.f32 v22, v3;
	v37 =	vbroadcast v11, $0x5;
	v30 =	vmax.f32 v30, $0.0e+00  }
0x2bb: {  	v38 =	vmax.f32 v19, $0.0e+00;
	v19 =	vadd.f32 v18, v31;
	v18 =	vmul.f32 v30, v24  }
0x2bc: {  	v22 =	vmax.f32 v22, $0.0e+00;
	v23 =	vmax.f32 v23, $0.0e+00;
	v24 =	vmax.f32 v32, $0.0e+00;
	v30 =	vld [tilespmem:s15+$0x60]  }
0x2bd: {  	v32 =	vadd.f32 v19, v3;
	v19 =	vmul.f32 v24, v45;
	v31 =	vmul.f32 v33, v37  }
0x2be: {  	v24 =	vadd.f32 v25, v34;
	v25 =	vmul.f32 v38, v41;
	v33 =	vbroadcast v5, $0x6  }
0x2bf: {  	v22 =	vmul.f32 v22, v26;
	v26 =	vadd.f32 v27, v31;
	v27 =	vmax.f32 v32, $0.0e+00;
	v31 =	vld [tilespmem:s15+$0x30]  }
0x2c0: {  	v23 =	vmul.f32 v23, v21;
	v24 =	vadd.f32 v25, v24;
	v21 =	vmul.f32 v27, v33  }
.Ltmp6:
0x2c1: {  	v25 =	vadd.f32 v26, v3;
	v26 =	vmul.f32 v17, v36;
	v27 =	vmul.f32 v30, v35;
	(pc) =	sbr.rel @p1 .LBB2_14-.Ltmp6, $4  }
0x2c2: {  	v28 =	vmul.f32 v20, v28;
	v29 =	vadd.f32 v29, v24;
	v30 =	vbroadcast v4, $0xB  }
0x2c3: {  	v17 =	vbroadcast v5, $0xD;
	v24 =	vmax.f32 v25, $0.0e+00;
	v20 =	vld [tilespmem:s5+$0x40];
	v32 =	vadd.f32 v27, v15  }
0x2c4: {  	v27 =	vadd.f32 v23, v29;
	v15 =	vadd.f32 v26, v28;
	v25 =	vmul.f32 v31, v30;
	v23 =	vld [tilespmem:s15+$0x40]  }
0x2c5: {  	s9 =	smov.u32 s18;
	v26 =	vmul.f32 v8, v13;
	v13 =	vbroadcast v11, $0xC;
	s5 =	sadd.s32 $0x100, s5;
	v8 =	vadd.f32 v32, v3;
	v11 =	vld [tilespmem:s15+$0x70];
	s15 =	sadd.s32 $0x100, s15  }
0x2c6: {  	v22 =	vadd.f32 v22, v27;
	v12 =	vmul.f32 v24, v12;
	_ =	sdelay $0x1  }
0x2c7: {  	v12 =	vadd.f32 v12, v22;
	_ =	sdelay $0x1  }
0x2c8: {  	v12 =	vadd.f32 v21, v12  }
0x2c9: {  	v51 =	vbroadcast v4, $0xC  }
0x2ca: {  	v15 =	vadd.f32 v15, v3;
	v12 =	vadd.f32 v16, v12  }
0x2cb: {  	v52 =	vadd.f32 v25, v26;
	v13 =	vmul.f32 v20, v13;
	v53 =	vmul.f32 v23, v51  }
0x2cc: {  	v54 =	vbroadcast v5, $0xA;
	v12 =	vadd.f32 v18, v12  }
0x2cd: {  	v15 =	vmax.f32 v15, $0.0e+00;
	v55 =	vadd.f32 v52, v3;
	v13 =	vadd.f32 v53, v13  }
0x2ce: {  	v15 =	vmul.f32 v15, v54;
	v12 =	vadd.f32 v19, v12  }
0x2cf: {  	v56 =	vbroadcast v4, $0xF;
	v57 =	vmax.f32 v55, $0.0e+00;
	v13 =	vadd.f32 v13, v3  }
0x2d0: {  	v10 =	vmul.f32 v57, v10;
	v12 =	vadd.f32 v15, v12  }
0x2d1: {  	v2 =	vmul.f32 v9, v2;
	v4 =	vmul.f32 v11, v56;
	v58 =	vmax.f32 v13, $0.0e+00  }
0x2d2: {  	v7 =	vmul.f32 v58, v7;
	v59 =	vadd.f32 v10, v12  }
0x2d3: {  	v6 =	vmax.f32 v6, $0.0e+00;
	v2 =	vadd.f32 v4, v2  }
0x2d4: {  	v60 =	vmul.f32 v6, v17;
	v61 =	vadd.f32 v7, v59  }
0x2d5: {  	v62 =	vmax.f32 v8, $0.0e+00;
	v2 =	vadd.f32 v2, v3  }
0x2d6: {  	v63 =	vbroadcast v5, $0xF;
	v3 =	vmul.f32 v62, v14;
	v4 =	vadd.f32 v60, v61  }
0x2d7: {  	v2 =	vmax.f32 v2, $0.0e+00  }
0x2d8: {  	v2 =	vmul.f32 v2, v63;
	v3 =	vadd.f32 v3, v4;
	_ =	sdelay $0x1  }
0x2d9: {  	v2 =	vadd.f32 v2, v3;
	_ =	sdelay $0x1  }
0x2da: {  	s4 =	rddreg [dreg:$0xf];
	s5 =	simm.s32 $0x1A910;
	[tilespmem:$0x1A910] =	vst v2  }
0x2db: {  	[spmem:s4] =	stream.linear.scatter [tilespmem:s5], [sflag:$0x4], $0x10, $0x38;
	[tilespmem:$0x1FF10] =	vst v63  }
0x2dc: {  	_ =	swait.ge [sflag:s21], $0x10  }
0x2dd: {  	[sflag:s21] =	ssyncset.done $0x0  }
0x2de: {  	[sflag:s21] =	ssyncadd.s32 $0xFFFFFFF0  }
0x2df: {  	[bflag:$0x0] =	sbarrier.arrive $0xFFFF  }
0x2e0: {  	s4 =	simm.s32 @!p0 $0x1A900;
	s5 =	rddreg [dreg:$0x6]  }
0x2e1: {  	[tilespmem:s4], [sflag:$0x4] =	stream.linear.gather @!p0 [spmem:s5], $0x100, $0x38;
	[tilespmem:$0x1FF10] =	vst v63  }
0x2e2: {  	s5 =	simm.s32 @!p0 $0x4  }
0x2e3: {  	_ =	swait.ge @!p0 [sflag:s5], $0x100  }
0x2e4: {  	[sflag:s5] =	ssyncset.done @!p0 $0x0  }
0x2e5: {  	[sflag:s5] =	ssyncadd.s32 @!p0 $0xFFFFFF00  }
0x2e6: {  	v2 =	vld @!p0 [tilespmem:$0x1A900]  }
0x2e7: {  	v3 =	vld @!p0 [tilespmem:$0x1A910];
	_ =	sdelay $0x1  }
0x2e8: {  	v4 =	vld @!p0 [tilespmem:$0x1A920];
	_ =	sdelay $0x1  }
0x2e9: {  	v5 =	vld @!p0 [tilespmem:$0x1A930]  }
0x2ea: {  	v2 =	vadd.f32 @!p0 v3, v2  }
0x2eb: {  	v3 =	vld @!p0 [tilespmem:$0x1A940]  }
0x2ec: {  	v2 =	vadd.f32 @!p0 v4, v2  }
0x2ed: {  	v4 =	vld @!p0 [tilespmem:$0x1A950]  }
0x2ee: {  	v2 =	vadd.f32 @!p0 v5, v2  }
0x2ef: {  	v5 =	vld @!p0 [tilespmem:$0x1A960]  }
0x2f0: {  	v2 =	vadd.f32 @!p0 v3, v2  }
0x2f1: {  	v3 =	vld @!p0 [tilespmem:$0x1A970]  }
0x2f2: {  	v2 =	vadd.f32 @!p0 v4, v2  }
0x2f3: {  	v4 =	vld @!p0 [tilespmem:$0x1A980]  }
0x2f4: {  	v2 =	vadd.f32 @!p0 v5, v2  }
0x2f5: {  	v5 =	vld @!p0 [tilespmem:$0x1A990]  }
0x2f6: {  	v2 =	vadd.f32 @!p0 v3, v2  }
0x2f7: {  	v3 =	vld @!p0 [tilespmem:$0x1A9A0]  }
0x2f8: {  	v2 =	vadd.f32 @!p0 v4, v2  }
0x2f9: {  	v4 =	vld @!p0 [tilespmem:$0x1A9B0]  }
0x2fa: {  	v2 =	vadd.f32 @!p0 v5, v2  }
0x2fb: {  	v5 =	vld @!p0 [tilespmem:$0x1A9C0]  }
0x2fc: {  	v2 =	vadd.f32 @!p0 v3, v2  }
0x2fd: {  	v3 =	vld @!p0 [tilespmem:$0x1A9D0]  }
0x2fe: {  	v2 =	vadd.f32 @!p0 v4, v2  }
0x2ff: {  	v4 =	vld @!p0 [tilespmem:$0x1A9E0]  }
0x300: {  	v2 =	vadd.f32 @!p0 v5, v2  }
0x301: {  	v5 =	vld @!p0 [tilespmem:$0x1A9F0]  }
0x302: {  	v2 =	vadd.f32 @!p0 v3, v2;
	_ =	sdelay $0x1  }
0x303: {  	v2 =	vadd.f32 @!p0 v4, v2;
	_ =	sdelay $0x1  }
0x304: {  	v2 =	vadd.f32 @!p0 v5, v2;
	_ =	sdelay $0x1  }
0x305: {  	s6 =	simm.s32 @!p0 $0x0;
	s9 =	rddreg [dreg:$0x10];
	[tilespmem:$0x1A900] =	vst @!p0 v2  }
0x306: {  	[hbm4b:s9+s6] =	stream.linear.scatter @!p0 [tilespmem:s4], [sflag:$0x4], $0x10, $0x38;
	[tilespmem:$0x1FF10] =	vst v63  }
0x307: {  	_ =	swait.ge @!p0 [sflag:s5], $0x10  }
0x308: {  	s17 =	rddreg [dreg:$0x12]  }
0x309: {  	s18 =	rddreg [dreg:$0x11];
	s6 =	sadd.s32 $0x1, s17  }
0x30a: {  	p1 =	sne.s32 s6, s18  }
.Ltmp7:
0x30b: {  	_ = 	snop;
	(pc) =	sbr.rel @p1 .LBB2_1-.Ltmp7, $3  }
0x30c: {  	_ =	sdelay $0x1  }
0x30d: {  	[sflag:s5] =	ssyncset.done @!p0 $0x0  }
0x30e: {  	[sflag:s5] =	ssyncadd.s32 @!p0 $0xFFFFFFF0  }
0x30f: {  	_ =	sfence.sel $0x180000  }
0x310: {  	[bflag:$0x0] =	sbarrier.arrive $0xFFFF  }
0x311: {  	_ =	strace $0x90000047  }
0x312: {  	[bflag:$0x2] =	sbarrier.arrive $0xFFFF  }
0x313: {  	s0 =	rddreg [dreg:$0x7]  }
0x314: {  	s0 =	sadd.s32 @!p0 $0x100000, s0  }
0x315: {  	[sflag:s0] =	ssyncadd.tile.s32 @!p0 $0x1;
	_ =	shalt  }
.Lfunc_end2:
_tile_overlayer_lowered:
.L_overlay_start_2:
0x316: {  	(tag) =	ssettag $0x2  }
0x317: {  	s0 =	rddreg [dreg:$0x0];
	s2 =	stileid.u32  }
0x318: {  	s1 =	rddreg [dreg:$0x1];
	p0 =	sne.s32 s2, $0x0  }
0x319: {  	s3 =	rddreg [dreg:$0x2];
	[bflag:$0x3] =	sbarrier.arrive $0xFFFF;
	s2 =	simm.s32 @!p0 $0x1C04  }
0x31a: {  	[timem:s3], [sflag:s2] =	dma.local @!p0 [hbm:s0], s1  }
0x31b: {  	s0 =	simm.s32 @!p0 $0x4  }
0x31c: {  	_ =	swait.ge @!p0 [sflag:s0], s1  }
0x31d: {  	s1 =	ssub.s32 @!p0 $0x0, s1;
	[sflag:s0] =	ssyncset.done @!p0 $0x0  }
0x31e: {  	[sflag:s0] =	ssyncadd.s32 @!p0 s1  }
0x31f: {  	[bflag:$0x3] =	sbarrier.arrive $0xFFFF  }
0x320: {  	_ =	shalt  }

</sc_bundles>
